<compile_context>
chip_gen: v7x
topology: tpu7x:2x2x1
jax: 0.10.2.dev20260603
libtpu: 0.0.44.dev20260713+nightly
codegen_flags: <defaults>
</compile_context>

<pallas_src>
import functools

import jax
import jax.numpy as jnp
from jax import lax
from jax.experimental import pallas as pl
from jax.experimental.pallas import tpu as pltpu
from jax.experimental.pallas import tpu_sc as plsc

NUM_EMB = 1_000_000
D = 64
B = 16384

_info = plsc.get_sparse_core_info()
_NC, _NS, _L = _info.num_cores, _info.num_subcores, _info.num_lanes
_NW = _NC * _NS
_BPW = B // _NW
_G = _BPW // _L

_mesh = plsc.VectorSubcoreMesh(core_axis_name="c", subcore_axis_name="s")


@functools.partial(
    pl.kernel,
    mesh=_mesh,
    out_type=jax.ShapeDtypeStruct((B, D), jnp.float32),
    scratch_types=[
        pltpu.VMEM((_BPW,), jnp.int32),
        pltpu.VMEM((2, _L, 8, D), jnp.float32),
        pltpu.VMEM((_BPW, D), jnp.float32),
        pltpu.VMEM((D,), jnp.float32),
        pltpu.SemaphoreType.DMA((2,)),
    ],
    compiler_params=pltpu.CompilerParams(
        use_tc_tiling_on_sc=True,
        needs_layout_passes=False,
        skip_device_barrier=True,
    ),
)
def _kb_lookup(idx_hbm, t_hbm, rel_hbm, out_hbm,
               idx_v, tile_v, rows_v, rel_v, sem):
    wid = lax.axis_index("s") * _NC + lax.axis_index("c")
    base = wid * _BPW

    pltpu.sync_copy(idx_hbm.at[pl.ds(base, _BPW)], idx_v)
    pltpu.sync_copy(rel_hbm, rel_v)

    rel_c = [rel_v[pl.ds(c * _L, _L)] for c in range(D // _L)]
    lane = lax.iota(jnp.int32, _L)

    def issue_group(g, slot):
        v = idx_v[pl.ds(g * _L, _L)]
        vt = lax.shift_left(lax.shift_right_logical(v, 3), 3)
        for j in range(_L):
            rt = lax.reduce_max(
                jnp.where(lane == j, vt, jnp.int32(0)), axes=(0,)
            )
            rt = pl.multiple_of(rt, 8)
            pltpu.async_copy(
                t_hbm.at[pl.ds(rt, 8)], tile_v.at[slot, j], sem.at[slot]
            )

    issue_group(0, 0)

    def grp_body(g, carry):
        slot = lax.rem(g, 2)

        @pl.when(g + 1 < _G)
        def _():
            issue_group(g + 1, lax.rem(g + 1, 2))

        for j in range(_L):
            pltpu.make_async_copy(
                t_hbm.at[pl.ds(0, 8)], tile_v.at[slot, j], sem.at[slot]
            ).wait()

        v = idx_v[pl.ds(g * _L, _L)]
        sub = lax.bitwise_and(v, 7)
        slot_vec = lax.broadcast(slot, (_L,))
        for j in range(_L):
            j_vec = lax.broadcast(jnp.int32(j), (_L,))
            s_scalar = lax.reduce_max(
                jnp.where(lane == j, sub, jnp.int32(0)), axes=(0,)
            )
            s_vec = lax.broadcast(s_scalar, (_L,))
            for c in range(D // _L):
                col = (c * _L) + lane
                vals = plsc.load_gather(
                    tile_v, [slot_vec, j_vec, s_vec, col]
                )
                rows_v[g * _L + j, pl.ds(c * _L, _L)] = vals + rel_c[c]
        return carry

    lax.fori_loop(0, _G, grp_body, 0)

    pltpu.sync_copy(rows_v, out_hbm.at[pl.ds(base, _BPW)])


def kernel(entity_idx, entity_table, relation_embedding):
    return _kb_lookup(
        entity_idx.astype(jnp.int32), entity_table, relation_embedding
    )

# --- scband reference (transcript-rebuilt; emitter-appended) ---
"""Pipeline reference for scband-simple-kbmodel-67302137528718 (READ-ONLY COPY).

The authoritative reference and input builder live on the scoring server;
editing this copy changes nothing except your own understanding.
"""

import jax, jax.numpy as jnp
import numpy as np

NUM_EMBEDDINGS = 1000000
EMBED_DIM = 64
BATCH = 16384

def setup_inputs(seed: int = 0) -> dict:
    key = jax.random.key(seed)
    k1, k2, k3 = jax.random.split(key, 3)
    entity_idx = jax.random.randint(k1, (BATCH,), 0, NUM_EMBEDDINGS)
    entity_table = jax.random.normal(k2, (NUM_EMBEDDINGS, EMBED_DIM), dtype=jnp.float32)
    relation_embedding = jax.random.normal(k3, (EMBED_DIM,), dtype=jnp.float32)
    return {"entity_idx": entity_idx, "entity_table": entity_table, "relation_embedding": relation_embedding}

def reference(entity_idx, entity_table, relation_embedding):
    # SimpleKBModel.forward: embedding lookup + relation vector (TransE-style translation)
    entity_vec = jnp.take(entity_table, entity_idx, axis=0)
    return entity_vec + relation_embedding

if __name__ == "__main__":
    import jax
    _d = setup_inputs()
    print(jax.jit(kernel)(*tuple(_d.values())))

</pallas_src>

<mosaic_0001>
#map = affine_map<(d0, d1) -> (0)>
#map1 = affine_map<(d0, d1) -> (0, 0)>
module attributes {stable_mosaic.version = 14 : i64} {
  func.func @_kb_lookup(%arg0: i32, %arg1: i32, %arg2: memref<16384xi32, #tpu.memory_space<hbm>>, %arg3: memref<1000000x64xf32, #tpu.memory_space<hbm>>, %arg4: memref<64xf32, #tpu.memory_space<hbm>>, %arg5: memref<16384x64xf32, #tpu.memory_space<hbm>>, %arg6: memref<512xi32, #tpu.memory_space<vmem>>, %arg7: memref<2x16x8x64xf32, #tpu.memory_space<vmem>>, %arg8: memref<512x64xf32, #tpu.memory_space<vmem>>, %arg9: memref<64xf32, #tpu.memory_space<vmem>>, %arg10: memref<2x!tpu.dma_semaphore, #tpu.memory_space<semaphore_mem>>) attributes {dimension_semantics = [#tpu.dimension_semantics<core_parallel>, #tpu.dimension_semantics<subcore_parallel>], iteration_bounds = array<i64: 2, 16>, scalar_prefetch = 0 : i64, scratch_operands = 5 : i64, tpu.core_type = #tpu.core_type<sc_vector_subcore>, window_params = [{transform_indices = #map}, {transform_indices = #map1}, {transform_indices = #map}, {transform_indices = #map1}]} {
    %mul3A = arith.constant 2 : i32
    %mul3A_0 = arith.muli %arg1, %mul3A : i32
    %add3A = arith.addi %mul3A_0, %arg0 : i32
    %mul3A_1 = arith.constant 512 : i32
    %mul3A_2 = arith.muli %add3A, %mul3A_1 : i32
    "tpu.region"() ({
      %run_scoped3A = tpu.sem_alloc : memref<!tpu.dma_semaphore, #tpu.memory_space<semaphore_mem>>
      %dma_start3A_526 = tpu.memref_slice %arg2[%mul3A_2] : memref<16384xi32, #tpu.memory_space<hbm>> -> memref<512xi32, #tpu.memory_space<hbm>>
      %dma_start3A_527 = tpu.memref_slice %arg2[%mul3A_2] : memref<16384xi32, #tpu.memory_space<hbm>> -> memref<512xi32, #tpu.memory_space<hbm>>
      tpu.enqueue_dma source(%dma_start3A_527 : memref<512xi32, #tpu.memory_space<hbm>>) target(%arg6 : memref<512xi32, #tpu.memory_space<vmem>>) target_semaphore(%run_scoped3A : memref<!tpu.dma_semaphore, #tpu.memory_space<semaphore_mem>>)
      %dma_wait3A = tpu.memref_slice %arg2[%mul3A_2] : memref<16384xi32, #tpu.memory_space<hbm>> -> memref<512xi32, #tpu.memory_space<hbm>>
      %dma_wait3A_528 = tpu.memref_slice %arg2[%mul3A_2] : memref<16384xi32, #tpu.memory_space<hbm>> -> memref<512xi32, #tpu.memory_space<hbm>>
      tpu.wait_dma2 semaphore(%run_scoped3A : memref<!tpu.dma_semaphore, #tpu.memory_space<semaphore_mem>>) src(%dma_wait3A_528 : memref<512xi32, #tpu.memory_space<hbm>>) dst(%arg6 : memref<512xi32, #tpu.memory_space<vmem>>)
      tpu.yield
    }) : () -> ()
    "tpu.region"() ({
      %run_scoped3A = tpu.sem_alloc : memref<!tpu.dma_semaphore, #tpu.memory_space<semaphore_mem>>
      tpu.enqueue_dma source(%arg4 : memref<64xf32, #tpu.memory_space<hbm>>) target(%arg9 : memref<64xf32, #tpu.memory_space<vmem>>) target_semaphore(%run_scoped3A : memref<!tpu.dma_semaphore, #tpu.memory_space<semaphore_mem>>)
      tpu.wait_dma2 semaphore(%run_scoped3A : memref<!tpu.dma_semaphore, #tpu.memory_space<semaphore_mem>>) src(%arg4 : memref<64xf32, #tpu.memory_space<hbm>>) dst(%arg9 : memref<64xf32, #tpu.memory_space<vmem>>)
      tpu.yield
    }) : () -> ()
    %get3A = arith.constant 0 : index
    %get3A_3 = tpu.vector_load %arg9[%get3A] {strides = array<i32>} : memref<64xf32, #tpu.memory_space<vmem>>, vector<16xf32>,
    %get3A_4 = arith.constant 16 : index
    %get3A_5 = tpu.vector_load %arg9[%get3A_4] {strides = array<i32>} : memref<64xf32, #tpu.memory_space<vmem>>, vector<16xf32>,
    %get3A_6 = arith.constant 32 : index
    %get3A_7 = tpu.vector_load %arg9[%get3A_6] {strides = array<i32>} : memref<64xf32, #tpu.memory_space<vmem>>, vector<16xf32>,
    %get3A_8 = arith.constant 48 : index
    %get3A_9 = tpu.vector_load %arg9[%get3A_8] {strides = array<i32>} : memref<64xf32, #tpu.memory_space<vmem>>, vector<16xf32>,
    %iota3A = tpu.iota {dimensions = array<i32: 0>} : vector<16xi32>
    %get3A_10 = arith.constant 0 : index
    %get3A_11 = tpu.vector_load %arg6[%get3A_10] {strides = array<i32>} : memref<512xi32, #tpu.memory_space<vmem>>, vector<16xi32>,
    %shift_right_logical3A = arith.constant 3 : i32
    %shift_right_logical3A_12 = vector.broadcast %shift_right_logical3A : i32 to vector<16xi32>
    %shift_right_logical3A_13 = arith.shrui %get3A_11, %shift_right_logical3A_12 : vector<16xi32>
    %shift_left3A = arith.constant 3 : i32
    %shift_left3A_14 = vector.broadcast %shift_left3A : i32 to vector<16xi32>
    %shift_left3A_15 = arith.shli %shift_right_logical3A_13, %shift_left3A_14 : vector<16xi32>
    %eq3A = arith.constant 0 : i32
    %eq3A_16 = vector.broadcast %eq3A : i32 to vector<16xi32>
    %eq3A_17 = arith.cmpi eq, %iota3A, %eq3A_16 : vector<16xi32>
    %jit3A = arith.constant 0 : i32
    %broadcast_in_dim3A = vector.broadcast %jit3A : i32 to vector<16xi32>
    %select_n3A = arith.select %eq3A_17, %shift_left3A_15, %broadcast_in_dim3A : vector<16xi1>, vector<16xi32>
    %reduce_max3A = arith.constant true
    %reduce_max3A_18 = vector.broadcast %reduce_max3A : i1 to vector<16xi1>
    %reduce_max3A_19 = arith.constant -2147483648 : i32
    %reduce_max3A_20 = vector.broadcast %reduce_max3A_19 : i32 to vector<16xi32>
    %reduce_max3A_21 = arith.xori %select_n3A, %reduce_max3A_20 : vector<16xi32>
    %reduce_max3A_22 = tpu.scan <max>, %reduce_max3A_21 masked %reduce_max3A_18 : vector<16xi32>, vector<16xi1> -> vector<16xi32>
    %reduce_max3A_23 = arith.xori %reduce_max3A_22, %reduce_max3A_20 : vector<16xi32>
    %reduce_max3A_24 = vector.extract %reduce_max3A_23[15] : i32 from vector<16xi32>
    %multiple_of3A = tpu.assume_multiple %reduce_max3A_24, 8 : i32
    %dma_start3A = arith.constant 0 : i32
    %dma_start3A_25 = arith.constant 0 : i32
    %dma_start3A_26 = arith.constant 0 : i32
    %dma_start3A_27 = arith.constant 0 : i32
    %dma_start3A_28 = arith.constant 0 : i32
    %dma_start3A_29 = tpu.memref_slice %arg7[%dma_start3A, %dma_start3A_25, %dma_start3A_27, %dma_start3A_28] : memref<2x16x8x64xf32, #tpu.memory_space<vmem>> -> memref<1x1x8x64xf32, #tpu.memory_space<vmem>>
    %dma_start3A_30 = tpu.memref_squeeze %dma_start3A_29 : memref<1x1x8x64xf32, #tpu.memory_space<vmem>> -> memref<8x64xf32, #tpu.memory_space<vmem>>
    %dma_start3A_31 = arith.constant 0 : i32
    %dma_start3A_32 = tpu.memref_slice %arg3[%multiple_of3A, %dma_start3A_31] : memref<1000000x64xf32, #tpu.memory_space<hbm>> -> memref<8x64xf32, #tpu.memory_space<hbm>>
    %dma_start3A_33 = tpu.memref_slice %arg10[%dma_start3A_26] : memref<2x!tpu.dma_semaphore, #tpu.memory_space<semaphore_mem>> -> memref<1x!tpu.dma_semaphore, #tpu.memory_space<semaphore_mem>>
    %dma_start3A_34 = tpu.memref_squeeze %dma_start3A_33 : memref<1x!tpu.dma_semaphore, #tpu.memory_space<semaphore_mem>> -> memref<!tpu.dma_semaphore, #tpu.memory_space<semaphore_mem>>
    %dma_start3A_35 = arith.constant 0 : i32
    %dma_start3A_36 = arith.constant 0 : i32
    %dma_start3A_37 = tpu.memref_slice %arg7[%dma_start3A, %dma_start3A_25, %dma_start3A_35, %dma_start3A_36] : memref<2x16x8x64xf32, #tpu.memory_space<vmem>> -> memref<1x1x8x64xf32, #tpu.memory_space<vmem>>
    %dma_start3A_38 = tpu.memref_squeeze %dma_start3A_37 : memref<1x1x8x64xf32, #tpu.memory_space<vmem>> -> memref<8x64xf32, #tpu.memory_space<vmem>>
    %dma_start3A_39 = arith.constant 0 : i32
    %dma_start3A_40 = tpu.memref_slice %arg3[%multiple_of3A, %dma_start3A_39] : memref<1000000x64xf32, #tpu.memory_space<hbm>> -> memref<8x64xf32, #tpu.memory_space<hbm>>
    tpu.enqueue_dma source(%dma_start3A_40 : memref<8x64xf32, #tpu.memory_space<hbm>>) target(%dma_start3A_38 : memref<8x64xf32, #tpu.memory_space<vmem>>) target_semaphore(%dma_start3A_34 : memref<!tpu.dma_semaphore, #tpu.memory_space<semaphore_mem>>)
    %eq3A_41 = arith.constant 1 : i32
    %eq3A_42 = vector.broadcast %eq3A_41 : i32 to vector<16xi32>
    %eq3A_43 = arith.cmpi eq, %iota3A, %eq3A_42 : vector<16xi32>
    %jit3A_44 = arith.constant 0 : i32
    %broadcast_in_dim3A_45 = vector.broadcast %jit3A_44 : i32 to vector<16xi32>
    %select_n3A_46 = arith.select %eq3A_43, %shift_left3A_15, %broadcast_in_dim3A_45 : vector<16xi1>, vector<16xi32>
    %reduce_max3A_47 = arith.constant true
    %reduce_max3A_48 = vector.broadcast %reduce_max3A_47 : i1 to vector<16xi1>
    %reduce_max3A_49 = arith.constant -2147483648 : i32
    %reduce_max3A_50 = vector.broadcast %reduce_max3A_49 : i32 to vector<16xi32>
    %reduce_max3A_51 = arith.xori %select_n3A_46, %reduce_max3A_50 : vector<16xi32>
    %reduce_max3A_52 = tpu.scan <max>, %reduce_max3A_51 masked %reduce_max3A_48 : vector<16xi32>, vector<16xi1> -> vector<16xi32>
    %reduce_max3A_53 = arith.xori %reduce_max3A_52, %reduce_max3A_50 : vector<16xi32>
    %reduce_max3A_54 = vector.extract %reduce_max3A_53[15] : i32 from vector<16xi32>
    %multiple_of3A_55 = tpu.assume_multiple %reduce_max3A_54, 8 : i32
    %dma_start3A_56 = arith.constant 0 : i32
    %dma_start3A_57 = arith.constant 1 : i32
    %dma_start3A_58 = arith.constant 0 : i32
    %dma_start3A_59 = arith.constant 0 : i32
    %dma_start3A_60 = arith.constant 0 : i32
    %dma_start3A_61 = tpu.memref_slice %arg7[%dma_start3A_56, %dma_start3A_57, %dma_start3A_59, %dma_start3A_60] : memref<2x16x8x64xf32, #tpu.memory_space<vmem>> -> memref<1x1x8x64xf32, #tpu.memory_space<vmem>>
    %dma_start3A_62 = tpu.memref_squeeze %dma_start3A_61 : memref<1x1x8x64xf32, #tpu.memory_space<vmem>> -> memref<8x64xf32, #tpu.memory_space<vmem>>
    %dma_start3A_63 = arith.constant 0 : i32
    %dma_start3A_64 = tpu.memref_slice %arg3[%multiple_of3A_55, %dma_start3A_63] : memref<1000000x64xf32, #tpu.memory_space<hbm>> -> memref<8x64xf32, #tpu.memory_space<hbm>>
    %dma_start3A_65 = tpu.memref_slice %arg10[%dma_start3A_58] : memref<2x!tpu.dma_semaphore, #tpu.memory_space<semaphore_mem>> -> memref<1x!tpu.dma_semaphore, #tpu.memory_space<semaphore_mem>>
    %dma_start3A_66 = tpu.memref_squeeze %dma_start3A_65 : memref<1x!tpu.dma_semaphore, #tpu.memory_space<semaphore_mem>> -> memref<!tpu.dma_semaphore, #tpu.memory_space<semaphore_mem>>
    %dma_start3A_67 = arith.constant 0 : i32
    %dma_start3A_68 = arith.constant 0 : i32
    %dma_start3A_69 = tpu.memref_slice %arg7[%dma_start3A_56, %dma_start3A_57, %dma_start3A_67, %dma_start3A_68] : memref<2x16x8x64xf32, #tpu.memory_space<vmem>> -> memref<1x1x8x64xf32, #tpu.memory_space<vmem>>
    %dma_start3A_70 = tpu.memref_squeeze %dma_start3A_69 : memref<1x1x8x64xf32, #tpu.memory_space<vmem>> -> memref<8x64xf32, #tpu.memory_space<vmem>>
    %dma_start3A_71 = arith.constant 0 : i32
    %dma_start3A_72 = tpu.memref_slice %arg3[%multiple_of3A_55, %dma_start3A_71] : memref<1000000x64xf32, #tpu.memory_space<hbm>> -> memref<8x64xf32, #tpu.memory_space<hbm>>
    tpu.enqueue_dma source(%dma_start3A_72 : memref<8x64xf32, #tpu.memory_space<hbm>>) target(%dma_start3A_70 : memref<8x64xf32, #tpu.memory_space<vmem>>) target_semaphore(%dma_start3A_66 : memref<!tpu.dma_semaphore, #tpu.memory_space<semaphore_mem>>)
    %eq3A_73 = arith.constant 2 : i32
    %eq3A_74 = vector.broadcast %eq3A_73 : i32 to vector<16xi32>
    %eq3A_75 = arith.cmpi eq, %iota3A, %eq3A_74 : vector<16xi32>
    %jit3A_76 = arith.constant 0 : i32
    %broadcast_in_dim3A_77 = vector.broadcast %jit3A_76 : i32 to vector<16xi32>
    %select_n3A_78 = arith.select %eq3A_75, %shift_left3A_15, %broadcast_in_dim3A_77 : vector<16xi1>, vector<16xi32>
    %reduce_max3A_79 = arith.constant true
    %reduce_max3A_80 = vector.broadcast %reduce_max3A_79 : i1 to vector<16xi1>
    %reduce_max3A_81 = arith.constant -2147483648 : i32
    %reduce_max3A_82 = vector.broadcast %reduce_max3A_81 : i32 to vector<16xi32>
    %reduce_max3A_83 = arith.xori %select_n3A_78, %reduce_max3A_82 : vector<16xi32>
    %reduce_max3A_84 = tpu.scan <max>, %reduce_max3A_83 masked %reduce_max3A_80 : vector<16xi32>, vector<16xi1> -> vector<16xi32>
    %reduce_max3A_85 = arith.xori %reduce_max3A_84, %reduce_max3A_82 : vector<16xi32>
    %reduce_max3A_86 = vector.extract %reduce_max3A_85[15] : i32 from vector<16xi32>
    %multiple_of3A_87 = tpu.assume_multiple %reduce_max3A_86, 8 : i32
    %dma_start3A_88 = arith.constant 0 : i32
    %dma_start3A_89 = arith.constant 2 : i32
    %dma_start3A_90 = arith.constant 0 : i32
    %dma_start3A_91 = arith.constant 0 : i32
    %dma_start3A_92 = arith.constant 0 : i32
    %dma_start3A_93 = tpu.memref_slice %arg7[%dma_start3A_88, %dma_start3A_89, %dma_start3A_91, %dma_start3A_92] : memref<2x16x8x64xf32, #tpu.memory_space<vmem>> -> memref<1x1x8x64xf32, #tpu.memory_space<vmem>>
    %dma_start3A_94 = tpu.memref_squeeze %dma_start3A_93 : memref<1x1x8x64xf32, #tpu.memory_space<vmem>> -> memref<8x64xf32, #tpu.memory_space<vmem>>
    %dma_start3A_95 = arith.constant 0 : i32
    %dma_start3A_96 = tpu.memref_slice %arg3[%multiple_of3A_87, %dma_start3A_95] : memref<1000000x64xf32, #tpu.memory_space<hbm>> -> memref<8x64xf32, #tpu.memory_space<hbm>>
    %dma_start3A_97 = tpu.memref_slice %arg10[%dma_start3A_90] : memref<2x!tpu.dma_semaphore, #tpu.memory_space<semaphore_mem>> -> memref<1x!tpu.dma_semaphore, #tpu.memory_space<semaphore_mem>>
    %dma_start3A_98 = tpu.memref_squeeze %dma_start3A_97 : memref<1x!tpu.dma_semaphore, #tpu.memory_space<semaphore_mem>> -> memref<!tpu.dma_semaphore, #tpu.memory_space<semaphore_mem>>
    %dma_start3A_99 = arith.constant 0 : i32
    %dma_start3A_100 = arith.constant 0 : i32
    %dma_start3A_101 = tpu.memref_slice %arg7[%dma_start3A_88, %dma_start3A_89, %dma_start3A_99, %dma_start3A_100] : memref<2x16x8x64xf32, #tpu.memory_space<vmem>> -> memref<1x1x8x64xf32, #tpu.memory_space<vmem>>
    %dma_start3A_102 = tpu.memref_squeeze %dma_start3A_101 : memref<1x1x8x64xf32, #tpu.memory_space<vmem>> -> memref<8x64xf32, #tpu.memory_space<vmem>>
    %dma_start3A_103 = arith.constant 0 : i32
    %dma_start3A_104 = tpu.memref_slice %arg3[%multiple_of3A_87, %dma_start3A_103] : memref<1000000x64xf32, #tpu.memory_space<hbm>> -> memref<8x64xf32, #tpu.memory_space<hbm>>
    tpu.enqueue_dma source(%dma_start3A_104 : memref<8x64xf32, #tpu.memory_space<hbm>>) target(%dma_start3A_102 : memref<8x64xf32, #tpu.memory_space<vmem>>) target_semaphore(%dma_start3A_98 : memref<!tpu.dma_semaphore, #tpu.memory_space<semaphore_mem>>)
    %eq3A_105 = arith.constant 3 : i32
    %eq3A_106 = vector.broadcast %eq3A_105 : i32 to vector<16xi32>
    %eq3A_107 = arith.cmpi eq, %iota3A, %eq3A_106 : vector<16xi32>
    %jit3A_108 = arith.constant 0 : i32
    %broadcast_in_dim3A_109 = vector.broadcast %jit3A_108 : i32 to vector<16xi32>
    %select_n3A_110 = arith.select %eq3A_107, %shift_left3A_15, %broadcast_in_dim3A_109 : vector<16xi1>, vector<16xi32>
    %reduce_max3A_111 = arith.constant true
    %reduce_max3A_112 = vector.broadcast %reduce_max3A_111 : i1 to vector<16xi1>
    %reduce_max3A_113 = arith.constant -2147483648 : i32
    %reduce_max3A_114 = vector.broadcast %reduce_max3A_113 : i32 to vector<16xi32>
    %reduce_max3A_115 = arith.xori %select_n3A_110, %reduce_max3A_114 : vector<16xi32>
    %reduce_max3A_116 = tpu.scan <max>, %reduce_max3A_115 masked %reduce_max3A_112 : vector<16xi32>, vector<16xi1> -> vector<16xi32>
    %reduce_max3A_117 = arith.xori %reduce_max3A_116, %reduce_max3A_114 : vector<16xi32>
    %reduce_max3A_118 = vector.extract %reduce_max3A_117[15] : i32 from vector<16xi32>
    %multiple_of3A_119 = tpu.assume_multiple %reduce_max3A_118, 8 : i32
    %dma_start3A_120 = arith.constant 0 : i32
    %dma_start3A_121 = arith.constant 3 : i32
    %dma_start3A_122 = arith.constant 0 : i32
    %dma_start3A_123 = arith.constant 0 : i32
    %dma_start3A_124 = arith.constant 0 : i32
    %dma_start3A_125 = tpu.memref_slice %arg7[%dma_start3A_120, %dma_start3A_121, %dma_start3A_123, %dma_start3A_124] : memref<2x16x8x64xf32, #tpu.memory_space<vmem>> -> memref<1x1x8x64xf32, #tpu.memory_space<vmem>>
    %dma_start3A_126 = tpu.memref_squeeze %dma_start3A_125 : memref<1x1x8x64xf32, #tpu.memory_space<vmem>> -> memref<8x64xf32, #tpu.memory_space<vmem>>
    %dma_start3A_127 = arith.constant 0 : i32
    %dma_start3A_128 = tpu.memref_slice %arg3[%multiple_of3A_119, %dma_start3A_127] : memref<1000000x64xf32, #tpu.memory_space<hbm>> -> memref<8x64xf32, #tpu.memory_space<hbm>>
    %dma_start3A_129 = tpu.memref_slice %arg10[%dma_start3A_122] : memref<2x!tpu.dma_semaphore, #tpu.memory_space<semaphore_mem>> -> memref<1x!tpu.dma_semaphore, #tpu.memory_space<semaphore_mem>>
    %dma_start3A_130 = tpu.memref_squeeze %dma_start3A_129 : memref<1x!tpu.dma_semaphore, #tpu.memory_space<semaphore_mem>> -> memref<!tpu.dma_semaphore, #tpu.memory_space<semaphore_mem>>
    %dma_start3A_131 = arith.constant 0 : i32
    %dma_start3A_132 = arith.constant 0 : i32
    %dma_start3A_133 = tpu.memref_slice %arg7[%dma_start3A_120, %dma_start3A_121, %dma_start3A_131, %dma_start3A_132] : memref<2x16x8x64xf32, #tpu.memory_space<vmem>> -> memref<1x1x8x64xf32, #tpu.memory_space<vmem>>
    %dma_start3A_134 = tpu.memref_squeeze %dma_start3A_133 : memref<1x1x8x64xf32, #tpu.memory_space<vmem>> -> memref<8x64xf32, #tpu.memory_space<vmem>>
    %dma_start3A_135 = arith.constant 0 : i32
    %dma_start3A_136 = tpu.memref_slice %arg3[%multiple_of3A_119, %dma_start3A_135] : memref<1000000x64xf32, #tpu.memory_space<hbm>> -> memref<8x64xf32, #tpu.memory_space<hbm>>
    tpu.enqueue_dma source(%dma_start3A_136 : memref<8x64xf32, #tpu.memory_space<hbm>>) target(%dma_start3A_134 : memref<8x64xf32, #tpu.memory_space<vmem>>) target_semaphore(%dma_start3A_130 : memref<!tpu.dma_semaphore, #tpu.memory_space<semaphore_mem>>)
    %eq3A_137 = arith.constant 4 : i32
    %eq3A_138 = vector.broadcast %eq3A_137 : i32 to vector<16xi32>
    %eq3A_139 = arith.cmpi eq, %iota3A, %eq3A_138 : vector<16xi32>
    %jit3A_140 = arith.constant 0 : i32
    %broadcast_in_dim3A_141 = vector.broadcast %jit3A_140 : i32 to vector<16xi32>
    %select_n3A_142 = arith.select %eq3A_139, %shift_left3A_15, %broadcast_in_dim3A_141 : vector<16xi1>, vector<16xi32>
    %reduce_max3A_143 = arith.constant true
    %reduce_max3A_144 = vector.broadcast %reduce_max3A_143 : i1 to vector<16xi1>
    %reduce_max3A_145 = arith.constant -2147483648 : i32
    %reduce_max3A_146 = vector.broadcast %reduce_max3A_145 : i32 to vector<16xi32>
    %reduce_max3A_147 = arith.xori %select_n3A_142, %reduce_max3A_146 : vector<16xi32>
    %reduce_max3A_148 = tpu.scan <max>, %reduce_max3A_147 masked %reduce_max3A_144 : vector<16xi32>, vector<16xi1> -> vector<16xi32>
    %reduce_max3A_149 = arith.xori %reduce_max3A_148, %reduce_max3A_146 : vector<16xi32>
    %reduce_max3A_150 = vector.extract %reduce_max3A_149[15] : i32 from vector<16xi32>
    %multiple_of3A_151 = tpu.assume_multiple %reduce_max3A_150, 8 : i32
    %dma_start3A_152 = arith.constant 0 : i32
    %dma_start3A_153 = arith.constant 4 : i32
    %dma_start3A_154 = arith.constant 0 : i32
    %dma_start3A_155 = arith.constant 0 : i32
    %dma_start3A_156 = arith.constant 0 : i32
    %dma_start3A_157 = tpu.memref_slice %arg7[%dma_start3A_152, %dma_start3A_153, %dma_start3A_155, %dma_start3A_156] : memref<2x16x8x64xf32, #tpu.memory_space<vmem>> -> memref<1x1x8x64xf32, #tpu.memory_space<vmem>>
    %dma_start3A_158 = tpu.memref_squeeze %dma_start3A_157 : memref<1x1x8x64xf32, #tpu.memory_space<vmem>> -> memref<8x64xf32, #tpu.memory_space<vmem>>
    %dma_start3A_159 = arith.constant 0 : i32
    %dma_start3A_160 = tpu.memref_slice %arg3[%multiple_of3A_151, %dma_start3A_159] : memref<1000000x64xf32, #tpu.memory_space<hbm>> -> memref<8x64xf32, #tpu.memory_space<hbm>>
    %dma_start3A_161 = tpu.memref_slice %arg10[%dma_start3A_154] : memref<2x!tpu.dma_semaphore, #tpu.memory_space<semaphore_mem>> -> memref<1x!tpu.dma_semaphore, #tpu.memory_space<semaphore_mem>>
    %dma_start3A_162 = tpu.memref_squeeze %dma_start3A_161 : memref<1x!tpu.dma_semaphore, #tpu.memory_space<semaphore_mem>> -> memref<!tpu.dma_semaphore, #tpu.memory_space<semaphore_mem>>
    %dma_start3A_163 = arith.constant 0 : i32
    %dma_start3A_164 = arith.constant 0 : i32
    %dma_start3A_165 = tpu.memref_slice %arg7[%dma_start3A_152, %dma_start3A_153, %dma_start3A_163, %dma_start3A_164] : memref<2x16x8x64xf32, #tpu.memory_space<vmem>> -> memref<1x1x8x64xf32, #tpu.memory_space<vmem>>
    %dma_start3A_166 = tpu.memref_squeeze %dma_start3A_165 : memref<1x1x8x64xf32, #tpu.memory_space<vmem>> -> memref<8x64xf32, #tpu.memory_space<vmem>>
    %dma_start3A_167 = arith.constant 0 : i32
    %dma_start3A_168 = tpu.memref_slice %arg3[%multiple_of3A_151, %dma_start3A_167] : memref<1000000x64xf32, #tpu.memory_space<hbm>> -> memref<8x64xf32, #tpu.memory_space<hbm>>
    tpu.enqueue_dma source(%dma_start3A_168 : memref<8x64xf32, #tpu.memory_space<hbm>>) target(%dma_start3A_166 : memref<8x64xf32, #tpu.memory_space<vmem>>) target_semaphore(%dma_start3A_162 : memref<!tpu.dma_semaphore, #tpu.memory_space<semaphore_mem>>)
    %eq3A_169 = arith.constant 5 : i32
    %eq3A_170 = vector.broadcast %eq3A_169 : i32 to vector<16xi32>
    %eq3A_171 = arith.cmpi eq, %iota3A, %eq3A_170 : vector<16xi32>
    %jit3A_172 = arith.constant 0 : i32
    %broadcast_in_dim3A_173 = vector.broadcast %jit3A_172 : i32 to vector<16xi32>
    %select_n3A_174 = arith.select %eq3A_171, %shift_left3A_15, %broadcast_in_dim3A_173 : vector<16xi1>, vector<16xi32>
    %reduce_max3A_175 = arith.constant true
    %reduce_max3A_176 = vector.broadcast %reduce_max3A_175 : i1 to vector<16xi1>
    %reduce_max3A_177 = arith.constant -2147483648 : i32
    %reduce_max3A_178 = vector.broadcast %reduce_max3A_177 : i32 to vector<16xi32>
    %reduce_max3A_179 = arith.xori %select_n3A_174, %reduce_max3A_178 : vector<16xi32>
    %reduce_max3A_180 = tpu.scan <max>, %reduce_max3A_179 masked %reduce_max3A_176 : vector<16xi32>, vector<16xi1> -> vector<16xi32>
    %reduce_max3A_181 = arith.xori %reduce_max3A_180, %reduce_max3A_178 : vector<16xi32>
    %reduce_max3A_182 = vector.extract %reduce_max3A_181[15] : i32 from vector<16xi32>
    %multiple_of3A_183 = tpu.assume_multiple %reduce_max3A_182, 8 : i32
    %dma_start3A_184 = arith.constant 0 : i32
    %dma_start3A_185 = arith.constant 5 : i32
    %dma_start3A_186 = arith.constant 0 : i32
    %dma_start3A_187 = arith.constant 0 : i32
    %dma_start3A_188 = arith.constant 0 : i32
    %dma_start3A_189 = tpu.memref_slice %arg7[%dma_start3A_184, %dma_start3A_185, %dma_start3A_187, %dma_start3A_188] : memref<2x16x8x64xf32, #tpu.memory_space<vmem>> -> memref<1x1x8x64xf32, #tpu.memory_space<vmem>>
    %dma_start3A_190 = tpu.memref_squeeze %dma_start3A_189 : memref<1x1x8x64xf32, #tpu.memory_space<vmem>> -> memref<8x64xf32, #tpu.memory_space<vmem>>
    %dma_start3A_191 = arith.constant 0 : i32
    %dma_start3A_192 = tpu.memref_slice %arg3[%multiple_of3A_183, %dma_start3A_191] : memref<1000000x64xf32, #tpu.memory_space<hbm>> -> memref<8x64xf32, #tpu.memory_space<hbm>>
    %dma_start3A_193 = tpu.memref_slice %arg10[%dma_start3A_186] : memref<2x!tpu.dma_semaphore, #tpu.memory_space<semaphore_mem>> -> memref<1x!tpu.dma_semaphore, #tpu.memory_space<semaphore_mem>>
    %dma_start3A_194 = tpu.memref_squeeze %dma_start3A_193 : memref<1x!tpu.dma_semaphore, #tpu.memory_space<semaphore_mem>> -> memref<!tpu.dma_semaphore, #tpu.memory_space<semaphore_mem>>
    %dma_start3A_195 = arith.constant 0 : i32
    %dma_start3A_196 = arith.constant 0 : i32
    %dma_start3A_197 = tpu.memref_slice %arg7[%dma_start3A_184, %dma_start3A_185, %dma_start3A_195, %dma_start3A_196] : memref<2x16x8x64xf32, #tpu.memory_space<vmem>> -> memref<1x1x8x64xf32, #tpu.memory_space<vmem>>
    %dma_start3A_198 = tpu.memref_squeeze %dma_start3A_197 : memref<1x1x8x64xf32, #tpu.memory_space<vmem>> -> memref<8x64xf32, #tpu.memory_space<vmem>>
    %dma_start3A_199 = arith.constant 0 : i32
    %dma_start3A_200 = tpu.memref_slice %arg3[%multiple_of3A_183, %dma_start3A_199] : memref<1000000x64xf32, #tpu.memory_space<hbm>> -> memref<8x64xf32, #tpu.memory_space<hbm>>
    tpu.enqueue_dma source(%dma_start3A_200 : memref<8x64xf32, #tpu.memory_space<hbm>>) target(%dma_start3A_198 : memref<8x64xf32, #tpu.memory_space<vmem>>) target_semaphore(%dma_start3A_194 : memref<!tpu.dma_semaphore, #tpu.memory_space<semaphore_mem>>)
    %eq3A_201 = arith.constant 6 : i32
    %eq3A_202 = vector.broadcast %eq3A_201 : i32 to vector<16xi32>
    %eq3A_203 = arith.cmpi eq, %iota3A, %eq3A_202 : vector<16xi32>
    %jit3A_204 = arith.constant 0 : i32
    %broadcast_in_dim3A_205 = vector.broadcast %jit3A_204 : i32 to vector<16xi32>
    %select_n3A_206 = arith.select %eq3A_203, %shift_left3A_15, %broadcast_in_dim3A_205 : vector<16xi1>, vector<16xi32>
    %reduce_max3A_207 = arith.constant true
    %reduce_max3A_208 = vector.broadcast %reduce_max3A_207 : i1 to vector<16xi1>
    %reduce_max3A_209 = arith.constant -2147483648 : i32
    %reduce_max3A_210 = vector.broadcast %reduce_max3A_209 : i32 to vector<16xi32>
    %reduce_max3A_211 = arith.xori %select_n3A_206, %reduce_max3A_210 : vector<16xi32>
    %reduce_max3A_212 = tpu.scan <max>, %reduce_max3A_211 masked %reduce_max3A_208 : vector<16xi32>, vector<16xi1> -> vector<16xi32>
    %reduce_max3A_213 = arith.xori %reduce_max3A_212, %reduce_max3A_210 : vector<16xi32>
    %reduce_max3A_214 = vector.extract %reduce_max3A_213[15] : i32 from vector<16xi32>
    %multiple_of3A_215 = tpu.assume_multiple %reduce_max3A_214, 8 : i32
    %dma_start3A_216 = arith.constant 0 : i32
    %dma_start3A_217 = arith.constant 6 : i32
    %dma_start3A_218 = arith.constant 0 : i32
    %dma_start3A_219 = arith.constant 0 : i32
    %dma_start3A_220 = arith.constant 0 : i32
    %dma_start3A_221 = tpu.memref_slice %arg7[%dma_start3A_216, %dma_start3A_217, %dma_start3A_219, %dma_start3A_220] : memref<2x16x8x64xf32, #tpu.memory_space<vmem>> -> memref<1x1x8x64xf32, #tpu.memory_space<vmem>>
    %dma_start3A_222 = tpu.memref_squeeze %dma_start3A_221 : memref<1x1x8x64xf32, #tpu.memory_space<vmem>> -> memref<8x64xf32, #tpu.memory_space<vmem>>
    %dma_start3A_223 = arith.constant 0 : i32
    %dma_start3A_224 = tpu.memref_slice %arg3[%multiple_of3A_215, %dma_start3A_223] : memref<1000000x64xf32, #tpu.memory_space<hbm>> -> memref<8x64xf32, #tpu.memory_space<hbm>>
    %dma_start3A_225 = tpu.memref_slice %arg10[%dma_start3A_218] : memref<2x!tpu.dma_semaphore, #tpu.memory_space<semaphore_mem>> -> memref<1x!tpu.dma_semaphore, #tpu.memory_space<semaphore_mem>>
    %dma_start3A_226 = tpu.memref_squeeze %dma_start3A_225 : memref<1x!tpu.dma_semaphore, #tpu.memory_space<semaphore_mem>> -> memref<!tpu.dma_semaphore, #tpu.memory_space<semaphore_mem>>
    %dma_start3A_227 = arith.constant 0 : i32
    %dma_start3A_228 = arith.constant 0 : i32
    %dma_start3A_229 = tpu.memref_slice %arg7[%dma_start3A_216, %dma_start3A_217, %dma_start3A_227, %dma_start3A_228] : memref<2x16x8x64xf32, #tpu.memory_space<vmem>> -> memref<1x1x8x64xf32, #tpu.memory_space<vmem>>
    %dma_start3A_230 = tpu.memref_squeeze %dma_start3A_229 : memref<1x1x8x64xf32, #tpu.memory_space<vmem>> -> memref<8x64xf32, #tpu.memory_space<vmem>>
    %dma_start3A_231 = arith.constant 0 : i32
    %dma_start3A_232 = tpu.memref_slice %arg3[%multiple_of3A_215, %dma_start3A_231] : memref<1000000x64xf32, #tpu.memory_space<hbm>> -> memref<8x64xf32, #tpu.memory_space<hbm>>
    tpu.enqueue_dma source(%dma_start3A_232 : memref<8x64xf32, #tpu.memory_space<hbm>>) target(%dma_start3A_230 : memref<8x64xf32, #tpu.memory_space<vmem>>) target_semaphore(%dma_start3A_226 : memref<!tpu.dma_semaphore, #tpu.memory_space<semaphore_mem>>)
    %eq3A_233 = arith.constant 7 : i32
    %eq3A_234 = vector.broadcast %eq3A_233 : i32 to vector<16xi32>
    %eq3A_235 = arith.cmpi eq, %iota3A, %eq3A_234 : vector<16xi32>
    %jit3A_236 = arith.constant 0 : i32
    %broadcast_in_dim3A_237 = vector.broadcast %jit3A_236 : i32 to vector<16xi32>
    %select_n3A_238 = arith.select %eq3A_235, %shift_left3A_15, %broadcast_in_dim3A_237 : vector<16xi1>, vector<16xi32>
    %reduce_max3A_239 = arith.constant true
    %reduce_max3A_240 = vector.broadcast %reduce_max3A_239 : i1 to vector<16xi1>
    %reduce_max3A_241 = arith.constant -2147483648 : i32
    %reduce_max3A_242 = vector.broadcast %reduce_max3A_241 : i32 to vector<16xi32>
    %reduce_max3A_243 = arith.xori %select_n3A_238, %reduce_max3A_242 : vector<16xi32>
    %reduce_max3A_244 = tpu.scan <max>, %reduce_max3A_243 masked %reduce_max3A_240 : vector<16xi32>, vector<16xi1> -> vector<16xi32>
    %reduce_max3A_245 = arith.xori %reduce_max3A_244, %reduce_max3A_242 : vector<16xi32>
    %reduce_max3A_246 = vector.extract %reduce_max3A_245[15] : i32 from vector<16xi32>
    %multiple_of3A_247 = tpu.assume_multiple %reduce_max3A_246, 8 : i32
    %dma_start3A_248 = arith.constant 0 : i32
    %dma_start3A_249 = arith.constant 7 : i32
    %dma_start3A_250 = arith.constant 0 : i32
    %dma_start3A_251 = arith.constant 0 : i32
    %dma_start3A_252 = arith.constant 0 : i32
    %dma_start3A_253 = tpu.memref_slice %arg7[%dma_start3A_248, %dma_start3A_249, %dma_start3A_251, %dma_start3A_252] : memref<2x16x8x64xf32, #tpu.memory_space<vmem>> -> memref<1x1x8x64xf32, #tpu.memory_space<vmem>>
    %dma_start3A_254 = tpu.memref_squeeze %dma_start3A_253 : memref<1x1x8x64xf32, #tpu.memory_space<vmem>> -> memref<8x64xf32, #tpu.memory_space<vmem>>
    %dma_start3A_255 = arith.constant 0 : i32
    %dma_start3A_256 = tpu.memref_slice %arg3[%multiple_of3A_247, %dma_start3A_255] : memref<1000000x64xf32, #tpu.memory_space<hbm>> -> memref<8x64xf32, #tpu.memory_space<hbm>>
    %dma_start3A_257 = tpu.memref_slice %arg10[%dma_start3A_250] : memref<2x!tpu.dma_semaphore, #tpu.memory_space<semaphore_mem>> -> memref<1x!tpu.dma_semaphore, #tpu.memory_space<semaphore_mem>>
    %dma_start3A_258 = tpu.memref_squeeze %dma_start3A_257 : memref<1x!tpu.dma_semaphore, #tpu.memory_space<semaphore_mem>> -> memref<!tpu.dma_semaphore, #tpu.memory_space<semaphore_mem>>
    %dma_start3A_259 = arith.constant 0 : i32
    %dma_start3A_260 = arith.constant 0 : i32
    %dma_start3A_261 = tpu.memref_slice %arg7[%dma_start3A_248, %dma_start3A_249, %dma_start3A_259, %dma_start3A_260] : memref<2x16x8x64xf32, #tpu.memory_space<vmem>> -> memref<1x1x8x64xf32, #tpu.memory_space<vmem>>
    %dma_start3A_262 = tpu.memref_squeeze %dma_start3A_261 : memref<1x1x8x64xf32, #tpu.memory_space<vmem>> -> memref<8x64xf32, #tpu.memory_space<vmem>>
    %dma_start3A_263 = arith.constant 0 : i32
    %dma_start3A_264 = tpu.memref_slice %arg3[%multiple_of3A_247, %dma_start3A_263] : memref<1000000x64xf32, #tpu.memory_space<hbm>> -> memref<8x64xf32, #tpu.memory_space<hbm>>
    tpu.enqueue_dma source(%dma_start3A_264 : memref<8x64xf32, #tpu.memory_space<hbm>>) target(%dma_start3A_262 : memref<8x64xf32, #tpu.memory_space<vmem>>) target_semaphore(%dma_start3A_258 : memref<!tpu.dma_semaphore, #tpu.memory_space<semaphore_mem>>)
    %eq3A_265 = arith.constant 8 : i32
    %eq3A_266 = vector.broadcast %eq3A_265 : i32 to vector<16xi32>
    %eq3A_267 = arith.cmpi eq, %iota3A, %eq3A_266 : vector<16xi32>
    %jit3A_268 = arith.constant 0 : i32
    %broadcast_in_dim3A_269 = vector.broadcast %jit3A_268 : i32 to vector<16xi32>
    %select_n3A_270 = arith.select %eq3A_267, %shift_left3A_15, %broadcast_in_dim3A_269 : vector<16xi1>, vector<16xi32>
    %reduce_max3A_271 = arith.constant true
    %reduce_max3A_272 = vector.broadcast %reduce_max3A_271 : i1 to vector<16xi1>
    %reduce_max3A_273 = arith.constant -2147483648 : i32
    %reduce_max3A_274 = vector.broadcast %reduce_max3A_273 : i32 to vector<16xi32>
    %reduce_max3A_275 = arith.xori %select_n3A_270, %reduce_max3A_274 : vector<16xi32>
    %reduce_max3A_276 = tpu.scan <max>, %reduce_max3A_275 masked %reduce_max3A_272 : vector<16xi32>, vector<16xi1> -> vector<16xi32>
    %reduce_max3A_277 = arith.xori %reduce_max3A_276, %reduce_max3A_274 : vector<16xi32>
    %reduce_max3A_278 = vector.extract %reduce_max3A_277[15] : i32 from vector<16xi32>
    %multiple_of3A_279 = tpu.assume_multiple %reduce_max3A_278, 8 : i32
    %dma_start3A_280 = arith.constant 0 : i32
    %dma_start3A_281 = arith.constant 8 : i32
    %dma_start3A_282 = arith.constant 0 : i32
    %dma_start3A_283 = arith.constant 0 : i32
    %dma_start3A_284 = arith.constant 0 : i32
    %dma_start3A_285 = tpu.memref_slice %arg7[%dma_start3A_280, %dma_start3A_281, %dma_start3A_283, %dma_start3A_284] : memref<2x16x8x64xf32, #tpu.memory_space<vmem>> -> memref<1x1x8x64xf32, #tpu.memory_space<vmem>>
    %dma_start3A_286 = tpu.memref_squeeze %dma_start3A_285 : memref<1x1x8x64xf32, #tpu.memory_space<vmem>> -> memref<8x64xf32, #tpu.memory_space<vmem>>
    %dma_start3A_287 = arith.constant 0 : i32
    %dma_start3A_288 = tpu.memref_slice %arg3[%multiple_of3A_279, %dma_start3A_287] : memref<1000000x64xf32, #tpu.memory_space<hbm>> -> memref<8x64xf32, #tpu.memory_space<hbm>>
    %dma_start3A_289 = tpu.memref_slice %arg10[%dma_start3A_282] : memref<2x!tpu.dma_semaphore, #tpu.memory_space<semaphore_mem>> -> memref<1x!tpu.dma_semaphore, #tpu.memory_space<semaphore_mem>>
    %dma_start3A_290 = tpu.memref_squeeze %dma_start3A_289 : memref<1x!tpu.dma_semaphore, #tpu.memory_space<semaphore_mem>> -> memref<!tpu.dma_semaphore, #tpu.memory_space<semaphore_mem>>
    %dma_start3A_291 = arith.constant 0 : i32
    %dma_start3A_292 = arith.constant 0 : i32
    %dma_start3A_293 = tpu.memref_slice %arg7[%dma_start3A_280, %dma_start3A_281, %dma_start3A_291, %dma_start3A_292] : memref<2x16x8x64xf32, #tpu.memory_space<vmem>> -> memref<1x1x8x64xf32, #tpu.memory_space<vmem>>
    %dma_start3A_294 = tpu.memref_squeeze %dma_start3A_293 : memref<1x1x8x64xf32, #tpu.memory_space<vmem>> -> memref<8x64xf32, #tpu.memory_space<vmem>>
    %dma_start3A_295 = arith.constant 0 : i32
    %dma_start3A_296 = tpu.memref_slice %arg3[%multiple_of3A_279, %dma_start3A_295] : memref<1000000x64xf32, #tpu.memory_space<hbm>> -> memref<8x64xf32, #tpu.memory_space<hbm>>
    tpu.enqueue_dma source(%dma_start3A_296 : memref<8x64xf32, #tpu.memory_space<hbm>>) target(%dma_start3A_294 : memref<8x64xf32, #tpu.memory_space<vmem>>) target_semaphore(%dma_start3A_290 : memref<!tpu.dma_semaphore, #tpu.memory_space<semaphore_mem>>)
    %eq3A_297 = arith.constant 9 : i32
    %eq3A_298 = vector.broadcast %eq3A_297 : i32 to vector<16xi32>
    %eq3A_299 = arith.cmpi eq, %iota3A, %eq3A_298 : vector<16xi32>
    %jit3A_300 = arith.constant 0 : i32
    %broadcast_in_dim3A_301 = vector.broadcast %jit3A_300 : i32 to vector<16xi32>
    %select_n3A_302 = arith.select %eq3A_299, %shift_left3A_15, %broadcast_in_dim3A_301 : vector<16xi1>, vector<16xi32>
    %reduce_max3A_303 = arith.constant true
    %reduce_max3A_304 = vector.broadcast %reduce_max3A_303 : i1 to vector<16xi1>
    %reduce_max3A_305 = arith.constant -2147483648 : i32
    %reduce_max3A_306 = vector.broadcast %reduce_max3A_305 : i32 to vector<16xi32>
    %reduce_max3A_307 = arith.xori %select_n3A_302, %reduce_max3A_306 : vector<16xi32>
    %reduce_max3A_308 = tpu.scan <max>, %reduce_max3A_307 masked %reduce_max3A_304 : vector<16xi32>, vector<16xi1> -> vector<16xi32>
    %reduce_max3A_309 = arith.xori %reduce_max3A_308, %reduce_max3A_306 : vector<16xi32>
    %reduce_max3A_310 = vector.extract %reduce_max3A_309[15] : i32 from vector<16xi32>
    %multiple_of3A_311 = tpu.assume_multiple %reduce_max3A_310, 8 : i32
    %dma_start3A_312 = arith.constant 0 : i32
    %dma_start3A_313 = arith.constant 9 : i32
    %dma_start3A_314 = arith.constant 0 : i32
    %dma_start3A_315 = arith.constant 0 : i32
    %dma_start3A_316 = arith.constant 0 : i32
    %dma_start3A_317 = tpu.memref_slice %arg7[%dma_start3A_312, %dma_start3A_313, %dma_start3A_315, %dma_start3A_316] : memref<2x16x8x64xf32, #tpu.memory_space<vmem>> -> memref<1x1x8x64xf32, #tpu.memory_space<vmem>>
    %dma_start3A_318 = tpu.memref_squeeze %dma_start3A_317 : memref<1x1x8x64xf32, #tpu.memory_space<vmem>> -> memref<8x64xf32, #tpu.memory_space<vmem>>
    %dma_start3A_319 = arith.constant 0 : i32
    %dma_start3A_320 = tpu.memref_slice %arg3[%multiple_of3A_311, %dma_start3A_319] : memref<1000000x64xf32, #tpu.memory_space<hbm>> -> memref<8x64xf32, #tpu.memory_space<hbm>>
    %dma_start3A_321 = tpu.memref_slice %arg10[%dma_start3A_314] : memref<2x!tpu.dma_semaphore, #tpu.memory_space<semaphore_mem>> -> memref<1x!tpu.dma_semaphore, #tpu.memory_space<semaphore_mem>>
    %dma_start3A_322 = tpu.memref_squeeze %dma_start3A_321 : memref<1x!tpu.dma_semaphore, #tpu.memory_space<semaphore_mem>> -> memref<!tpu.dma_semaphore, #tpu.memory_space<semaphore_mem>>
    %dma_start3A_323 = arith.constant 0 : i32
    %dma_start3A_324 = arith.constant 0 : i32
    %dma_start3A_325 = tpu.memref_slice %arg7[%dma_start3A_312, %dma_start3A_313, %dma_start3A_323, %dma_start3A_324] : memref<2x16x8x64xf32, #tpu.memory_space<vmem>> -> memref<1x1x8x64xf32, #tpu.memory_space<vmem>>
    %dma_start3A_326 = tpu.memref_squeeze %dma_start3A_325 : memref<1x1x8x64xf32, #tpu.memory_space<vmem>> -> memref<8x64xf32, #tpu.memory_space<vmem>>
    %dma_start3A_327 = arith.constant 0 : i32
    %dma_start3A_328 = tpu.memref_slice %arg3[%multiple_of3A_311, %dma_start3A_327] : memref<1000000x64xf32, #tpu.memory_space<hbm>> -> memref<8x64xf32, #tpu.memory_space<hbm>>
    tpu.enqueue_dma source(%dma_start3A_328 : memref<8x64xf32, #tpu.memory_space<hbm>>) target(%dma_start3A_326 : memref<8x64xf32, #tpu.memory_space<vmem>>) target_semaphore(%dma_start3A_322 : memref<!tpu.dma_semaphore, #tpu.memory_space<semaphore_mem>>)
    %eq3A_329 = arith.constant 10 : i32
    %eq3A_330 = vector.broadcast %eq3A_329 : i32 to vector<16xi32>
    %eq3A_331 = arith.cmpi eq, %iota3A, %eq3A_330 : vector<16xi32>
    %jit3A_332 = arith.constant 0 : i32
    %broadcast_in_dim3A_333 = vector.broadcast %jit3A_332 : i32 to vector<16xi32>
    %select_n3A_334 = arith.select %eq3A_331, %shift_left3A_15, %broadcast_in_dim3A_333 : vector<16xi1>, vector<16xi32>
    %reduce_max3A_335 = arith.constant true
    %reduce_max3A_336 = vector.broadcast %reduce_max3A_335 : i1 to vector<16xi1>
    %reduce_max3A_337 = arith.constant -2147483648 : i32
    %reduce_max3A_338 = vector.broadcast %reduce_max3A_337 : i32 to vector<16xi32>
    %reduce_max3A_339 = arith.xori %select_n3A_334, %reduce_max3A_338 : vector<16xi32>
    %reduce_max3A_340 = tpu.scan <max>, %reduce_max3A_339 masked %reduce_max3A_336 : vector<16xi32>, vector<16xi1> -> vector<16xi32>
    %reduce_max3A_341 = arith.xori %reduce_max3A_340, %reduce_max3A_338 : vector<16xi32>
    %reduce_max3A_342 = vector.extract %reduce_max3A_341[15] : i32 from vector<16xi32>
    %multiple_of3A_343 = tpu.assume_multiple %reduce_max3A_342, 8 : i32
    %dma_start3A_344 = arith.constant 0 : i32
    %dma_start3A_345 = arith.constant 10 : i32
    %dma_start3A_346 = arith.constant 0 : i32
    %dma_start3A_347 = arith.constant 0 : i32
    %dma_start3A_348 = arith.constant 0 : i32
    %dma_start3A_349 = tpu.memref_slice %arg7[%dma_start3A_344, %dma_start3A_345, %dma_start3A_347, %dma_start3A_348] : memref<2x16x8x64xf32, #tpu.memory_space<vmem>> -> memref<1x1x8x64xf32, #tpu.memory_space<vmem>>
    %dma_start3A_350 = tpu.memref_squeeze %dma_start3A_349 : memref<1x1x8x64xf32, #tpu.memory_space<vmem>> -> memref<8x64xf32, #tpu.memory_space<vmem>>
    %dma_start3A_351 = arith.constant 0 : i32
    %dma_start3A_352 = tpu.memref_slice %arg3[%multiple_of3A_343, %dma_start3A_351] : memref<1000000x64xf32, #tpu.memory_space<hbm>> -> memref<8x64xf32, #tpu.memory_space<hbm>>
    %dma_start3A_353 = tpu.memref_slice %arg10[%dma_start3A_346] : memref<2x!tpu.dma_semaphore, #tpu.memory_space<semaphore_mem>> -> memref<1x!tpu.dma_semaphore, #tpu.memory_space<semaphore_mem>>
    %dma_start3A_354 = tpu.memref_squeeze %dma_start3A_353 : memref<1x!tpu.dma_semaphore, #tpu.memory_space<semaphore_mem>> -> memref<!tpu.dma_semaphore, #tpu.memory_space<semaphore_mem>>
    %dma_start3A_355 = arith.constant 0 : i32
    %dma_start3A_356 = arith.constant 0 : i32
    %dma_start3A_357 = tpu.memref_slice %arg7[%dma_start3A_344, %dma_start3A_345, %dma_start3A_355, %dma_start3A_356] : memref<2x16x8x64xf32, #tpu.memory_space<vmem>> -> memref<1x1x8x64xf32, #tpu.memory_space<vmem>>
    %dma_start3A_358 = tpu.memref_squeeze %dma_start3A_357 : memref<1x1x8x64xf32, #tpu.memory_space<vmem>> -> memref<8x64xf32, #tpu.memory_space<vmem>>
    %dma_start3A_359 = arith.constant 0 : i32
    %dma_start3A_360 = tpu.memref_slice %arg3[%multiple_of3A_343, %dma_start3A_359] : memref<1000000x64xf32, #tpu.memory_space<hbm>> -> memref<8x64xf32, #tpu.memory_space<hbm>>
    tpu.enqueue_dma source(%dma_start3A_360 : memref<8x64xf32, #tpu.memory_space<hbm>>) target(%dma_start3A_358 : memref<8x64xf32, #tpu.memory_space<vmem>>) target_semaphore(%dma_start3A_354 : memref<!tpu.dma_semaphore, #tpu.memory_space<semaphore_mem>>)
    %eq3A_361 = arith.constant 11 : i32
    %eq3A_362 = vector.broadcast %eq3A_361 : i32 to vector<16xi32>
    %eq3A_363 = arith.cmpi eq, %iota3A, %eq3A_362 : vector<16xi32>
    %jit3A_364 = arith.constant 0 : i32
    %broadcast_in_dim3A_365 = vector.broadcast %jit3A_364 : i32 to vector<16xi32>
    %select_n3A_366 = arith.select %eq3A_363, %shift_left3A_15, %broadcast_in_dim3A_365 : vector<16xi1>, vector<16xi32>
    %reduce_max3A_367 = arith.constant true
    %reduce_max3A_368 = vector.broadcast %reduce_max3A_367 : i1 to vector<16xi1>
    %reduce_max3A_369 = arith.constant -2147483648 : i32
    %reduce_max3A_370 = vector.broadcast %reduce_max3A_369 : i32 to vector<16xi32>
    %reduce_max3A_371 = arith.xori %select_n3A_366, %reduce_max3A_370 : vector<16xi32>
    %reduce_max3A_372 = tpu.scan <max>, %reduce_max3A_371 masked %reduce_max3A_368 : vector<16xi32>, vector<16xi1> -> vector<16xi32>
    %reduce_max3A_373 = arith.xori %reduce_max3A_372, %reduce_max3A_370 : vector<16xi32>
    %reduce_max3A_374 = vector.extract %reduce_max3A_373[15] : i32 from vector<16xi32>
    %multiple_of3A_375 = tpu.assume_multiple %reduce_max3A_374, 8 : i32
    %dma_start3A_376 = arith.constant 0 : i32
    %dma_start3A_377 = arith.constant 11 : i32
    %dma_start3A_378 = arith.constant 0 : i32
    %dma_start3A_379 = arith.constant 0 : i32
    %dma_start3A_380 = arith.constant 0 : i32
    %dma_start3A_381 = tpu.memref_slice %arg7[%dma_start3A_376, %dma_start3A_377, %dma_start3A_379, %dma_start3A_380] : memref<2x16x8x64xf32, #tpu.memory_space<vmem>> -> memref<1x1x8x64xf32, #tpu.memory_space<vmem>>
    %dma_start3A_382 = tpu.memref_squeeze %dma_start3A_381 : memref<1x1x8x64xf32, #tpu.memory_space<vmem>> -> memref<8x64xf32, #tpu.memory_space<vmem>>
    %dma_start3A_383 = arith.constant 0 : i32
    %dma_start3A_384 = tpu.memref_slice %arg3[%multiple_of3A_375, %dma_start3A_383] : memref<1000000x64xf32, #tpu.memory_space<hbm>> -> memref<8x64xf32, #tpu.memory_space<hbm>>
    %dma_start3A_385 = tpu.memref_slice %arg10[%dma_start3A_378] : memref<2x!tpu.dma_semaphore, #tpu.memory_space<semaphore_mem>> -> memref<1x!tpu.dma_semaphore, #tpu.memory_space<semaphore_mem>>
    %dma_start3A_386 = tpu.memref_squeeze %dma_start3A_385 : memref<1x!tpu.dma_semaphore, #tpu.memory_space<semaphore_mem>> -> memref<!tpu.dma_semaphore, #tpu.memory_space<semaphore_mem>>
    %dma_start3A_387 = arith.constant 0 : i32
    %dma_start3A_388 = arith.constant 0 : i32
    %dma_start3A_389 = tpu.memref_slice %arg7[%dma_start3A_376, %dma_start3A_377, %dma_start3A_387, %dma_start3A_388] : memref<2x16x8x64xf32, #tpu.memory_space<vmem>> -> memref<1x1x8x64xf32, #tpu.memory_space<vmem>>
    %dma_start3A_390 = tpu.memref_squeeze %dma_start3A_389 : memref<1x1x8x64xf32, #tpu.memory_space<vmem>> -> memref<8x64xf32, #tpu.memory_space<vmem>>
    %dma_start3A_391 = arith.constant 0 : i32
    %dma_start3A_392 = tpu.memref_slice %arg3[%multiple_of3A_375, %dma_start3A_391] : memref<1000000x64xf32, #tpu.memory_space<hbm>> -> memref<8x64xf32, #tpu.memory_space<hbm>>
    tpu.enqueue_dma source(%dma_start3A_392 : memref<8x64xf32, #tpu.memory_space<hbm>>) target(%dma_start3A_390 : memref<8x64xf32, #tpu.memory_space<vmem>>) target_semaphore(%dma_start3A_386 : memref<!tpu.dma_semaphore, #tpu.memory_space<semaphore_mem>>)
    %eq3A_393 = arith.constant 12 : i32
    %eq3A_394 = vector.broadcast %eq3A_393 : i32 to vector<16xi32>
    %eq3A_395 = arith.cmpi eq, %iota3A, %eq3A_394 : vector<16xi32>
    %jit3A_396 = arith.constant 0 : i32
    %broadcast_in_dim3A_397 = vector.broadcast %jit3A_396 : i32 to vector<16xi32>
    %select_n3A_398 = arith.select %eq3A_395, %shift_left3A_15, %broadcast_in_dim3A_397 : vector<16xi1>, vector<16xi32>
    %reduce_max3A_399 = arith.constant true
    %reduce_max3A_400 = vector.broadcast %reduce_max3A_399 : i1 to vector<16xi1>
    %reduce_max3A_401 = arith.constant -2147483648 : i32
    %reduce_max3A_402 = vector.broadcast %reduce_max3A_401 : i32 to vector<16xi32>
    %reduce_max3A_403 = arith.xori %select_n3A_398, %reduce_max3A_402 : vector<16xi32>
    %reduce_max3A_404 = tpu.scan <max>, %reduce_max3A_403 masked %reduce_max3A_400 : vector<16xi32>, vector<16xi1> -> vector<16xi32>
    %reduce_max3A_405 = arith.xori %reduce_max3A_404, %reduce_max3A_402 : vector<16xi32>
    %reduce_max3A_406 = vector.extract %reduce_max3A_405[15] : i32 from vector<16xi32>
    %multiple_of3A_407 = tpu.assume_multiple %reduce_max3A_406, 8 : i32
    %dma_start3A_408 = arith.constant 0 : i32
    %dma_start3A_409 = arith.constant 12 : i32
    %dma_start3A_410 = arith.constant 0 : i32
    %dma_start3A_411 = arith.constant 0 : i32
    %dma_start3A_412 = arith.constant 0 : i32
    %dma_start3A_413 = tpu.memref_slice %arg7[%dma_start3A_408, %dma_start3A_409, %dma_start3A_411, %dma_start3A_412] : memref<2x16x8x64xf32, #tpu.memory_space<vmem>> -> memref<1x1x8x64xf32, #tpu.memory_space<vmem>>
    %dma_start3A_414 = tpu.memref_squeeze %dma_start3A_413 : memref<1x1x8x64xf32, #tpu.memory_space<vmem>> -> memref<8x64xf32, #tpu.memory_space<vmem>>
    %dma_start3A_415 = arith.constant 0 : i32
    %dma_start3A_416 = tpu.memref_slice %arg3[%multiple_of3A_407, %dma_start3A_415] : memref<1000000x64xf32, #tpu.memory_space<hbm>> -> memref<8x64xf32, #tpu.memory_space<hbm>>
    %dma_start3A_417 = tpu.memref_slice %arg10[%dma_start3A_410] : memref<2x!tpu.dma_semaphore, #tpu.memory_space<semaphore_mem>> -> memref<1x!tpu.dma_semaphore, #tpu.memory_space<semaphore_mem>>
    %dma_start3A_418 = tpu.memref_squeeze %dma_start3A_417 : memref<1x!tpu.dma_semaphore, #tpu.memory_space<semaphore_mem>> -> memref<!tpu.dma_semaphore, #tpu.memory_space<semaphore_mem>>
    %dma_start3A_419 = arith.constant 0 : i32
    %dma_start3A_420 = arith.constant 0 : i32
    %dma_start3A_421 = tpu.memref_slice %arg7[%dma_start3A_408, %dma_start3A_409, %dma_start3A_419, %dma_start3A_420] : memref<2x16x8x64xf32, #tpu.memory_space<vmem>> -> memref<1x1x8x64xf32, #tpu.memory_space<vmem>>
    %dma_start3A_422 = tpu.memref_squeeze %dma_start3A_421 : memref<1x1x8x64xf32, #tpu.memory_space<vmem>> -> memref<8x64xf32, #tpu.memory_space<vmem>>
    %dma_start3A_423 = arith.constant 0 : i32
    %dma_start3A_424 = tpu.memref_slice %arg3[%multiple_of3A_407, %dma_start3A_423] : memref<1000000x64xf32, #tpu.memory_space<hbm>> -> memref<8x64xf32, #tpu.memory_space<hbm>>
    tpu.enqueue_dma source(%dma_start3A_424 : memref<8x64xf32, #tpu.memory_space<hbm>>) target(%dma_start3A_422 : memref<8x64xf32, #tpu.memory_space<vmem>>) target_semaphore(%dma_start3A_418 : memref<!tpu.dma_semaphore, #tpu.memory_space<semaphore_mem>>)
    %eq3A_425 = arith.constant 13 : i32
    %eq3A_426 = vector.broadcast %eq3A_425 : i32 to vector<16xi32>
    %eq3A_427 = arith.cmpi eq, %iota3A, %eq3A_426 : vector<16xi32>
    %jit3A_428 = arith.constant 0 : i32
    %broadcast_in_dim3A_429 = vector.broadcast %jit3A_428 : i32 to vector<16xi32>
    %select_n3A_430 = arith.select %eq3A_427, %shift_left3A_15, %broadcast_in_dim3A_429 : vector<16xi1>, vector<16xi32>
    %reduce_max3A_431 = arith.constant true
    %reduce_max3A_432 = vector.broadcast %reduce_max3A_431 : i1 to vector<16xi1>
    %reduce_max3A_433 = arith.constant -2147483648 : i32
    %reduce_max3A_434 = vector.broadcast %reduce_max3A_433 : i32 to vector<16xi32>
    %reduce_max3A_435 = arith.xori %select_n3A_430, %reduce_max3A_434 : vector<16xi32>
    %reduce_max3A_436 = tpu.scan <max>, %reduce_max3A_435 masked %reduce_max3A_432 : vector<16xi32>, vector<16xi1> -> vector<16xi32>
    %reduce_max3A_437 = arith.xori %reduce_max3A_436, %reduce_max3A_434 : vector<16xi32>
    %reduce_max3A_438 = vector.extract %reduce_max3A_437[15] : i32 from vector<16xi32>
    %multiple_of3A_439 = tpu.assume_multiple %reduce_max3A_438, 8 : i32
    %dma_start3A_440 = arith.constant 0 : i32
    %dma_start3A_441 = arith.constant 13 : i32
    %dma_start3A_442 = arith.constant 0 : i32
    %dma_start3A_443 = arith.constant 0 : i32
    %dma_start3A_444 = arith.constant 0 : i32
    %dma_start3A_445 = tpu.memref_slice %arg7[%dma_start3A_440, %dma_start3A_441, %dma_start3A_443, %dma_start3A_444] : memref<2x16x8x64xf32, #tpu.memory_space<vmem>> -> memref<1x1x8x64xf32, #tpu.memory_space<vmem>>
    %dma_start3A_446 = tpu.memref_squeeze %dma_start3A_445 : memref<1x1x8x64xf32, #tpu.memory_space<vmem>> -> memref<8x64xf32, #tpu.memory_space<vmem>>
    %dma_start3A_447 = arith.constant 0 : i32
    %dma_start3A_448 = tpu.memref_slice %arg3[%multiple_of3A_439, %dma_start3A_447] : memref<1000000x64xf32, #tpu.memory_space<hbm>> -> memref<8x64xf32, #tpu.memory_space<hbm>>
    %dma_start3A_449 = tpu.memref_slice %arg10[%dma_start3A_442] : memref<2x!tpu.dma_semaphore, #tpu.memory_space<semaphore_mem>> -> memref<1x!tpu.dma_semaphore, #tpu.memory_space<semaphore_mem>>
    %dma_start3A_450 = tpu.memref_squeeze %dma_start3A_449 : memref<1x!tpu.dma_semaphore, #tpu.memory_space<semaphore_mem>> -> memref<!tpu.dma_semaphore, #tpu.memory_space<semaphore_mem>>
    %dma_start3A_451 = arith.constant 0 : i32
    %dma_start3A_452 = arith.constant 0 : i32
    %dma_start3A_453 = tpu.memref_slice %arg7[%dma_start3A_440, %dma_start3A_441, %dma_start3A_451, %dma_start3A_452] : memref<2x16x8x64xf32, #tpu.memory_space<vmem>> -> memref<1x1x8x64xf32, #tpu.memory_space<vmem>>
    %dma_start3A_454 = tpu.memref_squeeze %dma_start3A_453 : memref<1x1x8x64xf32, #tpu.memory_space<vmem>> -> memref<8x64xf32, #tpu.memory_space<vmem>>
    %dma_start3A_455 = arith.constant 0 : i32
    %dma_start3A_456 = tpu.memref_slice %arg3[%multiple_of3A_439, %dma_start3A_455] : memref<1000000x64xf32, #tpu.memory_space<hbm>> -> memref<8x64xf32, #tpu.memory_space<hbm>>
    tpu.enqueue_dma source(%dma_start3A_456 : memref<8x64xf32, #tpu.memory_space<hbm>>) target(%dma_start3A_454 : memref<8x64xf32, #tpu.memory_space<vmem>>) target_semaphore(%dma_start3A_450 : memref<!tpu.dma_semaphore, #tpu.memory_space<semaphore_mem>>)
    %eq3A_457 = arith.constant 14 : i32
    %eq3A_458 = vector.broadcast %eq3A_457 : i32 to vector<16xi32>
    %eq3A_459 = arith.cmpi eq, %iota3A, %eq3A_458 : vector<16xi32>
    %jit3A_460 = arith.constant 0 : i32
    %broadcast_in_dim3A_461 = vector.broadcast %jit3A_460 : i32 to vector<16xi32>
    %select_n3A_462 = arith.select %eq3A_459, %shift_left3A_15, %broadcast_in_dim3A_461 : vector<16xi1>, vector<16xi32>
    %reduce_max3A_463 = arith.constant true
    %reduce_max3A_464 = vector.broadcast %reduce_max3A_463 : i1 to vector<16xi1>
    %reduce_max3A_465 = arith.constant -2147483648 : i32
    %reduce_max3A_466 = vector.broadcast %reduce_max3A_465 : i32 to vector<16xi32>
    %reduce_max3A_467 = arith.xori %select_n3A_462, %reduce_max3A_466 : vector<16xi32>
    %reduce_max3A_468 = tpu.scan <max>, %reduce_max3A_467 masked %reduce_max3A_464 : vector<16xi32>, vector<16xi1> -> vector<16xi32>
    %reduce_max3A_469 = arith.xori %reduce_max3A_468, %reduce_max3A_466 : vector<16xi32>
    %reduce_max3A_470 = vector.extract %reduce_max3A_469[15] : i32 from vector<16xi32>
    %multiple_of3A_471 = tpu.assume_multiple %reduce_max3A_470, 8 : i32
    %dma_start3A_472 = arith.constant 0 : i32
    %dma_start3A_473 = arith.constant 14 : i32
    %dma_start3A_474 = arith.constant 0 : i32
    %dma_start3A_475 = arith.constant 0 : i32
    %dma_start3A_476 = arith.constant 0 : i32
    %dma_start3A_477 = tpu.memref_slice %arg7[%dma_start3A_472, %dma_start3A_473, %dma_start3A_475, %dma_start3A_476] : memref<2x16x8x64xf32, #tpu.memory_space<vmem>> -> memref<1x1x8x64xf32, #tpu.memory_space<vmem>>
    %dma_start3A_478 = tpu.memref_squeeze %dma_start3A_477 : memref<1x1x8x64xf32, #tpu.memory_space<vmem>> -> memref<8x64xf32, #tpu.memory_space<vmem>>
    %dma_start3A_479 = arith.constant 0 : i32
    %dma_start3A_480 = tpu.memref_slice %arg3[%multiple_of3A_471, %dma_start3A_479] : memref<1000000x64xf32, #tpu.memory_space<hbm>> -> memref<8x64xf32, #tpu.memory_space<hbm>>
    %dma_start3A_481 = tpu.memref_slice %arg10[%dma_start3A_474] : memref<2x!tpu.dma_semaphore, #tpu.memory_space<semaphore_mem>> -> memref<1x!tpu.dma_semaphore, #tpu.memory_space<semaphore_mem>>
    %dma_start3A_482 = tpu.memref_squeeze %dma_start3A_481 : memref<1x!tpu.dma_semaphore, #tpu.memory_space<semaphore_mem>> -> memref<!tpu.dma_semaphore, #tpu.memory_space<semaphore_mem>>
    %dma_start3A_483 = arith.constant 0 : i32
    %dma_start3A_484 = arith.constant 0 : i32
    %dma_start3A_485 = tpu.memref_slice %arg7[%dma_start3A_472, %dma_start3A_473, %dma_start3A_483, %dma_start3A_484] : memref<2x16x8x64xf32, #tpu.memory_space<vmem>> -> memref<1x1x8x64xf32, #tpu.memory_space<vmem>>
    %dma_start3A_486 = tpu.memref_squeeze %dma_start3A_485 : memref<1x1x8x64xf32, #tpu.memory_space<vmem>> -> memref<8x64xf32, #tpu.memory_space<vmem>>
    %dma_start3A_487 = arith.constant 0 : i32
    %dma_start3A_488 = tpu.memref_slice %arg3[%multiple_of3A_471, %dma_start3A_487] : memref<1000000x64xf32, #tpu.memory_space<hbm>> -> memref<8x64xf32, #tpu.memory_space<hbm>>
    tpu.enqueue_dma source(%dma_start3A_488 : memref<8x64xf32, #tpu.memory_space<hbm>>) target(%dma_start3A_486 : memref<8x64xf32, #tpu.memory_space<vmem>>) target_semaphore(%dma_start3A_482 : memref<!tpu.dma_semaphore, #tpu.memory_space<semaphore_mem>>)
    %eq3A_489 = arith.constant 15 : i32
    %eq3A_490 = vector.broadcast %eq3A_489 : i32 to vector<16xi32>
    %eq3A_491 = arith.cmpi eq, %iota3A, %eq3A_490 : vector<16xi32>
    %jit3A_492 = arith.constant 0 : i32
    %broadcast_in_dim3A_493 = vector.broadcast %jit3A_492 : i32 to vector<16xi32>
    %select_n3A_494 = arith.select %eq3A_491, %shift_left3A_15, %broadcast_in_dim3A_493 : vector<16xi1>, vector<16xi32>
    %reduce_max3A_495 = arith.constant true
    %reduce_max3A_496 = vector.broadcast %reduce_max3A_495 : i1 to vector<16xi1>
    %reduce_max3A_497 = arith.constant -2147483648 : i32
    %reduce_max3A_498 = vector.broadcast %reduce_max3A_497 : i32 to vector<16xi32>
    %reduce_max3A_499 = arith.xori %select_n3A_494, %reduce_max3A_498 : vector<16xi32>
    %reduce_max3A_500 = tpu.scan <max>, %reduce_max3A_499 masked %reduce_max3A_496 : vector<16xi32>, vector<16xi1> -> vector<16xi32>
    %reduce_max3A_501 = arith.xori %reduce_max3A_500, %reduce_max3A_498 : vector<16xi32>
    %reduce_max3A_502 = vector.extract %reduce_max3A_501[15] : i32 from vector<16xi32>
    %multiple_of3A_503 = tpu.assume_multiple %reduce_max3A_502, 8 : i32
    %dma_start3A_504 = arith.constant 0 : i32
    %dma_start3A_505 = arith.constant 15 : i32
    %dma_start3A_506 = arith.constant 0 : i32
    %dma_start3A_507 = arith.constant 0 : i32
    %dma_start3A_508 = arith.constant 0 : i32
    %dma_start3A_509 = tpu.memref_slice %arg7[%dma_start3A_504, %dma_start3A_505, %dma_start3A_507, %dma_start3A_508] : memref<2x16x8x64xf32, #tpu.memory_space<vmem>> -> memref<1x1x8x64xf32, #tpu.memory_space<vmem>>
    %dma_start3A_510 = tpu.memref_squeeze %dma_start3A_509 : memref<1x1x8x64xf32, #tpu.memory_space<vmem>> -> memref<8x64xf32, #tpu.memory_space<vmem>>
    %dma_start3A_511 = arith.constant 0 : i32
    %dma_start3A_512 = tpu.memref_slice %arg3[%multiple_of3A_503, %dma_start3A_511] : memref<1000000x64xf32, #tpu.memory_space<hbm>> -> memref<8x64xf32, #tpu.memory_space<hbm>>
    %dma_start3A_513 = tpu.memref_slice %arg10[%dma_start3A_506] : memref<2x!tpu.dma_semaphore, #tpu.memory_space<semaphore_mem>> -> memref<1x!tpu.dma_semaphore, #tpu.memory_space<semaphore_mem>>
    %dma_start3A_514 = tpu.memref_squeeze %dma_start3A_513 : memref<1x!tpu.dma_semaphore, #tpu.memory_space<semaphore_mem>> -> memref<!tpu.dma_semaphore, #tpu.memory_space<semaphore_mem>>
    %dma_start3A_515 = arith.constant 0 : i32
    %dma_start3A_516 = arith.constant 0 : i32
    %dma_start3A_517 = tpu.memref_slice %arg7[%dma_start3A_504, %dma_start3A_505, %dma_start3A_515, %dma_start3A_516] : memref<2x16x8x64xf32, #tpu.memory_space<vmem>> -> memref<1x1x8x64xf32, #tpu.memory_space<vmem>>
    %dma_start3A_518 = tpu.memref_squeeze %dma_start3A_517 : memref<1x1x8x64xf32, #tpu.memory_space<vmem>> -> memref<8x64xf32, #tpu.memory_space<vmem>>
    %dma_start3A_519 = arith.constant 0 : i32
    %dma_start3A_520 = tpu.memref_slice %arg3[%multiple_of3A_503, %dma_start3A_519] : memref<1000000x64xf32, #tpu.memory_space<hbm>> -> memref<8x64xf32, #tpu.memory_space<hbm>>
    tpu.enqueue_dma source(%dma_start3A_520 : memref<8x64xf32, #tpu.memory_space<hbm>>) target(%dma_start3A_518 : memref<8x64xf32, #tpu.memory_space<vmem>>) target_semaphore(%dma_start3A_514 : memref<!tpu.dma_semaphore, #tpu.memory_space<semaphore_mem>>)
    %scan3A = arith.constant 0 : i32
    %scan3A_521 = arith.constant 0 : i32
    %scan3A_522 = arith.constant 32 : i32
    %scan3A_523 = arith.addi %scan3A_521, %scan3A_522 : i32
    %scan3A_524 = arith.constant 1 : i32
    scf.for %scan3A_526 = %scan3A_521 to %scan3A_523 step %scan3A_524  : i32 {
      %rem3A = arith.constant 2 : i32
      %rem3A_527 = arith.remsi %scan3A_526, %rem3A : i32
      %add3A_528 = arith.constant 1 : i32
      %add3A_529 = arith.addi %scan3A_526, %add3A_528 : i32
      %lt3A = arith.constant 32 : i32
      %lt3A_530 = arith.cmpi slt, %add3A_529, %lt3A : i32
      %convert_element_type3A = arith.extui %lt3A_530 : i1 to i32
      %cond3A = arith.constant 0 : i32
      %cond3A_531 = arith.cmpi ne, %convert_element_type3A, %cond3A : i32
      scf.if %cond3A_531 {
        %add3A_1848 = arith.constant 1 : i32
        %add3A_1849 = arith.addi %scan3A_526, %add3A_1848 : i32
        %add3A_1850 = arith.constant 1 : i32
        %add3A_1851 = arith.addi %scan3A_526, %add3A_1850 : i32
        %rem3A_1852 = arith.constant 2 : i32
        %rem3A_1853 = arith.remsi %add3A_1851, %rem3A_1852 : i32
        %mul3A_1854 = arith.constant 16 : i32
        %mul3A_1855 = arith.muli %add3A_1849, %mul3A_1854 : i32
        %get3A_1856 = arith.index_cast %mul3A_1855 : i32 to index
        %get3A_1857 = tpu.vector_load %arg6[%get3A_1856] {strides = array<i32>} : memref<512xi32, #tpu.memory_space<vmem>>, vector<16xi32>,
        %shift_right_logical3A_1858 = arith.constant 3 : i32
        %shift_right_logical3A_1859 = vector.broadcast %shift_right_logical3A_1858 : i32 to vector<16xi32>
        %shift_right_logical3A_1860 = arith.shrui %get3A_1857, %shift_right_logical3A_1859 : vector<16xi32>
        %shift_left3A_1861 = arith.constant 3 : i32
        %shift_left3A_1862 = vector.broadcast %shift_left3A_1861 : i32 to vector<16xi32>
        %shift_left3A_1863 = arith.shli %shift_right_logical3A_1860, %shift_left3A_1862 : vector<16xi32>
        %eq3A_1864 = arith.constant 0 : i32
        %eq3A_1865 = vector.broadcast %eq3A_1864 : i32 to vector<16xi32>
        %eq3A_1866 = arith.cmpi eq, %iota3A, %eq3A_1865 : vector<16xi32>
        %jit3A_1867 = arith.constant 0 : i32
        %broadcast_in_dim3A_1868 = vector.broadcast %jit3A_1867 : i32 to vector<16xi32>
        %select_n3A_1869 = arith.select %eq3A_1866, %shift_left3A_1863, %broadcast_in_dim3A_1868 : vector<16xi1>, vector<16xi32>
        %reduce_max3A_1870 = arith.constant true
        %reduce_max3A_1871 = vector.broadcast %reduce_max3A_1870 : i1 to vector<16xi1>
        %reduce_max3A_1872 = arith.constant -2147483648 : i32
        %reduce_max3A_1873 = vector.broadcast %reduce_max3A_1872 : i32 to vector<16xi32>
        %reduce_max3A_1874 = arith.xori %select_n3A_1869, %reduce_max3A_1873 : vector<16xi32>
        %reduce_max3A_1875 = tpu.scan <max>, %reduce_max3A_1874 masked %reduce_max3A_1871 : vector<16xi32>, vector<16xi1> -> vector<16xi32>
        %reduce_max3A_1876 = arith.xori %reduce_max3A_1875, %reduce_max3A_1873 : vector<16xi32>
        %reduce_max3A_1877 = vector.extract %reduce_max3A_1876[15] : i32 from vector<16xi32>
        %multiple_of3A_1878 = tpu.assume_multiple %reduce_max3A_1877, 8 : i32
        %dma_start3A_1879 = arith.constant 0 : i32
        %dma_start3A_1880 = arith.constant 0 : i32
        %dma_start3A_1881 = arith.constant 0 : i32
        %dma_start3A_1882 = tpu.memref_slice %arg7[%rem3A_1853, %dma_start3A_1879, %dma_start3A_1880, %dma_start3A_1881] : memref<2x16x8x64xf32, #tpu.memory_space<vmem>> -> memref<1x1x8x64xf32, #tpu.memory_space<vmem>>
        %dma_start3A_1883 = tpu.memref_squeeze %dma_start3A_1882 : memref<1x1x8x64xf32, #tpu.memory_space<vmem>> -> memref<8x64xf32, #tpu.memory_space<vmem>>
        %dma_start3A_1884 = arith.constant 0 : i32
        %dma_start3A_1885 = tpu.memref_slice %arg3[%multiple_of3A_1878, %dma_start3A_1884] : memref<1000000x64xf32, #tpu.memory_space<hbm>> -> memref<8x64xf32, #tpu.memory_space<hbm>>
        %dma_start3A_1886 = tpu.memref_slice %arg10[%rem3A_1853] : memref<2x!tpu.dma_semaphore, #tpu.memory_space<semaphore_mem>> -> memref<1x!tpu.dma_semaphore, #tpu.memory_space<semaphore_mem>>
        %dma_start3A_1887 = tpu.memref_squeeze %dma_start3A_1886 : memref<1x!tpu.dma_semaphore, #tpu.memory_space<semaphore_mem>> -> memref<!tpu.dma_semaphore, #tpu.memory_space<semaphore_mem>>
        %dma_start3A_1888 = arith.constant 0 : i32
        %dma_start3A_1889 = arith.constant 0 : i32
        %dma_start3A_1890 = tpu.memref_slice %arg7[%rem3A_1853, %dma_start3A_1879, %dma_start3A_1888, %dma_start3A_1889] : memref<2x16x8x64xf32, #tpu.memory_space<vmem>> -> memref<1x1x8x64xf32, #tpu.memory_space<vmem>>
        %dma_start3A_1891 = tpu.memref_squeeze %dma_start3A_1890 : memref<1x1x8x64xf32, #tpu.memory_space<vmem>> -> memref<8x64xf32, #tpu.memory_space<vmem>>
        %dma_start3A_1892 = arith.constant 0 : i32
        %dma_start3A_1893 = tpu.memref_slice %arg3[%multiple_of3A_1878, %dma_start3A_1892] : memref<1000000x64xf32, #tpu.memory_space<hbm>> -> memref<8x64xf32, #tpu.memory_space<hbm>>
        tpu.enqueue_dma source(%dma_start3A_1893 : memref<8x64xf32, #tpu.memory_space<hbm>>) target(%dma_start3A_1891 : memref<8x64xf32, #tpu.memory_space<vmem>>) target_semaphore(%dma_start3A_1887 : memref<!tpu.dma_semaphore, #tpu.memory_space<semaphore_mem>>)
        %eq3A_1894 = arith.constant 1 : i32
        %eq3A_1895 = vector.broadcast %eq3A_1894 : i32 to vector<16xi32>
        %eq3A_1896 = arith.cmpi eq, %iota3A, %eq3A_1895 : vector<16xi32>
        %jit3A_1897 = arith.constant 0 : i32
        %broadcast_in_dim3A_1898 = vector.broadcast %jit3A_1897 : i32 to vector<16xi32>
        %select_n3A_1899 = arith.select %eq3A_1896, %shift_left3A_1863, %broadcast_in_dim3A_1898 : vector<16xi1>, vector<16xi32>
        %reduce_max3A_1900 = arith.constant true
        %reduce_max3A_1901 = vector.broadcast %reduce_max3A_1900 : i1 to vector<16xi1>
        %reduce_max3A_1902 = arith.constant -2147483648 : i32
        %reduce_max3A_1903 = vector.broadcast %reduce_max3A_1902 : i32 to vector<16xi32>
        %reduce_max3A_1904 = arith.xori %select_n3A_1899, %reduce_max3A_1903 : vector<16xi32>
        %reduce_max3A_1905 = tpu.scan <max>, %reduce_max3A_1904 masked %reduce_max3A_1901 : vector<16xi32>, vector<16xi1> -> vector<16xi32>
        %reduce_max3A_1906 = arith.xori %reduce_max3A_1905, %reduce_max3A_1903 : vector<16xi32>
        %reduce_max3A_1907 = vector.extract %reduce_max3A_1906[15] : i32 from vector<16xi32>
        %multiple_of3A_1908 = tpu.assume_multiple %reduce_max3A_1907, 8 : i32
        %dma_start3A_1909 = arith.constant 1 : i32
        %dma_start3A_1910 = arith.constant 0 : i32
        %dma_start3A_1911 = arith.constant 0 : i32
        %dma_start3A_1912 = tpu.memref_slice %arg7[%rem3A_1853, %dma_start3A_1909, %dma_start3A_1910, %dma_start3A_1911] : memref<2x16x8x64xf32, #tpu.memory_space<vmem>> -> memref<1x1x8x64xf32, #tpu.memory_space<vmem>>
        %dma_start3A_1913 = tpu.memref_squeeze %dma_start3A_1912 : memref<1x1x8x64xf32, #tpu.memory_space<vmem>> -> memref<8x64xf32, #tpu.memory_space<vmem>>
        %dma_start3A_1914 = arith.constant 0 : i32
        %dma_start3A_1915 = tpu.memref_slice %arg3[%multiple_of3A_1908, %dma_start3A_1914] : memref<1000000x64xf32, #tpu.memory_space<hbm>> -> memref<8x64xf32, #tpu.memory_space<hbm>>
        %dma_start3A_1916 = tpu.memref_slice %arg10[%rem3A_1853] : memref<2x!tpu.dma_semaphore, #tpu.memory_space<semaphore_mem>> -> memref<1x!tpu.dma_semaphore, #tpu.memory_space<semaphore_mem>>
        %dma_start3A_1917 = tpu.memref_squeeze %dma_start3A_1916 : memref<1x!tpu.dma_semaphore, #tpu.memory_space<semaphore_mem>> -> memref<!tpu.dma_semaphore, #tpu.memory_space<semaphore_mem>>
        %dma_start3A_1918 = arith.constant 0 : i32
        %dma_start3A_1919 = arith.constant 0 : i32
        %dma_start3A_1920 = tpu.memref_slice %arg7[%rem3A_1853, %dma_start3A_1909, %dma_start3A_1918, %dma_start3A_1919] : memref<2x16x8x64xf32, #tpu.memory_space<vmem>> -> memref<1x1x8x64xf32, #tpu.memory_space<vmem>>
        %dma_start3A_1921 = tpu.memref_squeeze %dma_start3A_1920 : memref<1x1x8x64xf32, #tpu.memory_space<vmem>> -> memref<8x64xf32, #tpu.memory_space<vmem>>
        %dma_start3A_1922 = arith.constant 0 : i32
        %dma_start3A_1923 = tpu.memref_slice %arg3[%multiple_of3A_1908, %dma_start3A_1922] : memref<1000000x64xf32, #tpu.memory_space<hbm>> -> memref<8x64xf32, #tpu.memory_space<hbm>>
        tpu.enqueue_dma source(%dma_start3A_1923 : memref<8x64xf32, #tpu.memory_space<hbm>>) target(%dma_start3A_1921 : memref<8x64xf32, #tpu.memory_space<vmem>>) target_semaphore(%dma_start3A_1917 : memref<!tpu.dma_semaphore, #tpu.memory_space<semaphore_mem>>)
        %eq3A_1924 = arith.constant 2 : i32
        %eq3A_1925 = vector.broadcast %eq3A_1924 : i32 to vector<16xi32>
        %eq3A_1926 = arith.cmpi eq, %iota3A, %eq3A_1925 : vector<16xi32>
        %jit3A_1927 = arith.constant 0 : i32
        %broadcast_in_dim3A_1928 = vector.broadcast %jit3A_1927 : i32 to vector<16xi32>
        %select_n3A_1929 = arith.select %eq3A_1926, %shift_left3A_1863, %broadcast_in_dim3A_1928 : vector<16xi1>, vector<16xi32>
        %reduce_max3A_1930 = arith.constant true
        %reduce_max3A_1931 = vector.broadcast %reduce_max3A_1930 : i1 to vector<16xi1>
        %reduce_max3A_1932 = arith.constant -2147483648 : i32
        %reduce_max3A_1933 = vector.broadcast %reduce_max3A_1932 : i32 to vector<16xi32>
        %reduce_max3A_1934 = arith.xori %select_n3A_1929, %reduce_max3A_1933 : vector<16xi32>
        %reduce_max3A_1935 = tpu.scan <max>, %reduce_max3A_1934 masked %reduce_max3A_1931 : vector<16xi32>, vector<16xi1> -> vector<16xi32>
        %reduce_max3A_1936 = arith.xori %reduce_max3A_1935, %reduce_max3A_1933 : vector<16xi32>
        %reduce_max3A_1937 = vector.extract %reduce_max3A_1936[15] : i32 from vector<16xi32>
        %multiple_of3A_1938 = tpu.assume_multiple %reduce_max3A_1937, 8 : i32
        %dma_start3A_1939 = arith.constant 2 : i32
        %dma_start3A_1940 = arith.constant 0 : i32
        %dma_start3A_1941 = arith.constant 0 : i32
        %dma_start3A_1942 = tpu.memref_slice %arg7[%rem3A_1853, %dma_start3A_1939, %dma_start3A_1940, %dma_start3A_1941] : memref<2x16x8x64xf32, #tpu.memory_space<vmem>> -> memref<1x1x8x64xf32, #tpu.memory_space<vmem>>
        %dma_start3A_1943 = tpu.memref_squeeze %dma_start3A_1942 : memref<1x1x8x64xf32, #tpu.memory_space<vmem>> -> memref<8x64xf32, #tpu.memory_space<vmem>>
        %dma_start3A_1944 = arith.constant 0 : i32
        %dma_start3A_1945 = tpu.memref_slice %arg3[%multiple_of3A_1938, %dma_start3A_1944] : memref<1000000x64xf32, #tpu.memory_space<hbm>> -> memref<8x64xf32, #tpu.memory_space<hbm>>
        %dma_start3A_1946 = tpu.memref_slice %arg10[%rem3A_1853] : memref<2x!tpu.dma_semaphore, #tpu.memory_space<semaphore_mem>> -> memref<1x!tpu.dma_semaphore, #tpu.memory_space<semaphore_mem>>
        %dma_start3A_1947 = tpu.memref_squeeze %dma_start3A_1946 : memref<1x!tpu.dma_semaphore, #tpu.memory_space<semaphore_mem>> -> memref<!tpu.dma_semaphore, #tpu.memory_space<semaphore_mem>>
        %dma_start3A_1948 = arith.constant 0 : i32
        %dma_start3A_1949 = arith.constant 0 : i32
        %dma_start3A_1950 = tpu.memref_slice %arg7[%rem3A_1853, %dma_start3A_1939, %dma_start3A_1948, %dma_start3A_1949] : memref<2x16x8x64xf32, #tpu.memory_space<vmem>> -> memref<1x1x8x64xf32, #tpu.memory_space<vmem>>
        %dma_start3A_1951 = tpu.memref_squeeze %dma_start3A_1950 : memref<1x1x8x64xf32, #tpu.memory_space<vmem>> -> memref<8x64xf32, #tpu.memory_space<vmem>>
        %dma_start3A_1952 = arith.constant 0 : i32
        %dma_start3A_1953 = tpu.memref_slice %arg3[%multiple_of3A_1938, %dma_start3A_1952] : memref<1000000x64xf32, #tpu.memory_space<hbm>> -> memref<8x64xf32, #tpu.memory_space<hbm>>
        tpu.enqueue_dma source(%dma_start3A_1953 : memref<8x64xf32, #tpu.memory_space<hbm>>) target(%dma_start3A_1951 : memref<8x64xf32, #tpu.memory_space<vmem>>) target_semaphore(%dma_start3A_1947 : memref<!tpu.dma_semaphore, #tpu.memory_space<semaphore_mem>>)
        %eq3A_1954 = arith.constant 3 : i32
        %eq3A_1955 = vector.broadcast %eq3A_1954 : i32 to vector<16xi32>
        %eq3A_1956 = arith.cmpi eq, %iota3A, %eq3A_1955 : vector<16xi32>
        %jit3A_1957 = arith.constant 0 : i32
        %broadcast_in_dim3A_1958 = vector.broadcast %jit3A_1957 : i32 to vector<16xi32>
        %select_n3A_1959 = arith.select %eq3A_1956, %shift_left3A_1863, %broadcast_in_dim3A_1958 : vector<16xi1>, vector<16xi32>
        %reduce_max3A_1960 = arith.constant true
        %reduce_max3A_1961 = vector.broadcast %reduce_max3A_1960 : i1 to vector<16xi1>
        %reduce_max3A_1962 = arith.constant -2147483648 : i32
        %reduce_max3A_1963 = vector.broadcast %reduce_max3A_1962 : i32 to vector<16xi32>
        %reduce_max3A_1964 = arith.xori %select_n3A_1959, %reduce_max3A_1963 : vector<16xi32>
        %reduce_max3A_1965 = tpu.scan <max>, %reduce_max3A_1964 masked %reduce_max3A_1961 : vector<16xi32>, vector<16xi1> -> vector<16xi32>
        %reduce_max3A_1966 = arith.xori %reduce_max3A_1965, %reduce_max3A_1963 : vector<16xi32>
        %reduce_max3A_1967 = vector.extract %reduce_max3A_1966[15] : i32 from vector<16xi32>
        %multiple_of3A_1968 = tpu.assume_multiple %reduce_max3A_1967, 8 : i32
        %dma_start3A_1969 = arith.constant 3 : i32
        %dma_start3A_1970 = arith.constant 0 : i32
        %dma_start3A_1971 = arith.constant 0 : i32
        %dma_start3A_1972 = tpu.memref_slice %arg7[%rem3A_1853, %dma_start3A_1969, %dma_start3A_1970, %dma_start3A_1971] : memref<2x16x8x64xf32, #tpu.memory_space<vmem>> -> memref<1x1x8x64xf32, #tpu.memory_space<vmem>>
        %dma_start3A_1973 = tpu.memref_squeeze %dma_start3A_1972 : memref<1x1x8x64xf32, #tpu.memory_space<vmem>> -> memref<8x64xf32, #tpu.memory_space<vmem>>
        %dma_start3A_1974 = arith.constant 0 : i32
        %dma_start3A_1975 = tpu.memref_slice %arg3[%multiple_of3A_1968, %dma_start3A_1974] : memref<1000000x64xf32, #tpu.memory_space<hbm>> -> memref<8x64xf32, #tpu.memory_space<hbm>>
        %dma_start3A_1976 = tpu.memref_slice %arg10[%rem3A_1853] : memref<2x!tpu.dma_semaphore, #tpu.memory_space<semaphore_mem>> -> memref<1x!tpu.dma_semaphore, #tpu.memory_space<semaphore_mem>>
        %dma_start3A_1977 = tpu.memref_squeeze %dma_start3A_1976 : memref<1x!tpu.dma_semaphore, #tpu.memory_space<semaphore_mem>> -> memref<!tpu.dma_semaphore, #tpu.memory_space<semaphore_mem>>
        %dma_start3A_1978 = arith.constant 0 : i32
        %dma_start3A_1979 = arith.constant 0 : i32
        %dma_start3A_1980 = tpu.memref_slice %arg7[%rem3A_1853, %dma_start3A_1969, %dma_start3A_1978, %dma_start3A_1979] : memref<2x16x8x64xf32, #tpu.memory_space<vmem>> -> memref<1x1x8x64xf32, #tpu.memory_space<vmem>>
        %dma_start3A_1981 = tpu.memref_squeeze %dma_start3A_1980 : memref<1x1x8x64xf32, #tpu.memory_space<vmem>> -> memref<8x64xf32, #tpu.memory_space<vmem>>
        %dma_start3A_1982 = arith.constant 0 : i32
        %dma_start3A_1983 = tpu.memref_slice %arg3[%multiple_of3A_1968, %dma_start3A_1982] : memref<1000000x64xf32, #tpu.memory_space<hbm>> -> memref<8x64xf32, #tpu.memory_space<hbm>>
        tpu.enqueue_dma source(%dma_start3A_1983 : memref<8x64xf32, #tpu.memory_space<hbm>>) target(%dma_start3A_1981 : memref<8x64xf32, #tpu.memory_space<vmem>>) target_semaphore(%dma_start3A_1977 : memref<!tpu.dma_semaphore, #tpu.memory_space<semaphore_mem>>)
        %eq3A_1984 = arith.constant 4 : i32
        %eq3A_1985 = vector.broadcast %eq3A_1984 : i32 to vector<16xi32>
        %eq3A_1986 = arith.cmpi eq, %iota3A, %eq3A_1985 : vector<16xi32>
        %jit3A_1987 = arith.constant 0 : i32
        %broadcast_in_dim3A_1988 = vector.broadcast %jit3A_1987 : i32 to vector<16xi32>
        %select_n3A_1989 = arith.select %eq3A_1986, %shift_left3A_1863, %broadcast_in_dim3A_1988 : vector<16xi1>, vector<16xi32>
        %reduce_max3A_1990 = arith.constant true
        %reduce_max3A_1991 = vector.broadcast %reduce_max3A_1990 : i1 to vector<16xi1>
        %reduce_max3A_1992 = arith.constant -2147483648 : i32
        %reduce_max3A_1993 = vector.broadcast %reduce_max3A_1992 : i32 to vector<16xi32>
        %reduce_max3A_1994 = arith.xori %select_n3A_1989, %reduce_max3A_1993 : vector<16xi32>
        %reduce_max3A_1995 = tpu.scan <max>, %reduce_max3A_1994 masked %reduce_max3A_1991 : vector<16xi32>, vector<16xi1> -> vector<16xi32>
        %reduce_max3A_1996 = arith.xori %reduce_max3A_1995, %reduce_max3A_1993 : vector<16xi32>
        %reduce_max3A_1997 = vector.extract %reduce_max3A_1996[15] : i32 from vector<16xi32>
        %multiple_of3A_1998 = tpu.assume_multiple %reduce_max3A_1997, 8 : i32
        %dma_start3A_1999 = arith.constant 4 : i32
        %dma_start3A_2000 = arith.constant 0 : i32
        %dma_start3A_2001 = arith.constant 0 : i32
        %dma_start3A_2002 = tpu.memref_slice %arg7[%rem3A_1853, %dma_start3A_1999, %dma_start3A_2000, %dma_start3A_2001] : memref<2x16x8x64xf32, #tpu.memory_space<vmem>> -> memref<1x1x8x64xf32, #tpu.memory_space<vmem>>
        %dma_start3A_2003 = tpu.memref_squeeze %dma_start3A_2002 : memref<1x1x8x64xf32, #tpu.memory_space<vmem>> -> memref<8x64xf32, #tpu.memory_space<vmem>>
        %dma_start3A_2004 = arith.constant 0 : i32
        %dma_start3A_2005 = tpu.memref_slice %arg3[%multiple_of3A_1998, %dma_start3A_2004] : memref<1000000x64xf32, #tpu.memory_space<hbm>> -> memref<8x64xf32, #tpu.memory_space<hbm>>
        %dma_start3A_2006 = tpu.memref_slice %arg10[%rem3A_1853] : memref<2x!tpu.dma_semaphore, #tpu.memory_space<semaphore_mem>> -> memref<1x!tpu.dma_semaphore, #tpu.memory_space<semaphore_mem>>
        %dma_start3A_2007 = tpu.memref_squeeze %dma_start3A_2006 : memref<1x!tpu.dma_semaphore, #tpu.memory_space<semaphore_mem>> -> memref<!tpu.dma_semaphore, #tpu.memory_space<semaphore_mem>>
        %dma_start3A_2008 = arith.constant 0 : i32
        %dma_start3A_2009 = arith.constant 0 : i32
        %dma_start3A_2010 = tpu.memref_slice %arg7[%rem3A_1853, %dma_start3A_1999, %dma_start3A_2008, %dma_start3A_2009] : memref<2x16x8x64xf32, #tpu.memory_space<vmem>> -> memref<1x1x8x64xf32, #tpu.memory_space<vmem>>
        %dma_start3A_2011 = tpu.memref_squeeze %dma_start3A_2010 : memref<1x1x8x64xf32, #tpu.memory_space<vmem>> -> memref<8x64xf32, #tpu.memory_space<vmem>>
        %dma_start3A_2012 = arith.constant 0 : i32
        %dma_start3A_2013 = tpu.memref_slice %arg3[%multiple_of3A_1998, %dma_start3A_2012] : memref<1000000x64xf32, #tpu.memory_space<hbm>> -> memref<8x64xf32, #tpu.memory_space<hbm>>
        tpu.enqueue_dma source(%dma_start3A_2013 : memref<8x64xf32, #tpu.memory_space<hbm>>) target(%dma_start3A_2011 : memref<8x64xf32, #tpu.memory_space<vmem>>) target_semaphore(%dma_start3A_2007 : memref<!tpu.dma_semaphore, #tpu.memory_space<semaphore_mem>>)
        %eq3A_2014 = arith.constant 5 : i32
        %eq3A_2015 = vector.broadcast %eq3A_2014 : i32 to vector<16xi32>
        %eq3A_2016 = arith.cmpi eq, %iota3A, %eq3A_2015 : vector<16xi32>
        %jit3A_2017 = arith.constant 0 : i32
        %broadcast_in_dim3A_2018 = vector.broadcast %jit3A_2017 : i32 to vector<16xi32>
        %select_n3A_2019 = arith.select %eq3A_2016, %shift_left3A_1863, %broadcast_in_dim3A_2018 : vector<16xi1>, vector<16xi32>
        %reduce_max3A_2020 = arith.constant true
        %reduce_max3A_2021 = vector.broadcast %reduce_max3A_2020 : i1 to vector<16xi1>
        %reduce_max3A_2022 = arith.constant -2147483648 : i32
        %reduce_max3A_2023 = vector.broadcast %reduce_max3A_2022 : i32 to vector<16xi32>
        %reduce_max3A_2024 = arith.xori %select_n3A_2019, %reduce_max3A_2023 : vector<16xi32>
        %reduce_max3A_2025 = tpu.scan <max>, %reduce_max3A_2024 masked %reduce_max3A_2021 : vector<16xi32>, vector<16xi1> -> vector<16xi32>
        %reduce_max3A_2026 = arith.xori %reduce_max3A_2025, %reduce_max3A_2023 : vector<16xi32>
        %reduce_max3A_2027 = vector.extract %reduce_max3A_2026[15] : i32 from vector<16xi32>
        %multiple_of3A_2028 = tpu.assume_multiple %reduce_max3A_2027, 8 : i32
        %dma_start3A_2029 = arith.constant 5 : i32
        %dma_start3A_2030 = arith.constant 0 : i32
        %dma_start3A_2031 = arith.constant 0 : i32
        %dma_start3A_2032 = tpu.memref_slice %arg7[%rem3A_1853, %dma_start3A_2029, %dma_start3A_2030, %dma_start3A_2031] : memref<2x16x8x64xf32, #tpu.memory_space<vmem>> -> memref<1x1x8x64xf32, #tpu.memory_space<vmem>>
        %dma_start3A_2033 = tpu.memref_squeeze %dma_start3A_2032 : memref<1x1x8x64xf32, #tpu.memory_space<vmem>> -> memref<8x64xf32, #tpu.memory_space<vmem>>
        %dma_start3A_2034 = arith.constant 0 : i32
        %dma_start3A_2035 = tpu.memref_slice %arg3[%multiple_of3A_2028, %dma_start3A_2034] : memref<1000000x64xf32, #tpu.memory_space<hbm>> -> memref<8x64xf32, #tpu.memory_space<hbm>>
        %dma_start3A_2036 = tpu.memref_slice %arg10[%rem3A_1853] : memref<2x!tpu.dma_semaphore, #tpu.memory_space<semaphore_mem>> -> memref<1x!tpu.dma_semaphore, #tpu.memory_space<semaphore_mem>>
        %dma_start3A_2037 = tpu.memref_squeeze %dma_start3A_2036 : memref<1x!tpu.dma_semaphore, #tpu.memory_space<semaphore_mem>> -> memref<!tpu.dma_semaphore, #tpu.memory_space<semaphore_mem>>
        %dma_start3A_2038 = arith.constant 0 : i32
        %dma_start3A_2039 = arith.constant 0 : i32
        %dma_start3A_2040 = tpu.memref_slice %arg7[%rem3A_1853, %dma_start3A_2029, %dma_start3A_2038, %dma_start3A_2039] : memref<2x16x8x64xf32, #tpu.memory_space<vmem>> -> memref<1x1x8x64xf32, #tpu.memory_space<vmem>>
        %dma_start3A_2041 = tpu.memref_squeeze %dma_start3A_2040 : memref<1x1x8x64xf32, #tpu.memory_space<vmem>> -> memref<8x64xf32, #tpu.memory_space<vmem>>
        %dma_start3A_2042 = arith.constant 0 : i32
        %dma_start3A_2043 = tpu.memref_slice %arg3[%multiple_of3A_2028, %dma_start3A_2042] : memref<1000000x64xf32, #tpu.memory_space<hbm>> -> memref<8x64xf32, #tpu.memory_space<hbm>>
        tpu.enqueue_dma source(%dma_start3A_2043 : memref<8x64xf32, #tpu.memory_space<hbm>>) target(%dma_start3A_2041 : memref<8x64xf32, #tpu.memory_space<vmem>>) target_semaphore(%dma_start3A_2037 : memref<!tpu.dma_semaphore, #tpu.memory_space<semaphore_mem>>)
        %eq3A_2044 = arith.constant 6 : i32
        %eq3A_2045 = vector.broadcast %eq3A_2044 : i32 to vector<16xi32>
        %eq3A_2046 = arith.cmpi eq, %iota3A, %eq3A_2045 : vector<16xi32>
        %jit3A_2047 = arith.constant 0 : i32
        %broadcast_in_dim3A_2048 = vector.broadcast %jit3A_2047 : i32 to vector<16xi32>
        %select_n3A_2049 = arith.select %eq3A_2046, %shift_left3A_1863, %broadcast_in_dim3A_2048 : vector<16xi1>, vector<16xi32>
        %reduce_max3A_2050 = arith.constant true
        %reduce_max3A_2051 = vector.broadcast %reduce_max3A_2050 : i1 to vector<16xi1>
        %reduce_max3A_2052 = arith.constant -2147483648 : i32
        %reduce_max3A_2053 = vector.broadcast %reduce_max3A_2052 : i32 to vector<16xi32>
        %reduce_max3A_2054 = arith.xori %select_n3A_2049, %reduce_max3A_2053 : vector<16xi32>
        %reduce_max3A_2055 = tpu.scan <max>, %reduce_max3A_2054 masked %reduce_max3A_2051 : vector<16xi32>, vector<16xi1> -> vector<16xi32>
        %reduce_max3A_2056 = arith.xori %reduce_max3A_2055, %reduce_max3A_2053 : vector<16xi32>
        %reduce_max3A_2057 = vector.extract %reduce_max3A_2056[15] : i32 from vector<16xi32>
        %multiple_of3A_2058 = tpu.assume_multiple %reduce_max3A_2057, 8 : i32
        %dma_start3A_2059 = arith.constant 6 : i32
        %dma_start3A_2060 = arith.constant 0 : i32
        %dma_start3A_2061 = arith.constant 0 : i32
        %dma_start3A_2062 = tpu.memref_slice %arg7[%rem3A_1853, %dma_start3A_2059, %dma_start3A_2060, %dma_start3A_2061] : memref<2x16x8x64xf32, #tpu.memory_space<vmem>> -> memref<1x1x8x64xf32, #tpu.memory_space<vmem>>
        %dma_start3A_2063 = tpu.memref_squeeze %dma_start3A_2062 : memref<1x1x8x64xf32, #tpu.memory_space<vmem>> -> memref<8x64xf32, #tpu.memory_space<vmem>>
        %dma_start3A_2064 = arith.constant 0 : i32
        %dma_start3A_2065 = tpu.memref_slice %arg3[%multiple_of3A_2058, %dma_start3A_2064] : memref<1000000x64xf32, #tpu.memory_space<hbm>> -> memref<8x64xf32, #tpu.memory_space<hbm>>
        %dma_start3A_2066 = tpu.memref_slice %arg10[%rem3A_1853] : memref<2x!tpu.dma_semaphore, #tpu.memory_space<semaphore_mem>> -> memref<1x!tpu.dma_semaphore, #tpu.memory_space<semaphore_mem>>
        %dma_start3A_2067 = tpu.memref_squeeze %dma_start3A_2066 : memref<1x!tpu.dma_semaphore, #tpu.memory_space<semaphore_mem>> -> memref<!tpu.dma_semaphore, #tpu.memory_space<semaphore_mem>>
        %dma_start3A_2068 = arith.constant 0 : i32
        %dma_start3A_2069 = arith.constant 0 : i32
        %dma_start3A_2070 = tpu.memref_slice %arg7[%rem3A_1853, %dma_start3A_2059, %dma_start3A_2068, %dma_start3A_2069] : memref<2x16x8x64xf32, #tpu.memory_space<vmem>> -> memref<1x1x8x64xf32, #tpu.memory_space<vmem>>
        %dma_start3A_2071 = tpu.memref_squeeze %dma_start3A_2070 : memref<1x1x8x64xf32, #tpu.memory_space<vmem>> -> memref<8x64xf32, #tpu.memory_space<vmem>>
        %dma_start3A_2072 = arith.constant 0 : i32
        %dma_start3A_2073 = tpu.memref_slice %arg3[%multiple_of3A_2058, %dma_start3A_2072] : memref<1000000x64xf32, #tpu.memory_space<hbm>> -> memref<8x64xf32, #tpu.memory_space<hbm>>
        tpu.enqueue_dma source(%dma_start3A_2073 : memref<8x64xf32, #tpu.memory_space<hbm>>) target(%dma_start3A_2071 : memref<8x64xf32, #tpu.memory_space<vmem>>) target_semaphore(%dma_start3A_2067 : memref<!tpu.dma_semaphore, #tpu.memory_space<semaphore_mem>>)
        %eq3A_2074 = arith.constant 7 : i32
        %eq3A_2075 = vector.broadcast %eq3A_2074 : i32 to vector<16xi32>
        %eq3A_2076 = arith.cmpi eq, %iota3A, %eq3A_2075 : vector<16xi32>
        %jit3A_2077 = arith.constant 0 : i32
        %broadcast_in_dim3A_2078 = vector.broadcast %jit3A_2077 : i32 to vector<16xi32>
        %select_n3A_2079 = arith.select %eq3A_2076, %shift_left3A_1863, %broadcast_in_dim3A_2078 : vector<16xi1>, vector<16xi32>
        %reduce_max3A_2080 = arith.constant true
        %reduce_max3A_2081 = vector.broadcast %reduce_max3A_2080 : i1 to vector<16xi1>
        %reduce_max3A_2082 = arith.constant -2147483648 : i32
        %reduce_max3A_2083 = vector.broadcast %reduce_max3A_2082 : i32 to vector<16xi32>
        %reduce_max3A_2084 = arith.xori %select_n3A_2079, %reduce_max3A_2083 : vector<16xi32>
        %reduce_max3A_2085 = tpu.scan <max>, %reduce_max3A_2084 masked %reduce_max3A_2081 : vector<16xi32>, vector<16xi1> -> vector<16xi32>
        %reduce_max3A_2086 = arith.xori %reduce_max3A_2085, %reduce_max3A_2083 : vector<16xi32>
        %reduce_max3A_2087 = vector.extract %reduce_max3A_2086[15] : i32 from vector<16xi32>
        %multiple_of3A_2088 = tpu.assume_multiple %reduce_max3A_2087, 8 : i32
        %dma_start3A_2089 = arith.constant 7 : i32
        %dma_start3A_2090 = arith.constant 0 : i32
        %dma_start3A_2091 = arith.constant 0 : i32
        %dma_start3A_2092 = tpu.memref_slice %arg7[%rem3A_1853, %dma_start3A_2089, %dma_start3A_2090, %dma_start3A_2091] : memref<2x16x8x64xf32, #tpu.memory_space<vmem>> -> memref<1x1x8x64xf32, #tpu.memory_space<vmem>>
        %dma_start3A_2093 = tpu.memref_squeeze %dma_start3A_2092 : memref<1x1x8x64xf32, #tpu.memory_space<vmem>> -> memref<8x64xf32, #tpu.memory_space<vmem>>
        %dma_start3A_2094 = arith.constant 0 : i32
        %dma_start3A_2095 = tpu.memref_slice %arg3[%multiple_of3A_2088, %dma_start3A_2094] : memref<1000000x64xf32, #tpu.memory_space<hbm>> -> memref<8x64xf32, #tpu.memory_space<hbm>>
        %dma_start3A_2096 = tpu.memref_slice %arg10[%rem3A_1853] : memref<2x!tpu.dma_semaphore, #tpu.memory_space<semaphore_mem>> -> memref<1x!tpu.dma_semaphore, #tpu.memory_space<semaphore_mem>>
        %dma_start3A_2097 = tpu.memref_squeeze %dma_start3A_2096 : memref<1x!tpu.dma_semaphore, #tpu.memory_space<semaphore_mem>> -> memref<!tpu.dma_semaphore, #tpu.memory_space<semaphore_mem>>
        %dma_start3A_2098 = arith.constant 0 : i32
        %dma_start3A_2099 = arith.constant 0 : i32
        %dma_start3A_2100 = tpu.memref_slice %arg7[%rem3A_1853, %dma_start3A_2089, %dma_start3A_2098, %dma_start3A_2099] : memref<2x16x8x64xf32, #tpu.memory_space<vmem>> -> memref<1x1x8x64xf32, #tpu.memory_space<vmem>>
        %dma_start3A_2101 = tpu.memref_squeeze %dma_start3A_2100 : memref<1x1x8x64xf32, #tpu.memory_space<vmem>> -> memref<8x64xf32, #tpu.memory_space<vmem>>
        %dma_start3A_2102 = arith.constant 0 : i32
        %dma_start3A_2103 = tpu.memref_slice %arg3[%multiple_of3A_2088, %dma_start3A_2102] : memref<1000000x64xf32, #tpu.memory_space<hbm>> -> memref<8x64xf32, #tpu.memory_space<hbm>>
        tpu.enqueue_dma source(%dma_start3A_2103 : memref<8x64xf32, #tpu.memory_space<hbm>>) target(%dma_start3A_2101 : memref<8x64xf32, #tpu.memory_space<vmem>>) target_semaphore(%dma_start3A_2097 : memref<!tpu.dma_semaphore, #tpu.memory_space<semaphore_mem>>)
        %eq3A_2104 = arith.constant 8 : i32
        %eq3A_2105 = vector.broadcast %eq3A_2104 : i32 to vector<16xi32>
        %eq3A_2106 = arith.cmpi eq, %iota3A, %eq3A_2105 : vector<16xi32>
        %jit3A_2107 = arith.constant 0 : i32
        %broadcast_in_dim3A_2108 = vector.broadcast %jit3A_2107 : i32 to vector<16xi32>
        %select_n3A_2109 = arith.select %eq3A_2106, %shift_left3A_1863, %broadcast_in_dim3A_2108 : vector<16xi1>, vector<16xi32>
        %reduce_max3A_2110 = arith.constant true
        %reduce_max3A_2111 = vector.broadcast %reduce_max3A_2110 : i1 to vector<16xi1>
        %reduce_max3A_2112 = arith.constant -2147483648 : i32
        %reduce_max3A_2113 = vector.broadcast %reduce_max3A_2112 : i32 to vector<16xi32>
        %reduce_max3A_2114 = arith.xori %select_n3A_2109, %reduce_max3A_2113 : vector<16xi32>
        %reduce_max3A_2115 = tpu.scan <max>, %reduce_max3A_2114 masked %reduce_max3A_2111 : vector<16xi32>, vector<16xi1> -> vector<16xi32>
        %reduce_max3A_2116 = arith.xori %reduce_max3A_2115, %reduce_max3A_2113 : vector<16xi32>
        %reduce_max3A_2117 = vector.extract %reduce_max3A_2116[15] : i32 from vector<16xi32>
        %multiple_of3A_2118 = tpu.assume_multiple %reduce_max3A_2117, 8 : i32
        %dma_start3A_2119 = arith.constant 8 : i32
        %dma_start3A_2120 = arith.constant 0 : i32
        %dma_start3A_2121 = arith.constant 0 : i32
        %dma_start3A_2122 = tpu.memref_slice %arg7[%rem3A_1853, %dma_start3A_2119, %dma_start3A_2120, %dma_start3A_2121] : memref<2x16x8x64xf32, #tpu.memory_space<vmem>> -> memref<1x1x8x64xf32, #tpu.memory_space<vmem>>
        %dma_start3A_2123 = tpu.memref_squeeze %dma_start3A_2122 : memref<1x1x8x64xf32, #tpu.memory_space<vmem>> -> memref<8x64xf32, #tpu.memory_space<vmem>>
        %dma_start3A_2124 = arith.constant 0 : i32
        %dma_start3A_2125 = tpu.memref_slice %arg3[%multiple_of3A_2118, %dma_start3A_2124] : memref<1000000x64xf32, #tpu.memory_space<hbm>> -> memref<8x64xf32, #tpu.memory_space<hbm>>
        %dma_start3A_2126 = tpu.memref_slice %arg10[%rem3A_1853] : memref<2x!tpu.dma_semaphore, #tpu.memory_space<semaphore_mem>> -> memref<1x!tpu.dma_semaphore, #tpu.memory_space<semaphore_mem>>
        %dma_start3A_2127 = tpu.memref_squeeze %dma_start3A_2126 : memref<1x!tpu.dma_semaphore, #tpu.memory_space<semaphore_mem>> -> memref<!tpu.dma_semaphore, #tpu.memory_space<semaphore_mem>>
        %dma_start3A_2128 = arith.constant 0 : i32
        %dma_start3A_2129 = arith.constant 0 : i32
        %dma_start3A_2130 = tpu.memref_slice %arg7[%rem3A_1853, %dma_start3A_2119, %dma_start3A_2128, %dma_start3A_2129] : memref<2x16x8x64xf32, #tpu.memory_space<vmem>> -> memref<1x1x8x64xf32, #tpu.memory_space<vmem>>
        %dma_start3A_2131 = tpu.memref_squeeze %dma_start3A_2130 : memref<1x1x8x64xf32, #tpu.memory_space<vmem>> -> memref<8x64xf32, #tpu.memory_space<vmem>>
        %dma_start3A_2132 = arith.constant 0 : i32
        %dma_start3A_2133 = tpu.memref_slice %arg3[%multiple_of3A_2118, %dma_start3A_2132] : memref<1000000x64xf32, #tpu.memory_space<hbm>> -> memref<8x64xf32, #tpu.memory_space<hbm>>
        tpu.enqueue_dma source(%dma_start3A_2133 : memref<8x64xf32, #tpu.memory_space<hbm>>) target(%dma_start3A_2131 : memref<8x64xf32, #tpu.memory_space<vmem>>) target_semaphore(%dma_start3A_2127 : memref<!tpu.dma_semaphore, #tpu.memory_space<semaphore_mem>>)
        %eq3A_2134 = arith.constant 9 : i32
        %eq3A_2135 = vector.broadcast %eq3A_2134 : i32 to vector<16xi32>
        %eq3A_2136 = arith.cmpi eq, %iota3A, %eq3A_2135 : vector<16xi32>
        %jit3A_2137 = arith.constant 0 : i32
        %broadcast_in_dim3A_2138 = vector.broadcast %jit3A_2137 : i32 to vector<16xi32>
        %select_n3A_2139 = arith.select %eq3A_2136, %shift_left3A_1863, %broadcast_in_dim3A_2138 : vector<16xi1>, vector<16xi32>
        %reduce_max3A_2140 = arith.constant true
        %reduce_max3A_2141 = vector.broadcast %reduce_max3A_2140 : i1 to vector<16xi1>
        %reduce_max3A_2142 = arith.constant -2147483648 : i32
        %reduce_max3A_2143 = vector.broadcast %reduce_max3A_2142 : i32 to vector<16xi32>
        %reduce_max3A_2144 = arith.xori %select_n3A_2139, %reduce_max3A_2143 : vector<16xi32>
        %reduce_max3A_2145 = tpu.scan <max>, %reduce_max3A_2144 masked %reduce_max3A_2141 : vector<16xi32>, vector<16xi1> -> vector<16xi32>
        %reduce_max3A_2146 = arith.xori %reduce_max3A_2145, %reduce_max3A_2143 : vector<16xi32>
        %reduce_max3A_2147 = vector.extract %reduce_max3A_2146[15] : i32 from vector<16xi32>
        %multiple_of3A_2148 = tpu.assume_multiple %reduce_max3A_2147, 8 : i32
        %dma_start3A_2149 = arith.constant 9 : i32
        %dma_start3A_2150 = arith.constant 0 : i32
        %dma_start3A_2151 = arith.constant 0 : i32
        %dma_start3A_2152 = tpu.memref_slice %arg7[%rem3A_1853, %dma_start3A_2149, %dma_start3A_2150, %dma_start3A_2151] : memref<2x16x8x64xf32, #tpu.memory_space<vmem>> -> memref<1x1x8x64xf32, #tpu.memory_space<vmem>>
        %dma_start3A_2153 = tpu.memref_squeeze %dma_start3A_2152 : memref<1x1x8x64xf32, #tpu.memory_space<vmem>> -> memref<8x64xf32, #tpu.memory_space<vmem>>
        %dma_start3A_2154 = arith.constant 0 : i32
        %dma_start3A_2155 = tpu.memref_slice %arg3[%multiple_of3A_2148, %dma_start3A_2154] : memref<1000000x64xf32, #tpu.memory_space<hbm>> -> memref<8x64xf32, #tpu.memory_space<hbm>>
        %dma_start3A_2156 = tpu.memref_slice %arg10[%rem3A_1853] : memref<2x!tpu.dma_semaphore, #tpu.memory_space<semaphore_mem>> -> memref<1x!tpu.dma_semaphore, #tpu.memory_space<semaphore_mem>>
        %dma_start3A_2157 = tpu.memref_squeeze %dma_start3A_2156 : memref<1x!tpu.dma_semaphore, #tpu.memory_space<semaphore_mem>> -> memref<!tpu.dma_semaphore, #tpu.memory_space<semaphore_mem>>
        %dma_start3A_2158 = arith.constant 0 : i32
        %dma_start3A_2159 = arith.constant 0 : i32
        %dma_start3A_2160 = tpu.memref_slice %arg7[%rem3A_1853, %dma_start3A_2149, %dma_start3A_2158, %dma_start3A_2159] : memref<2x16x8x64xf32, #tpu.memory_space<vmem>> -> memref<1x1x8x64xf32, #tpu.memory_space<vmem>>
        %dma_start3A_2161 = tpu.memref_squeeze %dma_start3A_2160 : memref<1x1x8x64xf32, #tpu.memory_space<vmem>> -> memref<8x64xf32, #tpu.memory_space<vmem>>
        %dma_start3A_2162 = arith.constant 0 : i32
        %dma_start3A_2163 = tpu.memref_slice %arg3[%multiple_of3A_2148, %dma_start3A_2162] : memref<1000000x64xf32, #tpu.memory_space<hbm>> -> memref<8x64xf32, #tpu.memory_space<hbm>>
        tpu.enqueue_dma source(%dma_start3A_2163 : memref<8x64xf32, #tpu.memory_space<hbm>>) target(%dma_start3A_2161 : memref<8x64xf32, #tpu.memory_space<vmem>>) target_semaphore(%dma_start3A_2157 : memref<!tpu.dma_semaphore, #tpu.memory_space<semaphore_mem>>)
        %eq3A_2164 = arith.constant 10 : i32
        %eq3A_2165 = vector.broadcast %eq3A_2164 : i32 to vector<16xi32>
        %eq3A_2166 = arith.cmpi eq, %iota3A, %eq3A_2165 : vector<16xi32>
        %jit3A_2167 = arith.constant 0 : i32
        %broadcast_in_dim3A_2168 = vector.broadcast %jit3A_2167 : i32 to vector<16xi32>
        %select_n3A_2169 = arith.select %eq3A_2166, %shift_left3A_1863, %broadcast_in_dim3A_2168 : vector<16xi1>, vector<16xi32>
        %reduce_max3A_2170 = arith.constant true
        %reduce_max3A_2171 = vector.broadcast %reduce_max3A_2170 : i1 to vector<16xi1>
        %reduce_max3A_2172 = arith.constant -2147483648 : i32
        %reduce_max3A_2173 = vector.broadcast %reduce_max3A_2172 : i32 to vector<16xi32>
        %reduce_max3A_2174 = arith.xori %select_n3A_2169, %reduce_max3A_2173 : vector<16xi32>
        %reduce_max3A_2175 = tpu.scan <max>, %reduce_max3A_2174 masked %reduce_max3A_2171 : vector<16xi32>, vector<16xi1> -> vector<16xi32>
        %reduce_max3A_2176 = arith.xori %reduce_max3A_2175, %reduce_max3A_2173 : vector<16xi32>
        %reduce_max3A_2177 = vector.extract %reduce_max3A_2176[15] : i32 from vector<16xi32>
        %multiple_of3A_2178 = tpu.assume_multiple %reduce_max3A_2177, 8 : i32
        %dma_start3A_2179 = arith.constant 10 : i32
        %dma_start3A_2180 = arith.constant 0 : i32
        %dma_start3A_2181 = arith.constant 0 : i32
        %dma_start3A_2182 = tpu.memref_slice %arg7[%rem3A_1853, %dma_start3A_2179, %dma_start3A_2180, %dma_start3A_2181] : memref<2x16x8x64xf32, #tpu.memory_space<vmem>> -> memref<1x1x8x64xf32, #tpu.memory_space<vmem>>
        %dma_start3A_2183 = tpu.memref_squeeze %dma_start3A_2182 : memref<1x1x8x64xf32, #tpu.memory_space<vmem>> -> memref<8x64xf32, #tpu.memory_space<vmem>>
        %dma_start3A_2184 = arith.constant 0 : i32
        %dma_start3A_2185 = tpu.memref_slice %arg3[%multiple_of3A_2178, %dma_start3A_2184] : memref<1000000x64xf32, #tpu.memory_space<hbm>> -> memref<8x64xf32, #tpu.memory_space<hbm>>
        %dma_start3A_2186 = tpu.memref_slice %arg10[%rem3A_1853] : memref<2x!tpu.dma_semaphore, #tpu.memory_space<semaphore_mem>> -> memref<1x!tpu.dma_semaphore, #tpu.memory_space<semaphore_mem>>
        %dma_start3A_2187 = tpu.memref_squeeze %dma_start3A_2186 : memref<1x!tpu.dma_semaphore, #tpu.memory_space<semaphore_mem>> -> memref<!tpu.dma_semaphore, #tpu.memory_space<semaphore_mem>>
        %dma_start3A_2188 = arith.constant 0 : i32
        %dma_start3A_2189 = arith.constant 0 : i32
        %dma_start3A_2190 = tpu.memref_slice %arg7[%rem3A_1853, %dma_start3A_2179, %dma_start3A_2188, %dma_start3A_2189] : memref<2x16x8x64xf32, #tpu.memory_space<vmem>> -> memref<1x1x8x64xf32, #tpu.memory_space<vmem>>
        %dma_start3A_2191 = tpu.memref_squeeze %dma_start3A_2190 : memref<1x1x8x64xf32, #tpu.memory_space<vmem>> -> memref<8x64xf32, #tpu.memory_space<vmem>>
        %dma_start3A_2192 = arith.constant 0 : i32
        %dma_start3A_2193 = tpu.memref_slice %arg3[%multiple_of3A_2178, %dma_start3A_2192] : memref<1000000x64xf32, #tpu.memory_space<hbm>> -> memref<8x64xf32, #tpu.memory_space<hbm>>
        tpu.enqueue_dma source(%dma_start3A_2193 : memref<8x64xf32, #tpu.memory_space<hbm>>) target(%dma_start3A_2191 : memref<8x64xf32, #tpu.memory_space<vmem>>) target_semaphore(%dma_start3A_2187 : memref<!tpu.dma_semaphore, #tpu.memory_space<semaphore_mem>>)
        %eq3A_2194 = arith.constant 11 : i32
        %eq3A_2195 = vector.broadcast %eq3A_2194 : i32 to vector<16xi32>
        %eq3A_2196 = arith.cmpi eq, %iota3A, %eq3A_2195 : vector<16xi32>
        %jit3A_2197 = arith.constant 0 : i32
        %broadcast_in_dim3A_2198 = vector.broadcast %jit3A_2197 : i32 to vector<16xi32>
        %select_n3A_2199 = arith.select %eq3A_2196, %shift_left3A_1863, %broadcast_in_dim3A_2198 : vector<16xi1>, vector<16xi32>
        %reduce_max3A_2200 = arith.constant true
        %reduce_max3A_2201 = vector.broadcast %reduce_max3A_2200 : i1 to vector<16xi1>
        %reduce_max3A_2202 = arith.constant -2147483648 : i32
        %reduce_max3A_2203 = vector.broadcast %reduce_max3A_2202 : i32 to vector<16xi32>
        %reduce_max3A_2204 = arith.xori %select_n3A_2199, %reduce_max3A_2203 : vector<16xi32>
        %reduce_max3A_2205 = tpu.scan <max>, %reduce_max3A_2204 masked %reduce_max3A_2201 : vector<16xi32>, vector<16xi1> -> vector<16xi32>
        %reduce_max3A_2206 = arith.xori %reduce_max3A_2205, %reduce_max3A_2203 : vector<16xi32>
        %reduce_max3A_2207 = vector.extract %reduce_max3A_2206[15] : i32 from vector<16xi32>
        %multiple_of3A_2208 = tpu.assume_multiple %reduce_max3A_2207, 8 : i32
        %dma_start3A_2209 = arith.constant 11 : i32
        %dma_start3A_2210 = arith.constant 0 : i32
        %dma_start3A_2211 = arith.constant 0 : i32
        %dma_start3A_2212 = tpu.memref_slice %arg7[%rem3A_1853, %dma_start3A_2209, %dma_start3A_2210, %dma_start3A_2211] : memref<2x16x8x64xf32, #tpu.memory_space<vmem>> -> memref<1x1x8x64xf32, #tpu.memory_space<vmem>>
        %dma_start3A_2213 = tpu.memref_squeeze %dma_start3A_2212 : memref<1x1x8x64xf32, #tpu.memory_space<vmem>> -> memref<8x64xf32, #tpu.memory_space<vmem>>
        %dma_start3A_2214 = arith.constant 0 : i32
        %dma_start3A_2215 = tpu.memref_slice %arg3[%multiple_of3A_2208, %dma_start3A_2214] : memref<1000000x64xf32, #tpu.memory_space<hbm>> -> memref<8x64xf32, #tpu.memory_space<hbm>>
        %dma_start3A_2216 = tpu.memref_slice %arg10[%rem3A_1853] : memref<2x!tpu.dma_semaphore, #tpu.memory_space<semaphore_mem>> -> memref<1x!tpu.dma_semaphore, #tpu.memory_space<semaphore_mem>>
        %dma_start3A_2217 = tpu.memref_squeeze %dma_start3A_2216 : memref<1x!tpu.dma_semaphore, #tpu.memory_space<semaphore_mem>> -> memref<!tpu.dma_semaphore, #tpu.memory_space<semaphore_mem>>
        %dma_start3A_2218 = arith.constant 0 : i32
        %dma_start3A_2219 = arith.constant 0 : i32
        %dma_start3A_2220 = tpu.memref_slice %arg7[%rem3A_1853, %dma_start3A_2209, %dma_start3A_2218, %dma_start3A_2219] : memref<2x16x8x64xf32, #tpu.memory_space<vmem>> -> memref<1x1x8x64xf32, #tpu.memory_space<vmem>>
        %dma_start3A_2221 = tpu.memref_squeeze %dma_start3A_2220 : memref<1x1x8x64xf32, #tpu.memory_space<vmem>> -> memref<8x64xf32, #tpu.memory_space<vmem>>
        %dma_start3A_2222 = arith.constant 0 : i32
        %dma_start3A_2223 = tpu.memref_slice %arg3[%multiple_of3A_2208, %dma_start3A_2222] : memref<1000000x64xf32, #tpu.memory_space<hbm>> -> memref<8x64xf32, #tpu.memory_space<hbm>>
        tpu.enqueue_dma source(%dma_start3A_2223 : memref<8x64xf32, #tpu.memory_space<hbm>>) target(%dma_start3A_2221 : memref<8x64xf32, #tpu.memory_space<vmem>>) target_semaphore(%dma_start3A_2217 : memref<!tpu.dma_semaphore, #tpu.memory_space<semaphore_mem>>)
        %eq3A_2224 = arith.constant 12 : i32
        %eq3A_2225 = vector.broadcast %eq3A_2224 : i32 to vector<16xi32>
        %eq3A_2226 = arith.cmpi eq, %iota3A, %eq3A_2225 : vector<16xi32>
        %jit3A_2227 = arith.constant 0 : i32
        %broadcast_in_dim3A_2228 = vector.broadcast %jit3A_2227 : i32 to vector<16xi32>
        %select_n3A_2229 = arith.select %eq3A_2226, %shift_left3A_1863, %broadcast_in_dim3A_2228 : vector<16xi1>, vector<16xi32>
        %reduce_max3A_2230 = arith.constant true
        %reduce_max3A_2231 = vector.broadcast %reduce_max3A_2230 : i1 to vector<16xi1>
        %reduce_max3A_2232 = arith.constant -2147483648 : i32
        %reduce_max3A_2233 = vector.broadcast %reduce_max3A_2232 : i32 to vector<16xi32>
        %reduce_max3A_2234 = arith.xori %select_n3A_2229, %reduce_max3A_2233 : vector<16xi32>
        %reduce_max3A_2235 = tpu.scan <max>, %reduce_max3A_2234 masked %reduce_max3A_2231 : vector<16xi32>, vector<16xi1> -> vector<16xi32>
        %reduce_max3A_2236 = arith.xori %reduce_max3A_2235, %reduce_max3A_2233 : vector<16xi32>
        %reduce_max3A_2237 = vector.extract %reduce_max3A_2236[15] : i32 from vector<16xi32>
        %multiple_of3A_2238 = tpu.assume_multiple %reduce_max3A_2237, 8 : i32
        %dma_start3A_2239 = arith.constant 12 : i32
        %dma_start3A_2240 = arith.constant 0 : i32
        %dma_start3A_2241 = arith.constant 0 : i32
        %dma_start3A_2242 = tpu.memref_slice %arg7[%rem3A_1853, %dma_start3A_2239, %dma_start3A_2240, %dma_start3A_2241] : memref<2x16x8x64xf32, #tpu.memory_space<vmem>> -> memref<1x1x8x64xf32, #tpu.memory_space<vmem>>
        %dma_start3A_2243 = tpu.memref_squeeze %dma_start3A_2242 : memref<1x1x8x64xf32, #tpu.memory_space<vmem>> -> memref<8x64xf32, #tpu.memory_space<vmem>>
        %dma_start3A_2244 = arith.constant 0 : i32
        %dma_start3A_2245 = tpu.memref_slice %arg3[%multiple_of3A_2238, %dma_start3A_2244] : memref<1000000x64xf32, #tpu.memory_space<hbm>> -> memref<8x64xf32, #tpu.memory_space<hbm>>
        %dma_start3A_2246 = tpu.memref_slice %arg10[%rem3A_1853] : memref<2x!tpu.dma_semaphore, #tpu.memory_space<semaphore_mem>> -> memref<1x!tpu.dma_semaphore, #tpu.memory_space<semaphore_mem>>
        %dma_start3A_2247 = tpu.memref_squeeze %dma_start3A_2246 : memref<1x!tpu.dma_semaphore, #tpu.memory_space<semaphore_mem>> -> memref<!tpu.dma_semaphore, #tpu.memory_space<semaphore_mem>>
        %dma_start3A_2248 = arith.constant 0 : i32
        %dma_start3A_2249 = arith.constant 0 : i32
        %dma_start3A_2250 = tpu.memref_slice %arg7[%rem3A_1853, %dma_start3A_2239, %dma_start3A_2248, %dma_start3A_2249] : memref<2x16x8x64xf32, #tpu.memory_space<vmem>> -> memref<1x1x8x64xf32, #tpu.memory_space<vmem>>
        %dma_start3A_2251 = tpu.memref_squeeze %dma_start3A_2250 : memref<1x1x8x64xf32, #tpu.memory_space<vmem>> -> memref<8x64xf32, #tpu.memory_space<vmem>>
        %dma_start3A_2252 = arith.constant 0 : i32
        %dma_start3A_2253 = tpu.memref_slice %arg3[%multiple_of3A_2238, %dma_start3A_2252] : memref<1000000x64xf32, #tpu.memory_space<hbm>> -> memref<8x64xf32, #tpu.memory_space<hbm>>
        tpu.enqueue_dma source(%dma_start3A_2253 : memref<8x64xf32, #tpu.memory_space<hbm>>) target(%dma_start3A_2251 : memref<8x64xf32, #tpu.memory_space<vmem>>) target_semaphore(%dma_start3A_2247 : memref<!tpu.dma_semaphore, #tpu.memory_space<semaphore_mem>>)
        %eq3A_2254 = arith.constant 13 : i32
        %eq3A_2255 = vector.broadcast %eq3A_2254 : i32 to vector<16xi32>
        %eq3A_2256 = arith.cmpi eq, %iota3A, %eq3A_2255 : vector<16xi32>
        %jit3A_2257 = arith.constant 0 : i32
        %broadcast_in_dim3A_2258 = vector.broadcast %jit3A_2257 : i32 to vector<16xi32>
        %select_n3A_2259 = arith.select %eq3A_2256, %shift_left3A_1863, %broadcast_in_dim3A_2258 : vector<16xi1>, vector<16xi32>
        %reduce_max3A_2260 = arith.constant true
        %reduce_max3A_2261 = vector.broadcast %reduce_max3A_2260 : i1 to vector<16xi1>
        %reduce_max3A_2262 = arith.constant -2147483648 : i32
        %reduce_max3A_2263 = vector.broadcast %reduce_max3A_2262 : i32 to vector<16xi32>
        %reduce_max3A_2264 = arith.xori %select_n3A_2259, %reduce_max3A_2263 : vector<16xi32>
        %reduce_max3A_2265 = tpu.scan <max>, %reduce_max3A_2264 masked %reduce_max3A_2261 : vector<16xi32>, vector<16xi1> -> vector<16xi32>
        %reduce_max3A_2266 = arith.xori %reduce_max3A_2265, %reduce_max3A_2263 : vector<16xi32>
        %reduce_max3A_2267 = vector.extract %reduce_max3A_2266[15] : i32 from vector<16xi32>
        %multiple_of3A_2268 = tpu.assume_multiple %reduce_max3A_2267, 8 : i32
        %dma_start3A_2269 = arith.constant 13 : i32
        %dma_start3A_2270 = arith.constant 0 : i32
        %dma_start3A_2271 = arith.constant 0 : i32
        %dma_start3A_2272 = tpu.memref_slice %arg7[%rem3A_1853, %dma_start3A_2269, %dma_start3A_2270, %dma_start3A_2271] : memref<2x16x8x64xf32, #tpu.memory_space<vmem>> -> memref<1x1x8x64xf32, #tpu.memory_space<vmem>>
        %dma_start3A_2273 = tpu.memref_squeeze %dma_start3A_2272 : memref<1x1x8x64xf32, #tpu.memory_space<vmem>> -> memref<8x64xf32, #tpu.memory_space<vmem>>
        %dma_start3A_2274 = arith.constant 0 : i32
        %dma_start3A_2275 = tpu.memref_slice %arg3[%multiple_of3A_2268, %dma_start3A_2274] : memref<1000000x64xf32, #tpu.memory_space<hbm>> -> memref<8x64xf32, #tpu.memory_space<hbm>>
        %dma_start3A_2276 = tpu.memref_slice %arg10[%rem3A_1853] : memref<2x!tpu.dma_semaphore, #tpu.memory_space<semaphore_mem>> -> memref<1x!tpu.dma_semaphore, #tpu.memory_space<semaphore_mem>>
        %dma_start3A_2277 = tpu.memref_squeeze %dma_start3A_2276 : memref<1x!tpu.dma_semaphore, #tpu.memory_space<semaphore_mem>> -> memref<!tpu.dma_semaphore, #tpu.memory_space<semaphore_mem>>
        %dma_start3A_2278 = arith.constant 0 : i32
        %dma_start3A_2279 = arith.constant 0 : i32
        %dma_start3A_2280 = tpu.memref_slice %arg7[%rem3A_1853, %dma_start3A_2269, %dma_start3A_2278, %dma_start3A_2279] : memref<2x16x8x64xf32, #tpu.memory_space<vmem>> -> memref<1x1x8x64xf32, #tpu.memory_space<vmem>>
        %dma_start3A_2281 = tpu.memref_squeeze %dma_start3A_2280 : memref<1x1x8x64xf32, #tpu.memory_space<vmem>> -> memref<8x64xf32, #tpu.memory_space<vmem>>
        %dma_start3A_2282 = arith.constant 0 : i32
        %dma_start3A_2283 = tpu.memref_slice %arg3[%multiple_of3A_2268, %dma_start3A_2282] : memref<1000000x64xf32, #tpu.memory_space<hbm>> -> memref<8x64xf32, #tpu.memory_space<hbm>>
        tpu.enqueue_dma source(%dma_start3A_2283 : memref<8x64xf32, #tpu.memory_space<hbm>>) target(%dma_start3A_2281 : memref<8x64xf32, #tpu.memory_space<vmem>>) target_semaphore(%dma_start3A_2277 : memref<!tpu.dma_semaphore, #tpu.memory_space<semaphore_mem>>)
        %eq3A_2284 = arith.constant 14 : i32
        %eq3A_2285 = vector.broadcast %eq3A_2284 : i32 to vector<16xi32>
        %eq3A_2286 = arith.cmpi eq, %iota3A, %eq3A_2285 : vector<16xi32>
        %jit3A_2287 = arith.constant 0 : i32
        %broadcast_in_dim3A_2288 = vector.broadcast %jit3A_2287 : i32 to vector<16xi32>
        %select_n3A_2289 = arith.select %eq3A_2286, %shift_left3A_1863, %broadcast_in_dim3A_2288 : vector<16xi1>, vector<16xi32>
        %reduce_max3A_2290 = arith.constant true
        %reduce_max3A_2291 = vector.broadcast %reduce_max3A_2290 : i1 to vector<16xi1>
        %reduce_max3A_2292 = arith.constant -2147483648 : i32
        %reduce_max3A_2293 = vector.broadcast %reduce_max3A_2292 : i32 to vector<16xi32>
        %reduce_max3A_2294 = arith.xori %select_n3A_2289, %reduce_max3A_2293 : vector<16xi32>
        %reduce_max3A_2295 = tpu.scan <max>, %reduce_max3A_2294 masked %reduce_max3A_2291 : vector<16xi32>, vector<16xi1> -> vector<16xi32>
        %reduce_max3A_2296 = arith.xori %reduce_max3A_2295, %reduce_max3A_2293 : vector<16xi32>
        %reduce_max3A_2297 = vector.extract %reduce_max3A_2296[15] : i32 from vector<16xi32>
        %multiple_of3A_2298 = tpu.assume_multiple %reduce_max3A_2297, 8 : i32
        %dma_start3A_2299 = arith.constant 14 : i32
        %dma_start3A_2300 = arith.constant 0 : i32
        %dma_start3A_2301 = arith.constant 0 : i32
        %dma_start3A_2302 = tpu.memref_slice %arg7[%rem3A_1853, %dma_start3A_2299, %dma_start3A_2300, %dma_start3A_2301] : memref<2x16x8x64xf32, #tpu.memory_space<vmem>> -> memref<1x1x8x64xf32, #tpu.memory_space<vmem>>
        %dma_start3A_2303 = tpu.memref_squeeze %dma_start3A_2302 : memref<1x1x8x64xf32, #tpu.memory_space<vmem>> -> memref<8x64xf32, #tpu.memory_space<vmem>>
        %dma_start3A_2304 = arith.constant 0 : i32
        %dma_start3A_2305 = tpu.memref_slice %arg3[%multiple_of3A_2298, %dma_start3A_2304] : memref<1000000x64xf32, #tpu.memory_space<hbm>> -> memref<8x64xf32, #tpu.memory_space<hbm>>
        %dma_start3A_2306 = tpu.memref_slice %arg10[%rem3A_1853] : memref<2x!tpu.dma_semaphore, #tpu.memory_space<semaphore_mem>> -> memref<1x!tpu.dma_semaphore, #tpu.memory_space<semaphore_mem>>
        %dma_start3A_2307 = tpu.memref_squeeze %dma_start3A_2306 : memref<1x!tpu.dma_semaphore, #tpu.memory_space<semaphore_mem>> -> memref<!tpu.dma_semaphore, #tpu.memory_space<semaphore_mem>>
        %dma_start3A_2308 = arith.constant 0 : i32
        %dma_start3A_2309 = arith.constant 0 : i32
        %dma_start3A_2310 = tpu.memref_slice %arg7[%rem3A_1853, %dma_start3A_2299, %dma_start3A_2308, %dma_start3A_2309] : memref<2x16x8x64xf32, #tpu.memory_space<vmem>> -> memref<1x1x8x64xf32, #tpu.memory_space<vmem>>
        %dma_start3A_2311 = tpu.memref_squeeze %dma_start3A_2310 : memref<1x1x8x64xf32, #tpu.memory_space<vmem>> -> memref<8x64xf32, #tpu.memory_space<vmem>>
        %dma_start3A_2312 = arith.constant 0 : i32
        %dma_start3A_2313 = tpu.memref_slice %arg3[%multiple_of3A_2298, %dma_start3A_2312] : memref<1000000x64xf32, #tpu.memory_space<hbm>> -> memref<8x64xf32, #tpu.memory_space<hbm>>
        tpu.enqueue_dma source(%dma_start3A_2313 : memref<8x64xf32, #tpu.memory_space<hbm>>) target(%dma_start3A_2311 : memref<8x64xf32, #tpu.memory_space<vmem>>) target_semaphore(%dma_start3A_2307 : memref<!tpu.dma_semaphore, #tpu.memory_space<semaphore_mem>>)
        %eq3A_2314 = arith.constant 15 : i32
        %eq3A_2315 = vector.broadcast %eq3A_2314 : i32 to vector<16xi32>
        %eq3A_2316 = arith.cmpi eq, %iota3A, %eq3A_2315 : vector<16xi32>
        %jit3A_2317 = arith.constant 0 : i32
        %broadcast_in_dim3A_2318 = vector.broadcast %jit3A_2317 : i32 to vector<16xi32>
        %select_n3A_2319 = arith.select %eq3A_2316, %shift_left3A_1863, %broadcast_in_dim3A_2318 : vector<16xi1>, vector<16xi32>
        %reduce_max3A_2320 = arith.constant true
        %reduce_max3A_2321 = vector.broadcast %reduce_max3A_2320 : i1 to vector<16xi1>
        %reduce_max3A_2322 = arith.constant -2147483648 : i32
        %reduce_max3A_2323 = vector.broadcast %reduce_max3A_2322 : i32 to vector<16xi32>
        %reduce_max3A_2324 = arith.xori %select_n3A_2319, %reduce_max3A_2323 : vector<16xi32>
        %reduce_max3A_2325 = tpu.scan <max>, %reduce_max3A_2324 masked %reduce_max3A_2321 : vector<16xi32>, vector<16xi1> -> vector<16xi32>
        %reduce_max3A_2326 = arith.xori %reduce_max3A_2325, %reduce_max3A_2323 : vector<16xi32>
        %reduce_max3A_2327 = vector.extract %reduce_max3A_2326[15] : i32 from vector<16xi32>
        %multiple_of3A_2328 = tpu.assume_multiple %reduce_max3A_2327, 8 : i32
        %dma_start3A_2329 = arith.constant 15 : i32
        %dma_start3A_2330 = arith.constant 0 : i32
        %dma_start3A_2331 = arith.constant 0 : i32
        %dma_start3A_2332 = tpu.memref_slice %arg7[%rem3A_1853, %dma_start3A_2329, %dma_start3A_2330, %dma_start3A_2331] : memref<2x16x8x64xf32, #tpu.memory_space<vmem>> -> memref<1x1x8x64xf32, #tpu.memory_space<vmem>>
        %dma_start3A_2333 = tpu.memref_squeeze %dma_start3A_2332 : memref<1x1x8x64xf32, #tpu.memory_space<vmem>> -> memref<8x64xf32, #tpu.memory_space<vmem>>
        %dma_start3A_2334 = arith.constant 0 : i32
        %dma_start3A_2335 = tpu.memref_slice %arg3[%multiple_of3A_2328, %dma_start3A_2334] : memref<1000000x64xf32, #tpu.memory_space<hbm>> -> memref<8x64xf32, #tpu.memory_space<hbm>>
        %dma_start3A_2336 = tpu.memref_slice %arg10[%rem3A_1853] : memref<2x!tpu.dma_semaphore, #tpu.memory_space<semaphore_mem>> -> memref<1x!tpu.dma_semaphore, #tpu.memory_space<semaphore_mem>>
        %dma_start3A_2337 = tpu.memref_squeeze %dma_start3A_2336 : memref<1x!tpu.dma_semaphore, #tpu.memory_space<semaphore_mem>> -> memref<!tpu.dma_semaphore, #tpu.memory_space<semaphore_mem>>
        %dma_start3A_2338 = arith.constant 0 : i32
        %dma_start3A_2339 = arith.constant 0 : i32
        %dma_start3A_2340 = tpu.memref_slice %arg7[%rem3A_1853, %dma_start3A_2329, %dma_start3A_2338, %dma_start3A_2339] : memref<2x16x8x64xf32, #tpu.memory_space<vmem>> -> memref<1x1x8x64xf32, #tpu.memory_space<vmem>>
        %dma_start3A_2341 = tpu.memref_squeeze %dma_start3A_2340 : memref<1x1x8x64xf32, #tpu.memory_space<vmem>> -> memref<8x64xf32, #tpu.memory_space<vmem>>
        %dma_start3A_2342 = arith.constant 0 : i32
        %dma_start3A_2343 = tpu.memref_slice %arg3[%multiple_of3A_2328, %dma_start3A_2342] : memref<1000000x64xf32, #tpu.memory_space<hbm>> -> memref<8x64xf32, #tpu.memory_space<hbm>>
        tpu.enqueue_dma source(%dma_start3A_2343 : memref<8x64xf32, #tpu.memory_space<hbm>>) target(%dma_start3A_2341 : memref<8x64xf32, #tpu.memory_space<vmem>>) target_semaphore(%dma_start3A_2337 : memref<!tpu.dma_semaphore, #tpu.memory_space<semaphore_mem>>)
      } else {
      }
      %dma_wait3A = arith.constant 0 : i32
      %dma_wait3A_532 = arith.constant 0 : i32
      %dma_wait3A_533 = arith.constant 0 : i32
      %dma_wait3A_534 = tpu.memref_slice %arg7[%rem3A_527, %dma_wait3A, %dma_wait3A_532, %dma_wait3A_533] : memref<2x16x8x64xf32, #tpu.memory_space<vmem>> -> memref<1x1x8x64xf32, #tpu.memory_space<vmem>>
      %dma_wait3A_535 = tpu.memref_squeeze %dma_wait3A_534 : memref<1x1x8x64xf32, #tpu.memory_space<vmem>> -> memref<8x64xf32, #tpu.memory_space<vmem>>
      %dma_wait3A_536 = arith.constant 0 : i32
      %dma_wait3A_537 = arith.constant 0 : i32
      %dma_wait3A_538 = tpu.memref_slice %arg3[%dma_wait3A_536, %dma_wait3A_537] : memref<1000000x64xf32, #tpu.memory_space<hbm>> -> memref<8x64xf32, #tpu.memory_space<hbm>>
      %dma_wait3A_539 = tpu.memref_slice %arg10[%rem3A_527] : memref<2x!tpu.dma_semaphore, #tpu.memory_space<semaphore_mem>> -> memref<1x!tpu.dma_semaphore, #tpu.memory_space<semaphore_mem>>
      %dma_wait3A_540 = tpu.memref_squeeze %dma_wait3A_539 : memref<1x!tpu.dma_semaphore, #tpu.memory_space<semaphore_mem>> -> memref<!tpu.dma_semaphore, #tpu.memory_space<semaphore_mem>>
      %dma_wait3A_541 = arith.constant 0 : i32
      %dma_wait3A_542 = arith.constant 0 : i32
      %dma_wait3A_543 = tpu.memref_slice %arg7[%rem3A_527, %dma_wait3A, %dma_wait3A_541, %dma_wait3A_542] : memref<2x16x8x64xf32, #tpu.memory_space<vmem>> -> memref<1x1x8x64xf32, #tpu.memory_space<vmem>>
      %dma_wait3A_544 = tpu.memref_squeeze %dma_wait3A_543 : memref<1x1x8x64xf32, #tpu.memory_space<vmem>> -> memref<8x64xf32, #tpu.memory_space<vmem>>
      %dma_wait3A_545 = arith.constant 0 : i32
      %dma_wait3A_546 = arith.constant 0 : i32
      %dma_wait3A_547 = tpu.memref_slice %arg3[%dma_wait3A_545, %dma_wait3A_546] : memref<1000000x64xf32, #tpu.memory_space<hbm>> -> memref<8x64xf32, #tpu.memory_space<hbm>>
      tpu.wait_dma2 semaphore(%dma_wait3A_540 : memref<!tpu.dma_semaphore, #tpu.memory_space<semaphore_mem>>) src(%dma_wait3A_547 : memref<8x64xf32, #tpu.memory_space<hbm>>) dst(%dma_wait3A_544 : memref<8x64xf32, #tpu.memory_space<vmem>>)
      %dma_wait3A_548 = arith.constant 1 : i32
      %dma_wait3A_549 = arith.constant 0 : i32
      %dma_wait3A_550 = arith.constant 0 : i32
      %dma_wait3A_551 = tpu.memref_slice %arg7[%rem3A_527, %dma_wait3A_548, %dma_wait3A_549, %dma_wait3A_550] : memref<2x16x8x64xf32, #tpu.memory_space<vmem>> -> memref<1x1x8x64xf32, #tpu.memory_space<vmem>>
      %dma_wait3A_552 = tpu.memref_squeeze %dma_wait3A_551 : memref<1x1x8x64xf32, #tpu.memory_space<vmem>> -> memref<8x64xf32, #tpu.memory_space<vmem>>
      %dma_wait3A_553 = arith.constant 0 : i32
      %dma_wait3A_554 = arith.constant 0 : i32
      %dma_wait3A_555 = tpu.memref_slice %arg3[%dma_wait3A_553, %dma_wait3A_554] : memref<1000000x64xf32, #tpu.memory_space<hbm>> -> memref<8x64xf32, #tpu.memory_space<hbm>>
      %dma_wait3A_556 = tpu.memref_slice %arg10[%rem3A_527] : memref<2x!tpu.dma_semaphore, #tpu.memory_space<semaphore_mem>> -> memref<1x!tpu.dma_semaphore, #tpu.memory_space<semaphore_mem>>
      %dma_wait3A_557 = tpu.memref_squeeze %dma_wait3A_556 : memref<1x!tpu.dma_semaphore, #tpu.memory_space<semaphore_mem>> -> memref<!tpu.dma_semaphore, #tpu.memory_space<semaphore_mem>>
      %dma_wait3A_558 = arith.constant 0 : i32
      %dma_wait3A_559 = arith.constant 0 : i32
      %dma_wait3A_560 = tpu.memref_slice %arg7[%rem3A_527, %dma_wait3A_548, %dma_wait3A_558, %dma_wait3A_559] : memref<2x16x8x64xf32, #tpu.memory_space<vmem>> -> memref<1x1x8x64xf32, #tpu.memory_space<vmem>>
      %dma_wait3A_561 = tpu.memref_squeeze %dma_wait3A_560 : memref<1x1x8x64xf32, #tpu.memory_space<vmem>> -> memref<8x64xf32, #tpu.memory_space<vmem>>
      %dma_wait3A_562 = arith.constant 0 : i32
      %dma_wait3A_563 = arith.constant 0 : i32
      %dma_wait3A_564 = tpu.memref_slice %arg3[%dma_wait3A_562, %dma_wait3A_563] : memref<1000000x64xf32, #tpu.memory_space<hbm>> -> memref<8x64xf32, #tpu.memory_space<hbm>>
      tpu.wait_dma2 semaphore(%dma_wait3A_557 : memref<!tpu.dma_semaphore, #tpu.memory_space<semaphore_mem>>) src(%dma_wait3A_564 : memref<8x64xf32, #tpu.memory_space<hbm>>) dst(%dma_wait3A_561 : memref<8x64xf32, #tpu.memory_space<vmem>>)
      %dma_wait3A_565 = arith.constant 2 : i32
      %dma_wait3A_566 = arith.constant 0 : i32
      %dma_wait3A_567 = arith.constant 0 : i32
      %dma_wait3A_568 = tpu.memref_slice %arg7[%rem3A_527, %dma_wait3A_565, %dma_wait3A_566, %dma_wait3A_567] : memref<2x16x8x64xf32, #tpu.memory_space<vmem>> -> memref<1x1x8x64xf32, #tpu.memory_space<vmem>>
      %dma_wait3A_569 = tpu.memref_squeeze %dma_wait3A_568 : memref<1x1x8x64xf32, #tpu.memory_space<vmem>> -> memref<8x64xf32, #tpu.memory_space<vmem>>
      %dma_wait3A_570 = arith.constant 0 : i32
      %dma_wait3A_571 = arith.constant 0 : i32
      %dma_wait3A_572 = tpu.memref_slice %arg3[%dma_wait3A_570, %dma_wait3A_571] : memref<1000000x64xf32, #tpu.memory_space<hbm>> -> memref<8x64xf32, #tpu.memory_space<hbm>>
      %dma_wait3A_573 = tpu.memref_slice %arg10[%rem3A_527] : memref<2x!tpu.dma_semaphore, #tpu.memory_space<semaphore_mem>> -> memref<1x!tpu.dma_semaphore, #tpu.memory_space<semaphore_mem>>
      %dma_wait3A_574 = tpu.memref_squeeze %dma_wait3A_573 : memref<1x!tpu.dma_semaphore, #tpu.memory_space<semaphore_mem>> -> memref<!tpu.dma_semaphore, #tpu.memory_space<semaphore_mem>>
      %dma_wait3A_575 = arith.constant 0 : i32
      %dma_wait3A_576 = arith.constant 0 : i32
      %dma_wait3A_577 = tpu.memref_slice %arg7[%rem3A_527, %dma_wait3A_565, %dma_wait3A_575, %dma_wait3A_576] : memref<2x16x8x64xf32, #tpu.memory_space<vmem>> -> memref<1x1x8x64xf32, #tpu.memory_space<vmem>>
      %dma_wait3A_578 = tpu.memref_squeeze %dma_wait3A_577 : memref<1x1x8x64xf32, #tpu.memory_space<vmem>> -> memref<8x64xf32, #tpu.memory_space<vmem>>
      %dma_wait3A_579 = arith.constant 0 : i32
      %dma_wait3A_580 = arith.constant 0 : i32
      %dma_wait3A_581 = tpu.memref_slice %arg3[%dma_wait3A_579, %dma_wait3A_580] : memref<1000000x64xf32, #tpu.memory_space<hbm>> -> memref<8x64xf32, #tpu.memory_space<hbm>>
      tpu.wait_dma2 semaphore(%dma_wait3A_574 : memref<!tpu.dma_semaphore, #tpu.memory_space<semaphore_mem>>) src(%dma_wait3A_581 : memref<8x64xf32, #tpu.memory_space<hbm>>) dst(%dma_wait3A_578 : memref<8x64xf32, #tpu.memory_space<vmem>>)
      %dma_wait3A_582 = arith.constant 3 : i32
      %dma_wait3A_583 = arith.constant 0 : i32
      %dma_wait3A_584 = arith.constant 0 : i32
      %dma_wait3A_585 = tpu.memref_slice %arg7[%rem3A_527, %dma_wait3A_582, %dma_wait3A_583, %dma_wait3A_584] : memref<2x16x8x64xf32, #tpu.memory_space<vmem>> -> memref<1x1x8x64xf32, #tpu.memory_space<vmem>>
      %dma_wait3A_586 = tpu.memref_squeeze %dma_wait3A_585 : memref<1x1x8x64xf32, #tpu.memory_space<vmem>> -> memref<8x64xf32, #tpu.memory_space<vmem>>
      %dma_wait3A_587 = arith.constant 0 : i32
      %dma_wait3A_588 = arith.constant 0 : i32
      %dma_wait3A_589 = tpu.memref_slice %arg3[%dma_wait3A_587, %dma_wait3A_588] : memref<1000000x64xf32, #tpu.memory_space<hbm>> -> memref<8x64xf32, #tpu.memory_space<hbm>>
      %dma_wait3A_590 = tpu.memref_slice %arg10[%rem3A_527] : memref<2x!tpu.dma_semaphore, #tpu.memory_space<semaphore_mem>> -> memref<1x!tpu.dma_semaphore, #tpu.memory_space<semaphore_mem>>
      %dma_wait3A_591 = tpu.memref_squeeze %dma_wait3A_590 : memref<1x!tpu.dma_semaphore, #tpu.memory_space<semaphore_mem>> -> memref<!tpu.dma_semaphore, #tpu.memory_space<semaphore_mem>>
      %dma_wait3A_592 = arith.constant 0 : i32
      %dma_wait3A_593 = arith.constant 0 : i32
      %dma_wait3A_594 = tpu.memref_slice %arg7[%rem3A_527, %dma_wait3A_582, %dma_wait3A_592, %dma_wait3A_593] : memref<2x16x8x64xf32, #tpu.memory_space<vmem>> -> memref<1x1x8x64xf32, #tpu.memory_space<vmem>>
      %dma_wait3A_595 = tpu.memref_squeeze %dma_wait3A_594 : memref<1x1x8x64xf32, #tpu.memory_space<vmem>> -> memref<8x64xf32, #tpu.memory_space<vmem>>
      %dma_wait3A_596 = arith.constant 0 : i32
      %dma_wait3A_597 = arith.constant 0 : i32
      %dma_wait3A_598 = tpu.memref_slice %arg3[%dma_wait3A_596, %dma_wait3A_597] : memref<1000000x64xf32, #tpu.memory_space<hbm>> -> memref<8x64xf32, #tpu.memory_space<hbm>>
      tpu.wait_dma2 semaphore(%dma_wait3A_591 : memref<!tpu.dma_semaphore, #tpu.memory_space<semaphore_mem>>) src(%dma_wait3A_598 : memref<8x64xf32, #tpu.memory_space<hbm>>) dst(%dma_wait3A_595 : memref<8x64xf32, #tpu.memory_space<vmem>>)
      %dma_wait3A_599 = arith.constant 4 : i32
      %dma_wait3A_600 = arith.constant 0 : i32
      %dma_wait3A_601 = arith.constant 0 : i32
      %dma_wait3A_602 = tpu.memref_slice %arg7[%rem3A_527, %dma_wait3A_599, %dma_wait3A_600, %dma_wait3A_601] : memref<2x16x8x64xf32, #tpu.memory_space<vmem>> -> memref<1x1x8x64xf32, #tpu.memory_space<vmem>>
      %dma_wait3A_603 = tpu.memref_squeeze %dma_wait3A_602 : memref<1x1x8x64xf32, #tpu.memory_space<vmem>> -> memref<8x64xf32, #tpu.memory_space<vmem>>
      %dma_wait3A_604 = arith.constant 0 : i32
      %dma_wait3A_605 = arith.constant 0 : i32
      %dma_wait3A_606 = tpu.memref_slice %arg3[%dma_wait3A_604, %dma_wait3A_605] : memref<1000000x64xf32, #tpu.memory_space<hbm>> -> memref<8x64xf32, #tpu.memory_space<hbm>>
      %dma_wait3A_607 = tpu.memref_slice %arg10[%rem3A_527] : memref<2x!tpu.dma_semaphore, #tpu.memory_space<semaphore_mem>> -> memref<1x!tpu.dma_semaphore, #tpu.memory_space<semaphore_mem>>
      %dma_wait3A_608 = tpu.memref_squeeze %dma_wait3A_607 : memref<1x!tpu.dma_semaphore, #tpu.memory_space<semaphore_mem>> -> memref<!tpu.dma_semaphore, #tpu.memory_space<semaphore_mem>>
      %dma_wait3A_609 = arith.constant 0 : i32
      %dma_wait3A_610 = arith.constant 0 : i32
      %dma_wait3A_611 = tpu.memref_slice %arg7[%rem3A_527, %dma_wait3A_599, %dma_wait3A_609, %dma_wait3A_610] : memref<2x16x8x64xf32, #tpu.memory_space<vmem>> -> memref<1x1x8x64xf32, #tpu.memory_space<vmem>>
      %dma_wait3A_612 = tpu.memref_squeeze %dma_wait3A_611 : memref<1x1x8x64xf32, #tpu.memory_space<vmem>> -> memref<8x64xf32, #tpu.memory_space<vmem>>
      %dma_wait3A_613 = arith.constant 0 : i32
      %dma_wait3A_614 = arith.constant 0 : i32
      %dma_wait3A_615 = tpu.memref_slice %arg3[%dma_wait3A_613, %dma_wait3A_614] : memref<1000000x64xf32, #tpu.memory_space<hbm>> -> memref<8x64xf32, #tpu.memory_space<hbm>>
      tpu.wait_dma2 semaphore(%dma_wait3A_608 : memref<!tpu.dma_semaphore, #tpu.memory_space<semaphore_mem>>) src(%dma_wait3A_615 : memref<8x64xf32, #tpu.memory_space<hbm>>) dst(%dma_wait3A_612 : memref<8x64xf32, #tpu.memory_space<vmem>>)
      %dma_wait3A_616 = arith.constant 5 : i32
      %dma_wait3A_617 = arith.constant 0 : i32
      %dma_wait3A_618 = arith.constant 0 : i32
      %dma_wait3A_619 = tpu.memref_slice %arg7[%rem3A_527, %dma_wait3A_616, %dma_wait3A_617, %dma_wait3A_618] : memref<2x16x8x64xf32, #tpu.memory_space<vmem>> -> memref<1x1x8x64xf32, #tpu.memory_space<vmem>>
      %dma_wait3A_620 = tpu.memref_squeeze %dma_wait3A_619 : memref<1x1x8x64xf32, #tpu.memory_space<vmem>> -> memref<8x64xf32, #tpu.memory_space<vmem>>
      %dma_wait3A_621 = arith.constant 0 : i32
      %dma_wait3A_622 = arith.constant 0 : i32
      %dma_wait3A_623 = tpu.memref_slice %arg3[%dma_wait3A_621, %dma_wait3A_622] : memref<1000000x64xf32, #tpu.memory_space<hbm>> -> memref<8x64xf32, #tpu.memory_space<hbm>>
      %dma_wait3A_624 = tpu.memref_slice %arg10[%rem3A_527] : memref<2x!tpu.dma_semaphore, #tpu.memory_space<semaphore_mem>> -> memref<1x!tpu.dma_semaphore, #tpu.memory_space<semaphore_mem>>
      %dma_wait3A_625 = tpu.memref_squeeze %dma_wait3A_624 : memref<1x!tpu.dma_semaphore, #tpu.memory_space<semaphore_mem>> -> memref<!tpu.dma_semaphore, #tpu.memory_space<semaphore_mem>>
      %dma_wait3A_626 = arith.constant 0 : i32
      %dma_wait3A_627 = arith.constant 0 : i32
      %dma_wait3A_628 = tpu.memref_slice %arg7[%rem3A_527, %dma_wait3A_616, %dma_wait3A_626, %dma_wait3A_627] : memref<2x16x8x64xf32, #tpu.memory_space<vmem>> -> memref<1x1x8x64xf32, #tpu.memory_space<vmem>>
      %dma_wait3A_629 = tpu.memref_squeeze %dma_wait3A_628 : memref<1x1x8x64xf32, #tpu.memory_space<vmem>> -> memref<8x64xf32, #tpu.memory_space<vmem>>
      %dma_wait3A_630 = arith.constant 0 : i32
      %dma_wait3A_631 = arith.constant 0 : i32
      %dma_wait3A_632 = tpu.memref_slice %arg3[%dma_wait3A_630, %dma_wait3A_631] : memref<1000000x64xf32, #tpu.memory_space<hbm>> -> memref<8x64xf32, #tpu.memory_space<hbm>>
      tpu.wait_dma2 semaphore(%dma_wait3A_625 : memref<!tpu.dma_semaphore, #tpu.memory_space<semaphore_mem>>) src(%dma_wait3A_632 : memref<8x64xf32, #tpu.memory_space<hbm>>) dst(%dma_wait3A_629 : memref<8x64xf32, #tpu.memory_space<vmem>>)
      %dma_wait3A_633 = arith.constant 6 : i32
      %dma_wait3A_634 = arith.constant 0 : i32
      %dma_wait3A_635 = arith.constant 0 : i32
      %dma_wait3A_636 = tpu.memref_slice %arg7[%rem3A_527, %dma_wait3A_633, %dma_wait3A_634, %dma_wait3A_635] : memref<2x16x8x64xf32, #tpu.memory_space<vmem>> -> memref<1x1x8x64xf32, #tpu.memory_space<vmem>>
      %dma_wait3A_637 = tpu.memref_squeeze %dma_wait3A_636 : memref<1x1x8x64xf32, #tpu.memory_space<vmem>> -> memref<8x64xf32, #tpu.memory_space<vmem>>
      %dma_wait3A_638 = arith.constant 0 : i32
      %dma_wait3A_639 = arith.constant 0 : i32
      %dma_wait3A_640 = tpu.memref_slice %arg3[%dma_wait3A_638, %dma_wait3A_639] : memref<1000000x64xf32, #tpu.memory_space<hbm>> -> memref<8x64xf32, #tpu.memory_space<hbm>>
      %dma_wait3A_641 = tpu.memref_slice %arg10[%rem3A_527] : memref<2x!tpu.dma_semaphore, #tpu.memory_space<semaphore_mem>> -> memref<1x!tpu.dma_semaphore, #tpu.memory_space<semaphore_mem>>
      %dma_wait3A_642 = tpu.memref_squeeze %dma_wait3A_641 : memref<1x!tpu.dma_semaphore, #tpu.memory_space<semaphore_mem>> -> memref<!tpu.dma_semaphore, #tpu.memory_space<semaphore_mem>>
      %dma_wait3A_643 = arith.constant 0 : i32
      %dma_wait3A_644 = arith.constant 0 : i32
      %dma_wait3A_645 = tpu.memref_slice %arg7[%rem3A_527, %dma_wait3A_633, %dma_wait3A_643, %dma_wait3A_644] : memref<2x16x8x64xf32, #tpu.memory_space<vmem>> -> memref<1x1x8x64xf32, #tpu.memory_space<vmem>>
      %dma_wait3A_646 = tpu.memref_squeeze %dma_wait3A_645 : memref<1x1x8x64xf32, #tpu.memory_space<vmem>> -> memref<8x64xf32, #tpu.memory_space<vmem>>
      %dma_wait3A_647 = arith.constant 0 : i32
      %dma_wait3A_648 = arith.constant 0 : i32
      %dma_wait3A_649 = tpu.memref_slice %arg3[%dma_wait3A_647, %dma_wait3A_648] : memref<1000000x64xf32, #tpu.memory_space<hbm>> -> memref<8x64xf32, #tpu.memory_space<hbm>>
      tpu.wait_dma2 semaphore(%dma_wait3A_642 : memref<!tpu.dma_semaphore, #tpu.memory_space<semaphore_mem>>) src(%dma_wait3A_649 : memref<8x64xf32, #tpu.memory_space<hbm>>) dst(%dma_wait3A_646 : memref<8x64xf32, #tpu.memory_space<vmem>>)
      %dma_wait3A_650 = arith.constant 7 : i32
      %dma_wait3A_651 = arith.constant 0 : i32
      %dma_wait3A_652 = arith.constant 0 : i32
      %dma_wait3A_653 = tpu.memref_slice %arg7[%rem3A_527, %dma_wait3A_650, %dma_wait3A_651, %dma_wait3A_652] : memref<2x16x8x64xf32, #tpu.memory_space<vmem>> -> memref<1x1x8x64xf32, #tpu.memory_space<vmem>>
      %dma_wait3A_654 = tpu.memref_squeeze %dma_wait3A_653 : memref<1x1x8x64xf32, #tpu.memory_space<vmem>> -> memref<8x64xf32, #tpu.memory_space<vmem>>
      %dma_wait3A_655 = arith.constant 0 : i32
      %dma_wait3A_656 = arith.constant 0 : i32
      %dma_wait3A_657 = tpu.memref_slice %arg3[%dma_wait3A_655, %dma_wait3A_656] : memref<1000000x64xf32, #tpu.memory_space<hbm>> -> memref<8x64xf32, #tpu.memory_space<hbm>>
      %dma_wait3A_658 = tpu.memref_slice %arg10[%rem3A_527] : memref<2x!tpu.dma_semaphore, #tpu.memory_space<semaphore_mem>> -> memref<1x!tpu.dma_semaphore, #tpu.memory_space<semaphore_mem>>
      %dma_wait3A_659 = tpu.memref_squeeze %dma_wait3A_658 : memref<1x!tpu.dma_semaphore, #tpu.memory_space<semaphore_mem>> -> memref<!tpu.dma_semaphore, #tpu.memory_space<semaphore_mem>>
      %dma_wait3A_660 = arith.constant 0 : i32
      %dma_wait3A_661 = arith.constant 0 : i32
      %dma_wait3A_662 = tpu.memref_slice %arg7[%rem3A_527, %dma_wait3A_650, %dma_wait3A_660, %dma_wait3A_661] : memref<2x16x8x64xf32, #tpu.memory_space<vmem>> -> memref<1x1x8x64xf32, #tpu.memory_space<vmem>>
      %dma_wait3A_663 = tpu.memref_squeeze %dma_wait3A_662 : memref<1x1x8x64xf32, #tpu.memory_space<vmem>> -> memref<8x64xf32, #tpu.memory_space<vmem>>
      %dma_wait3A_664 = arith.constant 0 : i32
      %dma_wait3A_665 = arith.constant 0 : i32
      %dma_wait3A_666 = tpu.memref_slice %arg3[%dma_wait3A_664, %dma_wait3A_665] : memref<1000000x64xf32, #tpu.memory_space<hbm>> -> memref<8x64xf32, #tpu.memory_space<hbm>>
      tpu.wait_dma2 semaphore(%dma_wait3A_659 : memref<!tpu.dma_semaphore, #tpu.memory_space<semaphore_mem>>) src(%dma_wait3A_666 : memref<8x64xf32, #tpu.memory_space<hbm>>) dst(%dma_wait3A_663 : memref<8x64xf32, #tpu.memory_space<vmem>>)
      %dma_wait3A_667 = arith.constant 8 : i32
      %dma_wait3A_668 = arith.constant 0 : i32
      %dma_wait3A_669 = arith.constant 0 : i32
      %dma_wait3A_670 = tpu.memref_slice %arg7[%rem3A_527, %dma_wait3A_667, %dma_wait3A_668, %dma_wait3A_669] : memref<2x16x8x64xf32, #tpu.memory_space<vmem>> -> memref<1x1x8x64xf32, #tpu.memory_space<vmem>>
      %dma_wait3A_671 = tpu.memref_squeeze %dma_wait3A_670 : memref<1x1x8x64xf32, #tpu.memory_space<vmem>> -> memref<8x64xf32, #tpu.memory_space<vmem>>
      %dma_wait3A_672 = arith.constant 0 : i32
      %dma_wait3A_673 = arith.constant 0 : i32
      %dma_wait3A_674 = tpu.memref_slice %arg3[%dma_wait3A_672, %dma_wait3A_673] : memref<1000000x64xf32, #tpu.memory_space<hbm>> -> memref<8x64xf32, #tpu.memory_space<hbm>>
      %dma_wait3A_675 = tpu.memref_slice %arg10[%rem3A_527] : memref<2x!tpu.dma_semaphore, #tpu.memory_space<semaphore_mem>> -> memref<1x!tpu.dma_semaphore, #tpu.memory_space<semaphore_mem>>
      %dma_wait3A_676 = tpu.memref_squeeze %dma_wait3A_675 : memref<1x!tpu.dma_semaphore, #tpu.memory_space<semaphore_mem>> -> memref<!tpu.dma_semaphore, #tpu.memory_space<semaphore_mem>>
      %dma_wait3A_677 = arith.constant 0 : i32
      %dma_wait3A_678 = arith.constant 0 : i32
      %dma_wait3A_679 = tpu.memref_slice %arg7[%rem3A_527, %dma_wait3A_667, %dma_wait3A_677, %dma_wait3A_678] : memref<2x16x8x64xf32, #tpu.memory_space<vmem>> -> memref<1x1x8x64xf32, #tpu.memory_space<vmem>>
      %dma_wait3A_680 = tpu.memref_squeeze %dma_wait3A_679 : memref<1x1x8x64xf32, #tpu.memory_space<vmem>> -> memref<8x64xf32, #tpu.memory_space<vmem>>
      %dma_wait3A_681 = arith.constant 0 : i32
      %dma_wait3A_682 = arith.constant 0 : i32
      %dma_wait3A_683 = tpu.memref_slice %arg3[%dma_wait3A_681, %dma_wait3A_682] : memref<1000000x64xf32, #tpu.memory_space<hbm>> -> memref<8x64xf32, #tpu.memory_space<hbm>>
      tpu.wait_dma2 semaphore(%dma_wait3A_676 : memref<!tpu.dma_semaphore, #tpu.memory_space<semaphore_mem>>) src(%dma_wait3A_683 : memref<8x64xf32, #tpu.memory_space<hbm>>) dst(%dma_wait3A_680 : memref<8x64xf32, #tpu.memory_space<vmem>>)
      %dma_wait3A_684 = arith.constant 9 : i32
      %dma_wait3A_685 = arith.constant 0 : i32
      %dma_wait3A_686 = arith.constant 0 : i32
      %dma_wait3A_687 = tpu.memref_slice %arg7[%rem3A_527, %dma_wait3A_684, %dma_wait3A_685, %dma_wait3A_686] : memref<2x16x8x64xf32, #tpu.memory_space<vmem>> -> memref<1x1x8x64xf32, #tpu.memory_space<vmem>>
      %dma_wait3A_688 = tpu.memref_squeeze %dma_wait3A_687 : memref<1x1x8x64xf32, #tpu.memory_space<vmem>> -> memref<8x64xf32, #tpu.memory_space<vmem>>
      %dma_wait3A_689 = arith.constant 0 : i32
      %dma_wait3A_690 = arith.constant 0 : i32
      %dma_wait3A_691 = tpu.memref_slice %arg3[%dma_wait3A_689, %dma_wait3A_690] : memref<1000000x64xf32, #tpu.memory_space<hbm>> -> memref<8x64xf32, #tpu.memory_space<hbm>>
      %dma_wait3A_692 = tpu.memref_slice %arg10[%rem3A_527] : memref<2x!tpu.dma_semaphore, #tpu.memory_space<semaphore_mem>> -> memref<1x!tpu.dma_semaphore, #tpu.memory_space<semaphore_mem>>
      %dma_wait3A_693 = tpu.memref_squeeze %dma_wait3A_692 : memref<1x!tpu.dma_semaphore, #tpu.memory_space<semaphore_mem>> -> memref<!tpu.dma_semaphore, #tpu.memory_space<semaphore_mem>>
      %dma_wait3A_694 = arith.constant 0 : i32
      %dma_wait3A_695 = arith.constant 0 : i32
      %dma_wait3A_696 = tpu.memref_slice %arg7[%rem3A_527, %dma_wait3A_684, %dma_wait3A_694, %dma_wait3A_695] : memref<2x16x8x64xf32, #tpu.memory_space<vmem>> -> memref<1x1x8x64xf32, #tpu.memory_space<vmem>>
      %dma_wait3A_697 = tpu.memref_squeeze %dma_wait3A_696 : memref<1x1x8x64xf32, #tpu.memory_space<vmem>> -> memref<8x64xf32, #tpu.memory_space<vmem>>
      %dma_wait3A_698 = arith.constant 0 : i32
      %dma_wait3A_699 = arith.constant 0 : i32
      %dma_wait3A_700 = tpu.memref_slice %arg3[%dma_wait3A_698, %dma_wait3A_699] : memref<1000000x64xf32, #tpu.memory_space<hbm>> -> memref<8x64xf32, #tpu.memory_space<hbm>>
      tpu.wait_dma2 semaphore(%dma_wait3A_693 : memref<!tpu.dma_semaphore, #tpu.memory_space<semaphore_mem>>) src(%dma_wait3A_700 : memref<8x64xf32, #tpu.memory_space<hbm>>) dst(%dma_wait3A_697 : memref<8x64xf32, #tpu.memory_space<vmem>>)
      %dma_wait3A_701 = arith.constant 10 : i32
      %dma_wait3A_702 = arith.constant 0 : i32
      %dma_wait3A_703 = arith.constant 0 : i32
      %dma_wait3A_704 = tpu.memref_slice %arg7[%rem3A_527, %dma_wait3A_701, %dma_wait3A_702, %dma_wait3A_703] : memref<2x16x8x64xf32, #tpu.memory_space<vmem>> -> memref<1x1x8x64xf32, #tpu.memory_space<vmem>>
      %dma_wait3A_705 = tpu.memref_squeeze %dma_wait3A_704 : memref<1x1x8x64xf32, #tpu.memory_space<vmem>> -> memref<8x64xf32, #tpu.memory_space<vmem>>
      %dma_wait3A_706 = arith.constant 0 : i32
      %dma_wait3A_707 = arith.constant 0 : i32
      %dma_wait3A_708 = tpu.memref_slice %arg3[%dma_wait3A_706, %dma_wait3A_707] : memref<1000000x64xf32, #tpu.memory_space<hbm>> -> memref<8x64xf32, #tpu.memory_space<hbm>>
      %dma_wait3A_709 = tpu.memref_slice %arg10[%rem3A_527] : memref<2x!tpu.dma_semaphore, #tpu.memory_space<semaphore_mem>> -> memref<1x!tpu.dma_semaphore, #tpu.memory_space<semaphore_mem>>
      %dma_wait3A_710 = tpu.memref_squeeze %dma_wait3A_709 : memref<1x!tpu.dma_semaphore, #tpu.memory_space<semaphore_mem>> -> memref<!tpu.dma_semaphore, #tpu.memory_space<semaphore_mem>>
      %dma_wait3A_711 = arith.constant 0 : i32
      %dma_wait3A_712 = arith.constant 0 : i32
      %dma_wait3A_713 = tpu.memref_slice %arg7[%rem3A_527, %dma_wait3A_701, %dma_wait3A_711, %dma_wait3A_712] : memref<2x16x8x64xf32, #tpu.memory_space<vmem>> -> memref<1x1x8x64xf32, #tpu.memory_space<vmem>>
      %dma_wait3A_714 = tpu.memref_squeeze %dma_wait3A_713 : memref<1x1x8x64xf32, #tpu.memory_space<vmem>> -> memref<8x64xf32, #tpu.memory_space<vmem>>
      %dma_wait3A_715 = arith.constant 0 : i32
      %dma_wait3A_716 = arith.constant 0 : i32
      %dma_wait3A_717 = tpu.memref_slice %arg3[%dma_wait3A_715, %dma_wait3A_716] : memref<1000000x64xf32, #tpu.memory_space<hbm>> -> memref<8x64xf32, #tpu.memory_space<hbm>>
      tpu.wait_dma2 semaphore(%dma_wait3A_710 : memref<!tpu.dma_semaphore, #tpu.memory_space<semaphore_mem>>) src(%dma_wait3A_717 : memref<8x64xf32, #tpu.memory_space<hbm>>) dst(%dma_wait3A_714 : memref<8x64xf32, #tpu.memory_space<vmem>>)
      %dma_wait3A_718 = arith.constant 11 : i32
      %dma_wait3A_719 = arith.constant 0 : i32
      %dma_wait3A_720 = arith.constant 0 : i32
      %dma_wait3A_721 = tpu.memref_slice %arg7[%rem3A_527, %dma_wait3A_718, %dma_wait3A_719, %dma_wait3A_720] : memref<2x16x8x64xf32, #tpu.memory_space<vmem>> -> memref<1x1x8x64xf32, #tpu.memory_space<vmem>>
      %dma_wait3A_722 = tpu.memref_squeeze %dma_wait3A_721 : memref<1x1x8x64xf32, #tpu.memory_space<vmem>> -> memref<8x64xf32, #tpu.memory_space<vmem>>
      %dma_wait3A_723 = arith.constant 0 : i32
      %dma_wait3A_724 = arith.constant 0 : i32
      %dma_wait3A_725 = tpu.memref_slice %arg3[%dma_wait3A_723, %dma_wait3A_724] : memref<1000000x64xf32, #tpu.memory_space<hbm>> -> memref<8x64xf32, #tpu.memory_space<hbm>>
      %dma_wait3A_726 = tpu.memref_slice %arg10[%rem3A_527] : memref<2x!tpu.dma_semaphore, #tpu.memory_space<semaphore_mem>> -> memref<1x!tpu.dma_semaphore, #tpu.memory_space<semaphore_mem>>
      %dma_wait3A_727 = tpu.memref_squeeze %dma_wait3A_726 : memref<1x!tpu.dma_semaphore, #tpu.memory_space<semaphore_mem>> -> memref<!tpu.dma_semaphore, #tpu.memory_space<semaphore_mem>>
      %dma_wait3A_728 = arith.constant 0 : i32
      %dma_wait3A_729 = arith.constant 0 : i32
      %dma_wait3A_730 = tpu.memref_slice %arg7[%rem3A_527, %dma_wait3A_718, %dma_wait3A_728, %dma_wait3A_729] : memref<2x16x8x64xf32, #tpu.memory_space<vmem>> -> memref<1x1x8x64xf32, #tpu.memory_space<vmem>>
      %dma_wait3A_731 = tpu.memref_squeeze %dma_wait3A_730 : memref<1x1x8x64xf32, #tpu.memory_space<vmem>> -> memref<8x64xf32, #tpu.memory_space<vmem>>
      %dma_wait3A_732 = arith.constant 0 : i32
      %dma_wait3A_733 = arith.constant 0 : i32
      %dma_wait3A_734 = tpu.memref_slice %arg3[%dma_wait3A_732, %dma_wait3A_733] : memref<1000000x64xf32, #tpu.memory_space<hbm>> -> memref<8x64xf32, #tpu.memory_space<hbm>>
      tpu.wait_dma2 semaphore(%dma_wait3A_727 : memref<!tpu.dma_semaphore, #tpu.memory_space<semaphore_mem>>) src(%dma_wait3A_734 : memref<8x64xf32, #tpu.memory_space<hbm>>) dst(%dma_wait3A_731 : memref<8x64xf32, #tpu.memory_space<vmem>>)
      %dma_wait3A_735 = arith.constant 12 : i32
      %dma_wait3A_736 = arith.constant 0 : i32
      %dma_wait3A_737 = arith.constant 0 : i32
      %dma_wait3A_738 = tpu.memref_slice %arg7[%rem3A_527, %dma_wait3A_735, %dma_wait3A_736, %dma_wait3A_737] : memref<2x16x8x64xf32, #tpu.memory_space<vmem>> -> memref<1x1x8x64xf32, #tpu.memory_space<vmem>>
      %dma_wait3A_739 = tpu.memref_squeeze %dma_wait3A_738 : memref<1x1x8x64xf32, #tpu.memory_space<vmem>> -> memref<8x64xf32, #tpu.memory_space<vmem>>
      %dma_wait3A_740 = arith.constant 0 : i32
      %dma_wait3A_741 = arith.constant 0 : i32
      %dma_wait3A_742 = tpu.memref_slice %arg3[%dma_wait3A_740, %dma_wait3A_741] : memref<1000000x64xf32, #tpu.memory_space<hbm>> -> memref<8x64xf32, #tpu.memory_space<hbm>>
      %dma_wait3A_743 = tpu.memref_slice %arg10[%rem3A_527] : memref<2x!tpu.dma_semaphore, #tpu.memory_space<semaphore_mem>> -> memref<1x!tpu.dma_semaphore, #tpu.memory_space<semaphore_mem>>
      %dma_wait3A_744 = tpu.memref_squeeze %dma_wait3A_743 : memref<1x!tpu.dma_semaphore, #tpu.memory_space<semaphore_mem>> -> memref<!tpu.dma_semaphore, #tpu.memory_space<semaphore_mem>>
      %dma_wait3A_745 = arith.constant 0 : i32
      %dma_wait3A_746 = arith.constant 0 : i32
      %dma_wait3A_747 = tpu.memref_slice %arg7[%rem3A_527, %dma_wait3A_735, %dma_wait3A_745, %dma_wait3A_746] : memref<2x16x8x64xf32, #tpu.memory_space<vmem>> -> memref<1x1x8x64xf32, #tpu.memory_space<vmem>>
      %dma_wait3A_748 = tpu.memref_squeeze %dma_wait3A_747 : memref<1x1x8x64xf32, #tpu.memory_space<vmem>> -> memref<8x64xf32, #tpu.memory_space<vmem>>
      %dma_wait3A_749 = arith.constant 0 : i32
      %dma_wait3A_750 = arith.constant 0 : i32
      %dma_wait3A_751 = tpu.memref_slice %arg3[%dma_wait3A_749, %dma_wait3A_750] : memref<1000000x64xf32, #tpu.memory_space<hbm>> -> memref<8x64xf32, #tpu.memory_space<hbm>>
      tpu.wait_dma2 semaphore(%dma_wait3A_744 : memref<!tpu.dma_semaphore, #tpu.memory_space<semaphore_mem>>) src(%dma_wait3A_751 : memref<8x64xf32, #tpu.memory_space<hbm>>) dst(%dma_wait3A_748 : memref<8x64xf32, #tpu.memory_space<vmem>>)
      %dma_wait3A_752 = arith.constant 13 : i32
      %dma_wait3A_753 = arith.constant 0 : i32
      %dma_wait3A_754 = arith.constant 0 : i32
      %dma_wait3A_755 = tpu.memref_slice %arg7[%rem3A_527, %dma_wait3A_752, %dma_wait3A_753, %dma_wait3A_754] : memref<2x16x8x64xf32, #tpu.memory_space<vmem>> -> memref<1x1x8x64xf32, #tpu.memory_space<vmem>>
      %dma_wait3A_756 = tpu.memref_squeeze %dma_wait3A_755 : memref<1x1x8x64xf32, #tpu.memory_space<vmem>> -> memref<8x64xf32, #tpu.memory_space<vmem>>
      %dma_wait3A_757 = arith.constant 0 : i32
      %dma_wait3A_758 = arith.constant 0 : i32
      %dma_wait3A_759 = tpu.memref_slice %arg3[%dma_wait3A_757, %dma_wait3A_758] : memref<1000000x64xf32, #tpu.memory_space<hbm>> -> memref<8x64xf32, #tpu.memory_space<hbm>>
      %dma_wait3A_760 = tpu.memref_slice %arg10[%rem3A_527] : memref<2x!tpu.dma_semaphore, #tpu.memory_space<semaphore_mem>> -> memref<1x!tpu.dma_semaphore, #tpu.memory_space<semaphore_mem>>
      %dma_wait3A_761 = tpu.memref_squeeze %dma_wait3A_760 : memref<1x!tpu.dma_semaphore, #tpu.memory_space<semaphore_mem>> -> memref<!tpu.dma_semaphore, #tpu.memory_space<semaphore_mem>>
      %dma_wait3A_762 = arith.constant 0 : i32
      %dma_wait3A_763 = arith.constant 0 : i32
      %dma_wait3A_764 = tpu.memref_slice %arg7[%rem3A_527, %dma_wait3A_752, %dma_wait3A_762, %dma_wait3A_763] : memref<2x16x8x64xf32, #tpu.memory_space<vmem>> -> memref<1x1x8x64xf32, #tpu.memory_space<vmem>>
      %dma_wait3A_765 = tpu.memref_squeeze %dma_wait3A_764 : memref<1x1x8x64xf32, #tpu.memory_space<vmem>> -> memref<8x64xf32, #tpu.memory_space<vmem>>
      %dma_wait3A_766 = arith.constant 0 : i32
      %dma_wait3A_767 = arith.constant 0 : i32
      %dma_wait3A_768 = tpu.memref_slice %arg3[%dma_wait3A_766, %dma_wait3A_767] : memref<1000000x64xf32, #tpu.memory_space<hbm>> -> memref<8x64xf32, #tpu.memory_space<hbm>>
      tpu.wait_dma2 semaphore(%dma_wait3A_761 : memref<!tpu.dma_semaphore, #tpu.memory_space<semaphore_mem>>) src(%dma_wait3A_768 : memref<8x64xf32, #tpu.memory_space<hbm>>) dst(%dma_wait3A_765 : memref<8x64xf32, #tpu.memory_space<vmem>>)
      %dma_wait3A_769 = arith.constant 14 : i32
      %dma_wait3A_770 = arith.constant 0 : i32
      %dma_wait3A_771 = arith.constant 0 : i32
      %dma_wait3A_772 = tpu.memref_slice %arg7[%rem3A_527, %dma_wait3A_769, %dma_wait3A_770, %dma_wait3A_771] : memref<2x16x8x64xf32, #tpu.memory_space<vmem>> -> memref<1x1x8x64xf32, #tpu.memory_space<vmem>>
      %dma_wait3A_773 = tpu.memref_squeeze %dma_wait3A_772 : memref<1x1x8x64xf32, #tpu.memory_space<vmem>> -> memref<8x64xf32, #tpu.memory_space<vmem>>
      %dma_wait3A_774 = arith.constant 0 : i32
      %dma_wait3A_775 = arith.constant 0 : i32
      %dma_wait3A_776 = tpu.memref_slice %arg3[%dma_wait3A_774, %dma_wait3A_775] : memref<1000000x64xf32, #tpu.memory_space<hbm>> -> memref<8x64xf32, #tpu.memory_space<hbm>>
      %dma_wait3A_777 = tpu.memref_slice %arg10[%rem3A_527] : memref<2x!tpu.dma_semaphore, #tpu.memory_space<semaphore_mem>> -> memref<1x!tpu.dma_semaphore, #tpu.memory_space<semaphore_mem>>
      %dma_wait3A_778 = tpu.memref_squeeze %dma_wait3A_777 : memref<1x!tpu.dma_semaphore, #tpu.memory_space<semaphore_mem>> -> memref<!tpu.dma_semaphore, #tpu.memory_space<semaphore_mem>>
      %dma_wait3A_779 = arith.constant 0 : i32
      %dma_wait3A_780 = arith.constant 0 : i32
      %dma_wait3A_781 = tpu.memref_slice %arg7[%rem3A_527, %dma_wait3A_769, %dma_wait3A_779, %dma_wait3A_780] : memref<2x16x8x64xf32, #tpu.memory_space<vmem>> -> memref<1x1x8x64xf32, #tpu.memory_space<vmem>>
      %dma_wait3A_782 = tpu.memref_squeeze %dma_wait3A_781 : memref<1x1x8x64xf32, #tpu.memory_space<vmem>> -> memref<8x64xf32, #tpu.memory_space<vmem>>
      %dma_wait3A_783 = arith.constant 0 : i32
      %dma_wait3A_784 = arith.constant 0 : i32
      %dma_wait3A_785 = tpu.memref_slice %arg3[%dma_wait3A_783, %dma_wait3A_784] : memref<1000000x64xf32, #tpu.memory_space<hbm>> -> memref<8x64xf32, #tpu.memory_space<hbm>>
      tpu.wait_dma2 semaphore(%dma_wait3A_778 : memref<!tpu.dma_semaphore, #tpu.memory_space<semaphore_mem>>) src(%dma_wait3A_785 : memref<8x64xf32, #tpu.memory_space<hbm>>) dst(%dma_wait3A_782 : memref<8x64xf32, #tpu.memory_space<vmem>>)
      %dma_wait3A_786 = arith.constant 15 : i32
      %dma_wait3A_787 = arith.constant 0 : i32
      %dma_wait3A_788 = arith.constant 0 : i32
      %dma_wait3A_789 = tpu.memref_slice %arg7[%rem3A_527, %dma_wait3A_786, %dma_wait3A_787, %dma_wait3A_788] : memref<2x16x8x64xf32, #tpu.memory_space<vmem>> -> memref<1x1x8x64xf32, #tpu.memory_space<vmem>>
      %dma_wait3A_790 = tpu.memref_squeeze %dma_wait3A_789 : memref<1x1x8x64xf32, #tpu.memory_space<vmem>> -> memref<8x64xf32, #tpu.memory_space<vmem>>
      %dma_wait3A_791 = arith.constant 0 : i32
      %dma_wait3A_792 = arith.constant 0 : i32
      %dma_wait3A_793 = tpu.memref_slice %arg3[%dma_wait3A_791, %dma_wait3A_792] : memref<1000000x64xf32, #tpu.memory_space<hbm>> -> memref<8x64xf32, #tpu.memory_space<hbm>>
      %dma_wait3A_794 = tpu.memref_slice %arg10[%rem3A_527] : memref<2x!tpu.dma_semaphore, #tpu.memory_space<semaphore_mem>> -> memref<1x!tpu.dma_semaphore, #tpu.memory_space<semaphore_mem>>
      %dma_wait3A_795 = tpu.memref_squeeze %dma_wait3A_794 : memref<1x!tpu.dma_semaphore, #tpu.memory_space<semaphore_mem>> -> memref<!tpu.dma_semaphore, #tpu.memory_space<semaphore_mem>>
      %dma_wait3A_796 = arith.constant 0 : i32
      %dma_wait3A_797 = arith.constant 0 : i32
      %dma_wait3A_798 = tpu.memref_slice %arg7[%rem3A_527, %dma_wait3A_786, %dma_wait3A_796, %dma_wait3A_797] : memref<2x16x8x64xf32, #tpu.memory_space<vmem>> -> memref<1x1x8x64xf32, #tpu.memory_space<vmem>>
      %dma_wait3A_799 = tpu.memref_squeeze %dma_wait3A_798 : memref<1x1x8x64xf32, #tpu.memory_space<vmem>> -> memref<8x64xf32, #tpu.memory_space<vmem>>
      %dma_wait3A_800 = arith.constant 0 : i32
      %dma_wait3A_801 = arith.constant 0 : i32
      %dma_wait3A_802 = tpu.memref_slice %arg3[%dma_wait3A_800, %dma_wait3A_801] : memref<1000000x64xf32, #tpu.memory_space<hbm>> -> memref<8x64xf32, #tpu.memory_space<hbm>>
      tpu.wait_dma2 semaphore(%dma_wait3A_795 : memref<!tpu.dma_semaphore, #tpu.memory_space<semaphore_mem>>) src(%dma_wait3A_802 : memref<8x64xf32, #tpu.memory_space<hbm>>) dst(%dma_wait3A_799 : memref<8x64xf32, #tpu.memory_space<vmem>>)
      %mul3A_803 = arith.constant 16 : i32
      %mul3A_804 = arith.muli %scan3A_526, %mul3A_803 : i32
      %get3A_805 = arith.index_cast %mul3A_804 : i32 to index
      %get3A_806 = tpu.vector_load %arg6[%get3A_805] {strides = array<i32>} : memref<512xi32, #tpu.memory_space<vmem>>, vector<16xi32>,
      %and3A = arith.constant 7 : i32
      %and3A_807 = vector.broadcast %and3A : i32 to vector<16xi32>
      %and3A_808 = arith.andi %get3A_806, %and3A_807 : vector<16xi32>
      %broadcast_in_dim3A_809 = vector.broadcast %rem3A_527 : i32 to vector<16xi32>
      %broadcast_in_dim3A_810 = arith.constant 0 : i32
      %broadcast_in_dim3A_811 = vector.broadcast %broadcast_in_dim3A_810 : i32 to vector<16xi32>
      %eq3A_812 = arith.constant 0 : i32
      %eq3A_813 = vector.broadcast %eq3A_812 : i32 to vector<16xi32>
      %eq3A_814 = arith.cmpi eq, %iota3A, %eq3A_813 : vector<16xi32>
      %jit3A_815 = arith.constant 0 : i32
      %broadcast_in_dim3A_816 = vector.broadcast %jit3A_815 : i32 to vector<16xi32>
      %select_n3A_817 = arith.select %eq3A_814, %and3A_808, %broadcast_in_dim3A_816 : vector<16xi1>, vector<16xi32>
      %reduce_max3A_818 = arith.constant true
      %reduce_max3A_819 = vector.broadcast %reduce_max3A_818 : i1 to vector<16xi1>
      %reduce_max3A_820 = arith.constant -2147483648 : i32
      %reduce_max3A_821 = vector.broadcast %reduce_max3A_820 : i32 to vector<16xi32>
      %reduce_max3A_822 = arith.xori %select_n3A_817, %reduce_max3A_821 : vector<16xi32>
      %reduce_max3A_823 = tpu.scan <max>, %reduce_max3A_822 masked %reduce_max3A_819 : vector<16xi32>, vector<16xi1> -> vector<16xi32>
      %reduce_max3A_824 = arith.xori %reduce_max3A_823, %reduce_max3A_821 : vector<16xi32>
      %reduce_max3A_825 = vector.extract %reduce_max3A_824[15] : i32 from vector<16xi32>
      %broadcast_in_dim3A_826 = vector.broadcast %reduce_max3A_825 : i32 to vector<16xi32>
      %add3A_827 = arith.constant 0 : i32
      %add3A_828 = vector.broadcast %add3A_827 : i32 to vector<16xi32>
      %add3A_829 = arith.addi %add3A_828, %iota3A : vector<16xi32>
      %gather3A = tpu.vector_load_idx %arg7[%broadcast_in_dim3A_809, %broadcast_in_dim3A_811, %broadcast_in_dim3A_826, %add3A_829] : memref<2x16x8x64xf32, #tpu.memory_space<vmem>>[vector<16xi32>, vector<16xi32>, vector<16xi32>, vector<16xi32>], vector<16xf32>,
      %add3A_830 = arith.addf %gather3A, %get3A_3 : vector<16xf32>
      %mul3A_831 = arith.constant 16 : i32
      %mul3A_832 = arith.muli %scan3A_526, %mul3A_831 : i32
      %add3A_833 = arith.constant 0 : i32
      %add3A_834 = arith.addi %mul3A_832, %add3A_833 : i32
      %swap3A = arith.index_cast %add3A_834 : i32 to index
      %swap3A_835 = arith.constant 0 : index
      %swap3A_836 = tpu.vector_load %arg8[%swap3A, %swap3A_835] {strides = array<i32>} : memref<512x64xf32, #tpu.memory_space<vmem>>, vector<16xf32>,
      tpu.vector_store %arg8[%swap3A, %swap3A_835], %add3A_830 {strides = array<i32>} : memref<512x64xf32, #tpu.memory_space<vmem>>, vector<16xf32>,
      %add3A_837 = arith.constant 16 : i32
      %add3A_838 = vector.broadcast %add3A_837 : i32 to vector<16xi32>
      %add3A_839 = arith.addi %add3A_838, %iota3A : vector<16xi32>
      %gather3A_840 = tpu.vector_load_idx %arg7[%broadcast_in_dim3A_809, %broadcast_in_dim3A_811, %broadcast_in_dim3A_826, %add3A_839] : memref<2x16x8x64xf32, #tpu.memory_space<vmem>>[vector<16xi32>, vector<16xi32>, vector<16xi32>, vector<16xi32>], vector<16xf32>,
      %add3A_841 = arith.addf %gather3A_840, %get3A_5 : vector<16xf32>
      %mul3A_842 = arith.constant 16 : i32
      %mul3A_843 = arith.muli %scan3A_526, %mul3A_842 : i32
      %add3A_844 = arith.constant 0 : i32
      %add3A_845 = arith.addi %mul3A_843, %add3A_844 : i32
      %swap3A_846 = arith.index_cast %add3A_845 : i32 to index
      %swap3A_847 = arith.constant 16 : index
      %swap3A_848 = tpu.vector_load %arg8[%swap3A_846, %swap3A_847] {strides = array<i32>} : memref<512x64xf32, #tpu.memory_space<vmem>>, vector<16xf32>,
      tpu.vector_store %arg8[%swap3A_846, %swap3A_847], %add3A_841 {strides = array<i32>} : memref<512x64xf32, #tpu.memory_space<vmem>>, vector<16xf32>,
      %add3A_849 = arith.constant 32 : i32
      %add3A_850 = vector.broadcast %add3A_849 : i32 to vector<16xi32>
      %add3A_851 = arith.addi %add3A_850, %iota3A : vector<16xi32>
      %gather3A_852 = tpu.vector_load_idx %arg7[%broadcast_in_dim3A_809, %broadcast_in_dim3A_811, %broadcast_in_dim3A_826, %add3A_851] : memref<2x16x8x64xf32, #tpu.memory_space<vmem>>[vector<16xi32>, vector<16xi32>, vector<16xi32>, vector<16xi32>], vector<16xf32>,
      %add3A_853 = arith.addf %gather3A_852, %get3A_7 : vector<16xf32>
      %mul3A_854 = arith.constant 16 : i32
      %mul3A_855 = arith.muli %scan3A_526, %mul3A_854 : i32
      %add3A_856 = arith.constant 0 : i32
      %add3A_857 = arith.addi %mul3A_855, %add3A_856 : i32
      %swap3A_858 = arith.index_cast %add3A_857 : i32 to index
      %swap3A_859 = arith.constant 32 : index
      %swap3A_860 = tpu.vector_load %arg8[%swap3A_858, %swap3A_859] {strides = array<i32>} : memref<512x64xf32, #tpu.memory_space<vmem>>, vector<16xf32>,
      tpu.vector_store %arg8[%swap3A_858, %swap3A_859], %add3A_853 {strides = array<i32>} : memref<512x64xf32, #tpu.memory_space<vmem>>, vector<16xf32>,
      %add3A_861 = arith.constant 48 : i32
      %add3A_862 = vector.broadcast %add3A_861 : i32 to vector<16xi32>
      %add3A_863 = arith.addi %add3A_862, %iota3A : vector<16xi32>
      %gather3A_864 = tpu.vector_load_idx %arg7[%broadcast_in_dim3A_809, %broadcast_in_dim3A_811, %broadcast_in_dim3A_826, %add3A_863] : memref<2x16x8x64xf32, #tpu.memory_space<vmem>>[vector<16xi32>, vector<16xi32>, vector<16xi32>, vector<16xi32>], vector<16xf32>,
      %add3A_865 = arith.addf %gather3A_864, %get3A_9 : vector<16xf32>
      %mul3A_866 = arith.constant 16 : i32
      %mul3A_867 = arith.muli %scan3A_526, %mul3A_866 : i32
      %add3A_868 = arith.constant 0 : i32
      %add3A_869 = arith.addi %mul3A_867, %add3A_868 : i32
      %swap3A_870 = arith.index_cast %add3A_869 : i32 to index
      %swap3A_871 = arith.constant 48 : index
      %swap3A_872 = tpu.vector_load %arg8[%swap3A_870, %swap3A_871] {strides = array<i32>} : memref<512x64xf32, #tpu.memory_space<vmem>>, vector<16xf32>,
      tpu.vector_store %arg8[%swap3A_870, %swap3A_871], %add3A_865 {strides = array<i32>} : memref<512x64xf32, #tpu.memory_space<vmem>>, vector<16xf32>,
      %broadcast_in_dim3A_873 = arith.constant 1 : i32
      %broadcast_in_dim3A_874 = vector.broadcast %broadcast_in_dim3A_873 : i32 to vector<16xi32>
      %eq3A_875 = arith.constant 1 : i32
      %eq3A_876 = vector.broadcast %eq3A_875 : i32 to vector<16xi32>
      %eq3A_877 = arith.cmpi eq, %iota3A, %eq3A_876 : vector<16xi32>
      %jit3A_878 = arith.constant 0 : i32
      %broadcast_in_dim3A_879 = vector.broadcast %jit3A_878 : i32 to vector<16xi32>
      %select_n3A_880 = arith.select %eq3A_877, %and3A_808, %broadcast_in_dim3A_879 : vector<16xi1>, vector<16xi32>
      %reduce_max3A_881 = arith.constant true
      %reduce_max3A_882 = vector.broadcast %reduce_max3A_881 : i1 to vector<16xi1>
      %reduce_max3A_883 = arith.constant -2147483648 : i32
      %reduce_max3A_884 = vector.broadcast %reduce_max3A_883 : i32 to vector<16xi32>
      %reduce_max3A_885 = arith.xori %select_n3A_880, %reduce_max3A_884 : vector<16xi32>
      %reduce_max3A_886 = tpu.scan <max>, %reduce_max3A_885 masked %reduce_max3A_882 : vector<16xi32>, vector<16xi1> -> vector<16xi32>
      %reduce_max3A_887 = arith.xori %reduce_max3A_886, %reduce_max3A_884 : vector<16xi32>
      %reduce_max3A_888 = vector.extract %reduce_max3A_887[15] : i32 from vector<16xi32>
      %broadcast_in_dim3A_889 = vector.broadcast %reduce_max3A_888 : i32 to vector<16xi32>
      %add3A_890 = arith.constant 0 : i32
      %add3A_891 = vector.broadcast %add3A_890 : i32 to vector<16xi32>
      %add3A_892 = arith.addi %add3A_891, %iota3A : vector<16xi32>
      %gather3A_893 = tpu.vector_load_idx %arg7[%broadcast_in_dim3A_809, %broadcast_in_dim3A_874, %broadcast_in_dim3A_889, %add3A_892] : memref<2x16x8x64xf32, #tpu.memory_space<vmem>>[vector<16xi32>, vector<16xi32>, vector<16xi32>, vector<16xi32>], vector<16xf32>,
      %add3A_894 = arith.addf %gather3A_893, %get3A_3 : vector<16xf32>
      %mul3A_895 = arith.constant 16 : i32
      %mul3A_896 = arith.muli %scan3A_526, %mul3A_895 : i32
      %add3A_897 = arith.constant 1 : i32
      %add3A_898 = arith.addi %mul3A_896, %add3A_897 : i32
      %swap3A_899 = arith.index_cast %add3A_898 : i32 to index
      %swap3A_900 = arith.constant 0 : index
      %swap3A_901 = tpu.vector_load %arg8[%swap3A_899, %swap3A_900] {strides = array<i32>} : memref<512x64xf32, #tpu.memory_space<vmem>>, vector<16xf32>,
      tpu.vector_store %arg8[%swap3A_899, %swap3A_900], %add3A_894 {strides = array<i32>} : memref<512x64xf32, #tpu.memory_space<vmem>>, vector<16xf32>,
      %add3A_902 = arith.constant 16 : i32
      %add3A_903 = vector.broadcast %add3A_902 : i32 to vector<16xi32>
      %add3A_904 = arith.addi %add3A_903, %iota3A : vector<16xi32>
      %gather3A_905 = tpu.vector_load_idx %arg7[%broadcast_in_dim3A_809, %broadcast_in_dim3A_874, %broadcast_in_dim3A_889, %add3A_904] : memref<2x16x8x64xf32, #tpu.memory_space<vmem>>[vector<16xi32>, vector<16xi32>, vector<16xi32>, vector<16xi32>], vector<16xf32>,
      %add3A_906 = arith.addf %gather3A_905, %get3A_5 : vector<16xf32>
      %mul3A_907 = arith.constant 16 : i32
      %mul3A_908 = arith.muli %scan3A_526, %mul3A_907 : i32
      %add3A_909 = arith.constant 1 : i32
      %add3A_910 = arith.addi %mul3A_908, %add3A_909 : i32
      %swap3A_911 = arith.index_cast %add3A_910 : i32 to index
      %swap3A_912 = arith.constant 16 : index
      %swap3A_913 = tpu.vector_load %arg8[%swap3A_911, %swap3A_912] {strides = array<i32>} : memref<512x64xf32, #tpu.memory_space<vmem>>, vector<16xf32>,
      tpu.vector_store %arg8[%swap3A_911, %swap3A_912], %add3A_906 {strides = array<i32>} : memref<512x64xf32, #tpu.memory_space<vmem>>, vector<16xf32>,
      %add3A_914 = arith.constant 32 : i32
      %add3A_915 = vector.broadcast %add3A_914 : i32 to vector<16xi32>
      %add3A_916 = arith.addi %add3A_915, %iota3A : vector<16xi32>
      %gather3A_917 = tpu.vector_load_idx %arg7[%broadcast_in_dim3A_809, %broadcast_in_dim3A_874, %broadcast_in_dim3A_889, %add3A_916] : memref<2x16x8x64xf32, #tpu.memory_space<vmem>>[vector<16xi32>, vector<16xi32>, vector<16xi32>, vector<16xi32>], vector<16xf32>,
      %add3A_918 = arith.addf %gather3A_917, %get3A_7 : vector<16xf32>
      %mul3A_919 = arith.constant 16 : i32
      %mul3A_920 = arith.muli %scan3A_526, %mul3A_919 : i32
      %add3A_921 = arith.constant 1 : i32
      %add3A_922 = arith.addi %mul3A_920, %add3A_921 : i32
      %swap3A_923 = arith.index_cast %add3A_922 : i32 to index
      %swap3A_924 = arith.constant 32 : index
      %swap3A_925 = tpu.vector_load %arg8[%swap3A_923, %swap3A_924] {strides = array<i32>} : memref<512x64xf32, #tpu.memory_space<vmem>>, vector<16xf32>,
      tpu.vector_store %arg8[%swap3A_923, %swap3A_924], %add3A_918 {strides = array<i32>} : memref<512x64xf32, #tpu.memory_space<vmem>>, vector<16xf32>,
      %add3A_926 = arith.constant 48 : i32
      %add3A_927 = vector.broadcast %add3A_926 : i32 to vector<16xi32>
      %add3A_928 = arith.addi %add3A_927, %iota3A : vector<16xi32>
      %gather3A_929 = tpu.vector_load_idx %arg7[%broadcast_in_dim3A_809, %broadcast_in_dim3A_874, %broadcast_in_dim3A_889, %add3A_928] : memref<2x16x8x64xf32, #tpu.memory_space<vmem>>[vector<16xi32>, vector<16xi32>, vector<16xi32>, vector<16xi32>], vector<16xf32>,
      %add3A_930 = arith.addf %gather3A_929, %get3A_9 : vector<16xf32>
      %mul3A_931 = arith.constant 16 : i32
      %mul3A_932 = arith.muli %scan3A_526, %mul3A_931 : i32
      %add3A_933 = arith.constant 1 : i32
      %add3A_934 = arith.addi %mul3A_932, %add3A_933 : i32
      %swap3A_935 = arith.index_cast %add3A_934 : i32 to index
      %swap3A_936 = arith.constant 48 : index
      %swap3A_937 = tpu.vector_load %arg8[%swap3A_935, %swap3A_936] {strides = array<i32>} : memref<512x64xf32, #tpu.memory_space<vmem>>, vector<16xf32>,
      tpu.vector_store %arg8[%swap3A_935, %swap3A_936], %add3A_930 {strides = array<i32>} : memref<512x64xf32, #tpu.memory_space<vmem>>, vector<16xf32>,
      %broadcast_in_dim3A_938 = arith.constant 2 : i32
      %broadcast_in_dim3A_939 = vector.broadcast %broadcast_in_dim3A_938 : i32 to vector<16xi32>
      %eq3A_940 = arith.constant 2 : i32
      %eq3A_941 = vector.broadcast %eq3A_940 : i32 to vector<16xi32>
      %eq3A_942 = arith.cmpi eq, %iota3A, %eq3A_941 : vector<16xi32>
      %jit3A_943 = arith.constant 0 : i32
      %broadcast_in_dim3A_944 = vector.broadcast %jit3A_943 : i32 to vector<16xi32>
      %select_n3A_945 = arith.select %eq3A_942, %and3A_808, %broadcast_in_dim3A_944 : vector<16xi1>, vector<16xi32>
      %reduce_max3A_946 = arith.constant true
      %reduce_max3A_947 = vector.broadcast %reduce_max3A_946 : i1 to vector<16xi1>
      %reduce_max3A_948 = arith.constant -2147483648 : i32
      %reduce_max3A_949 = vector.broadcast %reduce_max3A_948 : i32 to vector<16xi32>
      %reduce_max3A_950 = arith.xori %select_n3A_945, %reduce_max3A_949 : vector<16xi32>
      %reduce_max3A_951 = tpu.scan <max>, %reduce_max3A_950 masked %reduce_max3A_947 : vector<16xi32>, vector<16xi1> -> vector<16xi32>
      %reduce_max3A_952 = arith.xori %reduce_max3A_951, %reduce_max3A_949 : vector<16xi32>
      %reduce_max3A_953 = vector.extract %reduce_max3A_952[15] : i32 from vector<16xi32>
      %broadcast_in_dim3A_954 = vector.broadcast %reduce_max3A_953 : i32 to vector<16xi32>
      %add3A_955 = arith.constant 0 : i32
      %add3A_956 = vector.broadcast %add3A_955 : i32 to vector<16xi32>
      %add3A_957 = arith.addi %add3A_956, %iota3A : vector<16xi32>
      %gather3A_958 = tpu.vector_load_idx %arg7[%broadcast_in_dim3A_809, %broadcast_in_dim3A_939, %broadcast_in_dim3A_954, %add3A_957] : memref<2x16x8x64xf32, #tpu.memory_space<vmem>>[vector<16xi32>, vector<16xi32>, vector<16xi32>, vector<16xi32>], vector<16xf32>,
      %add3A_959 = arith.addf %gather3A_958, %get3A_3 : vector<16xf32>
      %mul3A_960 = arith.constant 16 : i32
      %mul3A_961 = arith.muli %scan3A_526, %mul3A_960 : i32
      %add3A_962 = arith.constant 2 : i32
      %add3A_963 = arith.addi %mul3A_961, %add3A_962 : i32
      %swap3A_964 = arith.index_cast %add3A_963 : i32 to index
      %swap3A_965 = arith.constant 0 : index
      %swap3A_966 = tpu.vector_load %arg8[%swap3A_964, %swap3A_965] {strides = array<i32>} : memref<512x64xf32, #tpu.memory_space<vmem>>, vector<16xf32>,
      tpu.vector_store %arg8[%swap3A_964, %swap3A_965], %add3A_959 {strides = array<i32>} : memref<512x64xf32, #tpu.memory_space<vmem>>, vector<16xf32>,
      %add3A_967 = arith.constant 16 : i32
      %add3A_968 = vector.broadcast %add3A_967 : i32 to vector<16xi32>
      %add3A_969 = arith.addi %add3A_968, %iota3A : vector<16xi32>
      %gather3A_970 = tpu.vector_load_idx %arg7[%broadcast_in_dim3A_809, %broadcast_in_dim3A_939, %broadcast_in_dim3A_954, %add3A_969] : memref<2x16x8x64xf32, #tpu.memory_space<vmem>>[vector<16xi32>, vector<16xi32>, vector<16xi32>, vector<16xi32>], vector<16xf32>,
      %add3A_971 = arith.addf %gather3A_970, %get3A_5 : vector<16xf32>
      %mul3A_972 = arith.constant 16 : i32
      %mul3A_973 = arith.muli %scan3A_526, %mul3A_972 : i32
      %add3A_974 = arith.constant 2 : i32
      %add3A_975 = arith.addi %mul3A_973, %add3A_974 : i32
      %swap3A_976 = arith.index_cast %add3A_975 : i32 to index
      %swap3A_977 = arith.constant 16 : index
      %swap3A_978 = tpu.vector_load %arg8[%swap3A_976, %swap3A_977] {strides = array<i32>} : memref<512x64xf32, #tpu.memory_space<vmem>>, vector<16xf32>,
      tpu.vector_store %arg8[%swap3A_976, %swap3A_977], %add3A_971 {strides = array<i32>} : memref<512x64xf32, #tpu.memory_space<vmem>>, vector<16xf32>,
      %add3A_979 = arith.constant 32 : i32
      %add3A_980 = vector.broadcast %add3A_979 : i32 to vector<16xi32>
      %add3A_981 = arith.addi %add3A_980, %iota3A : vector<16xi32>
      %gather3A_982 = tpu.vector_load_idx %arg7[%broadcast_in_dim3A_809, %broadcast_in_dim3A_939, %broadcast_in_dim3A_954, %add3A_981] : memref<2x16x8x64xf32, #tpu.memory_space<vmem>>[vector<16xi32>, vector<16xi32>, vector<16xi32>, vector<16xi32>], vector<16xf32>,
      %add3A_983 = arith.addf %gather3A_982, %get3A_7 : vector<16xf32>
      %mul3A_984 = arith.constant 16 : i32
      %mul3A_985 = arith.muli %scan3A_526, %mul3A_984 : i32
      %add3A_986 = arith.constant 2 : i32
      %add3A_987 = arith.addi %mul3A_985, %add3A_986 : i32
      %swap3A_988 = arith.index_cast %add3A_987 : i32 to index
      %swap3A_989 = arith.constant 32 : index
      %swap3A_990 = tpu.vector_load %arg8[%swap3A_988, %swap3A_989] {strides = array<i32>} : memref<512x64xf32, #tpu.memory_space<vmem>>, vector<16xf32>,
      tpu.vector_store %arg8[%swap3A_988, %swap3A_989], %add3A_983 {strides = array<i32>} : memref<512x64xf32, #tpu.memory_space<vmem>>, vector<16xf32>,
      %add3A_991 = arith.constant 48 : i32
      %add3A_992 = vector.broadcast %add3A_991 : i32 to vector<16xi32>
      %add3A_993 = arith.addi %add3A_992, %iota3A : vector<16xi32>
      %gather3A_994 = tpu.vector_load_idx %arg7[%broadcast_in_dim3A_809, %broadcast_in_dim3A_939, %broadcast_in_dim3A_954, %add3A_993] : memref<2x16x8x64xf32, #tpu.memory_space<vmem>>[vector<16xi32>, vector<16xi32>, vector<16xi32>, vector<16xi32>], vector<16xf32>,
      %add3A_995 = arith.addf %gather3A_994, %get3A_9 : vector<16xf32>
      %mul3A_996 = arith.constant 16 : i32
      %mul3A_997 = arith.muli %scan3A_526, %mul3A_996 : i32
      %add3A_998 = arith.constant 2 : i32
      %add3A_999 = arith.addi %mul3A_997, %add3A_998 : i32
      %swap3A_1000 = arith.index_cast %add3A_999 : i32 to index
      %swap3A_1001 = arith.constant 48 : index
      %swap3A_1002 = tpu.vector_load %arg8[%swap3A_1000, %swap3A_1001] {strides = array<i32>} : memref<512x64xf32, #tpu.memory_space<vmem>>, vector<16xf32>,
      tpu.vector_store %arg8[%swap3A_1000, %swap3A_1001], %add3A_995 {strides = array<i32>} : memref<512x64xf32, #tpu.memory_space<vmem>>, vector<16xf32>,
      %broadcast_in_dim3A_1003 = arith.constant 3 : i32
      %broadcast_in_dim3A_1004 = vector.broadcast %broadcast_in_dim3A_1003 : i32 to vector<16xi32>
      %eq3A_1005 = arith.constant 3 : i32
      %eq3A_1006 = vector.broadcast %eq3A_1005 : i32 to vector<16xi32>
      %eq3A_1007 = arith.cmpi eq, %iota3A, %eq3A_1006 : vector<16xi32>
      %jit3A_1008 = arith.constant 0 : i32
      %broadcast_in_dim3A_1009 = vector.broadcast %jit3A_1008 : i32 to vector<16xi32>
      %select_n3A_1010 = arith.select %eq3A_1007, %and3A_808, %broadcast_in_dim3A_1009 : vector<16xi1>, vector<16xi32>
      %reduce_max3A_1011 = arith.constant true
      %reduce_max3A_1012 = vector.broadcast %reduce_max3A_1011 : i1 to vector<16xi1>
      %reduce_max3A_1013 = arith.constant -2147483648 : i32
      %reduce_max3A_1014 = vector.broadcast %reduce_max3A_1013 : i32 to vector<16xi32>
      %reduce_max3A_1015 = arith.xori %select_n3A_1010, %reduce_max3A_1014 : vector<16xi32>
      %reduce_max3A_1016 = tpu.scan <max>, %reduce_max3A_1015 masked %reduce_max3A_1012 : vector<16xi32>, vector<16xi1> -> vector<16xi32>
      %reduce_max3A_1017 = arith.xori %reduce_max3A_1016, %reduce_max3A_1014 : vector<16xi32>
      %reduce_max3A_1018 = vector.extract %reduce_max3A_1017[15] : i32 from vector<16xi32>
      %broadcast_in_dim3A_1019 = vector.broadcast %reduce_max3A_1018 : i32 to vector<16xi32>
      %add3A_1020 = arith.constant 0 : i32
      %add3A_1021 = vector.broadcast %add3A_1020 : i32 to vector<16xi32>
      %add3A_1022 = arith.addi %add3A_1021, %iota3A : vector<16xi32>
      %gather3A_1023 = tpu.vector_load_idx %arg7[%broadcast_in_dim3A_809, %broadcast_in_dim3A_1004, %broadcast_in_dim3A_1019, %add3A_1022] : memref<2x16x8x64xf32, #tpu.memory_space<vmem>>[vector<16xi32>, vector<16xi32>, vector<16xi32>, vector<16xi32>], vector<16xf32>,
      %add3A_1024 = arith.addf %gather3A_1023, %get3A_3 : vector<16xf32>
      %mul3A_1025 = arith.constant 16 : i32
      %mul3A_1026 = arith.muli %scan3A_526, %mul3A_1025 : i32
      %add3A_1027 = arith.constant 3 : i32
      %add3A_1028 = arith.addi %mul3A_1026, %add3A_1027 : i32
      %swap3A_1029 = arith.index_cast %add3A_1028 : i32 to index
      %swap3A_1030 = arith.constant 0 : index
      %swap3A_1031 = tpu.vector_load %arg8[%swap3A_1029, %swap3A_1030] {strides = array<i32>} : memref<512x64xf32, #tpu.memory_space<vmem>>, vector<16xf32>,
      tpu.vector_store %arg8[%swap3A_1029, %swap3A_1030], %add3A_1024 {strides = array<i32>} : memref<512x64xf32, #tpu.memory_space<vmem>>, vector<16xf32>,
      %add3A_1032 = arith.constant 16 : i32
      %add3A_1033 = vector.broadcast %add3A_1032 : i32 to vector<16xi32>
      %add3A_1034 = arith.addi %add3A_1033, %iota3A : vector<16xi32>
      %gather3A_1035 = tpu.vector_load_idx %arg7[%broadcast_in_dim3A_809, %broadcast_in_dim3A_1004, %broadcast_in_dim3A_1019, %add3A_1034] : memref<2x16x8x64xf32, #tpu.memory_space<vmem>>[vector<16xi32>, vector<16xi32>, vector<16xi32>, vector<16xi32>], vector<16xf32>,
      %add3A_1036 = arith.addf %gather3A_1035, %get3A_5 : vector<16xf32>
      %mul3A_1037 = arith.constant 16 : i32
      %mul3A_1038 = arith.muli %scan3A_526, %mul3A_1037 : i32
      %add3A_1039 = arith.constant 3 : i32
      %add3A_1040 = arith.addi %mul3A_1038, %add3A_1039 : i32
      %swap3A_1041 = arith.index_cast %add3A_1040 : i32 to index
      %swap3A_1042 = arith.constant 16 : index
      %swap3A_1043 = tpu.vector_load %arg8[%swap3A_1041, %swap3A_1042] {strides = array<i32>} : memref<512x64xf32, #tpu.memory_space<vmem>>, vector<16xf32>,
      tpu.vector_store %arg8[%swap3A_1041, %swap3A_1042], %add3A_1036 {strides = array<i32>} : memref<512x64xf32, #tpu.memory_space<vmem>>, vector<16xf32>,
      %add3A_1044 = arith.constant 32 : i32
      %add3A_1045 = vector.broadcast %add3A_1044 : i32 to vector<16xi32>
      %add3A_1046 = arith.addi %add3A_1045, %iota3A : vector<16xi32>
      %gather3A_1047 = tpu.vector_load_idx %arg7[%broadcast_in_dim3A_809, %broadcast_in_dim3A_1004, %broadcast_in_dim3A_1019, %add3A_1046] : memref<2x16x8x64xf32, #tpu.memory_space<vmem>>[vector<16xi32>, vector<16xi32>, vector<16xi32>, vector<16xi32>], vector<16xf32>,
      %add3A_1048 = arith.addf %gather3A_1047, %get3A_7 : vector<16xf32>
      %mul3A_1049 = arith.constant 16 : i32
      %mul3A_1050 = arith.muli %scan3A_526, %mul3A_1049 : i32
      %add3A_1051 = arith.constant 3 : i32
      %add3A_1052 = arith.addi %mul3A_1050, %add3A_1051 : i32
      %swap3A_1053 = arith.index_cast %add3A_1052 : i32 to index
      %swap3A_1054 = arith.constant 32 : index
      %swap3A_1055 = tpu.vector_load %arg8[%swap3A_1053, %swap3A_1054] {strides = array<i32>} : memref<512x64xf32, #tpu.memory_space<vmem>>, vector<16xf32>,
      tpu.vector_store %arg8[%swap3A_1053, %swap3A_1054], %add3A_1048 {strides = array<i32>} : memref<512x64xf32, #tpu.memory_space<vmem>>, vector<16xf32>,
      %add3A_1056 = arith.constant 48 : i32
      %add3A_1057 = vector.broadcast %add3A_1056 : i32 to vector<16xi32>
      %add3A_1058 = arith.addi %add3A_1057, %iota3A : vector<16xi32>
      %gather3A_1059 = tpu.vector_load_idx %arg7[%broadcast_in_dim3A_809, %broadcast_in_dim3A_1004, %broadcast_in_dim3A_1019, %add3A_1058] : memref<2x16x8x64xf32, #tpu.memory_space<vmem>>[vector<16xi32>, vector<16xi32>, vector<16xi32>, vector<16xi32>], vector<16xf32>,
      %add3A_1060 = arith.addf %gather3A_1059, %get3A_9 : vector<16xf32>
      %mul3A_1061 = arith.constant 16 : i32
      %mul3A_1062 = arith.muli %scan3A_526, %mul3A_1061 : i32
      %add3A_1063 = arith.constant 3 : i32
      %add3A_1064 = arith.addi %mul3A_1062, %add3A_1063 : i32
      %swap3A_1065 = arith.index_cast %add3A_1064 : i32 to index
      %swap3A_1066 = arith.constant 48 : index
      %swap3A_1067 = tpu.vector_load %arg8[%swap3A_1065, %swap3A_1066] {strides = array<i32>} : memref<512x64xf32, #tpu.memory_space<vmem>>, vector<16xf32>,
      tpu.vector_store %arg8[%swap3A_1065, %swap3A_1066], %add3A_1060 {strides = array<i32>} : memref<512x64xf32, #tpu.memory_space<vmem>>, vector<16xf32>,
      %broadcast_in_dim3A_1068 = arith.constant 4 : i32
      %broadcast_in_dim3A_1069 = vector.broadcast %broadcast_in_dim3A_1068 : i32 to vector<16xi32>
      %eq3A_1070 = arith.constant 4 : i32
      %eq3A_1071 = vector.broadcast %eq3A_1070 : i32 to vector<16xi32>
      %eq3A_1072 = arith.cmpi eq, %iota3A, %eq3A_1071 : vector<16xi32>
      %jit3A_1073 = arith.constant 0 : i32
      %broadcast_in_dim3A_1074 = vector.broadcast %jit3A_1073 : i32 to vector<16xi32>
      %select_n3A_1075 = arith.select %eq3A_1072, %and3A_808, %broadcast_in_dim3A_1074 : vector<16xi1>, vector<16xi32>
      %reduce_max3A_1076 = arith.constant true
      %reduce_max3A_1077 = vector.broadcast %reduce_max3A_1076 : i1 to vector<16xi1>
      %reduce_max3A_1078 = arith.constant -2147483648 : i32
      %reduce_max3A_1079 = vector.broadcast %reduce_max3A_1078 : i32 to vector<16xi32>
      %reduce_max3A_1080 = arith.xori %select_n3A_1075, %reduce_max3A_1079 : vector<16xi32>
      %reduce_max3A_1081 = tpu.scan <max>, %reduce_max3A_1080 masked %reduce_max3A_1077 : vector<16xi32>, vector<16xi1> -> vector<16xi32>
      %reduce_max3A_1082 = arith.xori %reduce_max3A_1081, %reduce_max3A_1079 : vector<16xi32>
      %reduce_max3A_1083 = vector.extract %reduce_max3A_1082[15] : i32 from vector<16xi32>
      %broadcast_in_dim3A_1084 = vector.broadcast %reduce_max3A_1083 : i32 to vector<16xi32>
      %add3A_1085 = arith.constant 0 : i32
      %add3A_1086 = vector.broadcast %add3A_1085 : i32 to vector<16xi32>
      %add3A_1087 = arith.addi %add3A_1086, %iota3A : vector<16xi32>
      %gather3A_1088 = tpu.vector_load_idx %arg7[%broadcast_in_dim3A_809, %broadcast_in_dim3A_1069, %broadcast_in_dim3A_1084, %add3A_1087] : memref<2x16x8x64xf32, #tpu.memory_space<vmem>>[vector<16xi32>, vector<16xi32>, vector<16xi32>, vector<16xi32>], vector<16xf32>,
      %add3A_1089 = arith.addf %gather3A_1088, %get3A_3 : vector<16xf32>
      %mul3A_1090 = arith.constant 16 : i32
      %mul3A_1091 = arith.muli %scan3A_526, %mul3A_1090 : i32
      %add3A_1092 = arith.constant 4 : i32
      %add3A_1093 = arith.addi %mul3A_1091, %add3A_1092 : i32
      %swap3A_1094 = arith.index_cast %add3A_1093 : i32 to index
      %swap3A_1095 = arith.constant 0 : index
      %swap3A_1096 = tpu.vector_load %arg8[%swap3A_1094, %swap3A_1095] {strides = array<i32>} : memref<512x64xf32, #tpu.memory_space<vmem>>, vector<16xf32>,
      tpu.vector_store %arg8[%swap3A_1094, %swap3A_1095], %add3A_1089 {strides = array<i32>} : memref<512x64xf32, #tpu.memory_space<vmem>>, vector<16xf32>,
      %add3A_1097 = arith.constant 16 : i32
      %add3A_1098 = vector.broadcast %add3A_1097 : i32 to vector<16xi32>
      %add3A_1099 = arith.addi %add3A_1098, %iota3A : vector<16xi32>
      %gather3A_1100 = tpu.vector_load_idx %arg7[%broadcast_in_dim3A_809, %broadcast_in_dim3A_1069, %broadcast_in_dim3A_1084, %add3A_1099] : memref<2x16x8x64xf32, #tpu.memory_space<vmem>>[vector<16xi32>, vector<16xi32>, vector<16xi32>, vector<16xi32>], vector<16xf32>,
      %add3A_1101 = arith.addf %gather3A_1100, %get3A_5 : vector<16xf32>
      %mul3A_1102 = arith.constant 16 : i32
      %mul3A_1103 = arith.muli %scan3A_526, %mul3A_1102 : i32
      %add3A_1104 = arith.constant 4 : i32
      %add3A_1105 = arith.addi %mul3A_1103, %add3A_1104 : i32
      %swap3A_1106 = arith.index_cast %add3A_1105 : i32 to index
      %swap3A_1107 = arith.constant 16 : index
      %swap3A_1108 = tpu.vector_load %arg8[%swap3A_1106, %swap3A_1107] {strides = array<i32>} : memref<512x64xf32, #tpu.memory_space<vmem>>, vector<16xf32>,
      tpu.vector_store %arg8[%swap3A_1106, %swap3A_1107], %add3A_1101 {strides = array<i32>} : memref<512x64xf32, #tpu.memory_space<vmem>>, vector<16xf32>,
      %add3A_1109 = arith.constant 32 : i32
      %add3A_1110 = vector.broadcast %add3A_1109 : i32 to vector<16xi32>
      %add3A_1111 = arith.addi %add3A_1110, %iota3A : vector<16xi32>
      %gather3A_1112 = tpu.vector_load_idx %arg7[%broadcast_in_dim3A_809, %broadcast_in_dim3A_1069, %broadcast_in_dim3A_1084, %add3A_1111] : memref<2x16x8x64xf32, #tpu.memory_space<vmem>>[vector<16xi32>, vector<16xi32>, vector<16xi32>, vector<16xi32>], vector<16xf32>,
      %add3A_1113 = arith.addf %gather3A_1112, %get3A_7 : vector<16xf32>
      %mul3A_1114 = arith.constant 16 : i32
      %mul3A_1115 = arith.muli %scan3A_526, %mul3A_1114 : i32
      %add3A_1116 = arith.constant 4 : i32
      %add3A_1117 = arith.addi %mul3A_1115, %add3A_1116 : i32
      %swap3A_1118 = arith.index_cast %add3A_1117 : i32 to index
      %swap3A_1119 = arith.constant 32 : index
      %swap3A_1120 = tpu.vector_load %arg8[%swap3A_1118, %swap3A_1119] {strides = array<i32>} : memref<512x64xf32, #tpu.memory_space<vmem>>, vector<16xf32>,
      tpu.vector_store %arg8[%swap3A_1118, %swap3A_1119], %add3A_1113 {strides = array<i32>} : memref<512x64xf32, #tpu.memory_space<vmem>>, vector<16xf32>,
      %add3A_1121 = arith.constant 48 : i32
      %add3A_1122 = vector.broadcast %add3A_1121 : i32 to vector<16xi32>
      %add3A_1123 = arith.addi %add3A_1122, %iota3A : vector<16xi32>
      %gather3A_1124 = tpu.vector_load_idx %arg7[%broadcast_in_dim3A_809, %broadcast_in_dim3A_1069, %broadcast_in_dim3A_1084, %add3A_1123] : memref<2x16x8x64xf32, #tpu.memory_space<vmem>>[vector<16xi32>, vector<16xi32>, vector<16xi32>, vector<16xi32>], vector<16xf32>,
      %add3A_1125 = arith.addf %gather3A_1124, %get3A_9 : vector<16xf32>
      %mul3A_1126 = arith.constant 16 : i32
      %mul3A_1127 = arith.muli %scan3A_526, %mul3A_1126 : i32
      %add3A_1128 = arith.constant 4 : i32
      %add3A_1129 = arith.addi %mul3A_1127, %add3A_1128 : i32
      %swap3A_1130 = arith.index_cast %add3A_1129 : i32 to index
      %swap3A_1131 = arith.constant 48 : index
      %swap3A_1132 = tpu.vector_load %arg8[%swap3A_1130, %swap3A_1131] {strides = array<i32>} : memref<512x64xf32, #tpu.memory_space<vmem>>, vector<16xf32>,
      tpu.vector_store %arg8[%swap3A_1130, %swap3A_1131], %add3A_1125 {strides = array<i32>} : memref<512x64xf32, #tpu.memory_space<vmem>>, vector<16xf32>,
      %broadcast_in_dim3A_1133 = arith.constant 5 : i32
      %broadcast_in_dim3A_1134 = vector.broadcast %broadcast_in_dim3A_1133 : i32 to vector<16xi32>
      %eq3A_1135 = arith.constant 5 : i32
      %eq3A_1136 = vector.broadcast %eq3A_1135 : i32 to vector<16xi32>
      %eq3A_1137 = arith.cmpi eq, %iota3A, %eq3A_1136 : vector<16xi32>
      %jit3A_1138 = arith.constant 0 : i32
      %broadcast_in_dim3A_1139 = vector.broadcast %jit3A_1138 : i32 to vector<16xi32>
      %select_n3A_1140 = arith.select %eq3A_1137, %and3A_808, %broadcast_in_dim3A_1139 : vector<16xi1>, vector<16xi32>
      %reduce_max3A_1141 = arith.constant true
      %reduce_max3A_1142 = vector.broadcast %reduce_max3A_1141 : i1 to vector<16xi1>
      %reduce_max3A_1143 = arith.constant -2147483648 : i32
      %reduce_max3A_1144 = vector.broadcast %reduce_max3A_1143 : i32 to vector<16xi32>
      %reduce_max3A_1145 = arith.xori %select_n3A_1140, %reduce_max3A_1144 : vector<16xi32>
      %reduce_max3A_1146 = tpu.scan <max>, %reduce_max3A_1145 masked %reduce_max3A_1142 : vector<16xi32>, vector<16xi1> -> vector<16xi32>
      %reduce_max3A_1147 = arith.xori %reduce_max3A_1146, %reduce_max3A_1144 : vector<16xi32>
      %reduce_max3A_1148 = vector.extract %reduce_max3A_1147[15] : i32 from vector<16xi32>
      %broadcast_in_dim3A_1149 = vector.broadcast %reduce_max3A_1148 : i32 to vector<16xi32>
      %add3A_1150 = arith.constant 0 : i32
      %add3A_1151 = vector.broadcast %add3A_1150 : i32 to vector<16xi32>
      %add3A_1152 = arith.addi %add3A_1151, %iota3A : vector<16xi32>
      %gather3A_1153 = tpu.vector_load_idx %arg7[%broadcast_in_dim3A_809, %broadcast_in_dim3A_1134, %broadcast_in_dim3A_1149, %add3A_1152] : memref<2x16x8x64xf32, #tpu.memory_space<vmem>>[vector<16xi32>, vector<16xi32>, vector<16xi32>, vector<16xi32>], vector<16xf32>,
      %add3A_1154 = arith.addf %gather3A_1153, %get3A_3 : vector<16xf32>
      %mul3A_1155 = arith.constant 16 : i32
      %mul3A_1156 = arith.muli %scan3A_526, %mul3A_1155 : i32
      %add3A_1157 = arith.constant 5 : i32
      %add3A_1158 = arith.addi %mul3A_1156, %add3A_1157 : i32
      %swap3A_1159 = arith.index_cast %add3A_1158 : i32 to index
      %swap3A_1160 = arith.constant 0 : index
      %swap3A_1161 = tpu.vector_load %arg8[%swap3A_1159, %swap3A_1160] {strides = array<i32>} : memref<512x64xf32, #tpu.memory_space<vmem>>, vector<16xf32>,
      tpu.vector_store %arg8[%swap3A_1159, %swap3A_1160], %add3A_1154 {strides = array<i32>} : memref<512x64xf32, #tpu.memory_space<vmem>>, vector<16xf32>,
      %add3A_1162 = arith.constant 16 : i32
      %add3A_1163 = vector.broadcast %add3A_1162 : i32 to vector<16xi32>
      %add3A_1164 = arith.addi %add3A_1163, %iota3A : vector<16xi32>
      %gather3A_1165 = tpu.vector_load_idx %arg7[%broadcast_in_dim3A_809, %broadcast_in_dim3A_1134, %broadcast_in_dim3A_1149, %add3A_1164] : memref<2x16x8x64xf32, #tpu.memory_space<vmem>>[vector<16xi32>, vector<16xi32>, vector<16xi32>, vector<16xi32>], vector<16xf32>,
      %add3A_1166 = arith.addf %gather3A_1165, %get3A_5 : vector<16xf32>
      %mul3A_1167 = arith.constant 16 : i32
      %mul3A_1168 = arith.muli %scan3A_526, %mul3A_1167 : i32
      %add3A_1169 = arith.constant 5 : i32
      %add3A_1170 = arith.addi %mul3A_1168, %add3A_1169 : i32
      %swap3A_1171 = arith.index_cast %add3A_1170 : i32 to index
      %swap3A_1172 = arith.constant 16 : index
      %swap3A_1173 = tpu.vector_load %arg8[%swap3A_1171, %swap3A_1172] {strides = array<i32>} : memref<512x64xf32, #tpu.memory_space<vmem>>, vector<16xf32>,
      tpu.vector_store %arg8[%swap3A_1171, %swap3A_1172], %add3A_1166 {strides = array<i32>} : memref<512x64xf32, #tpu.memory_space<vmem>>, vector<16xf32>,
      %add3A_1174 = arith.constant 32 : i32
      %add3A_1175 = vector.broadcast %add3A_1174 : i32 to vector<16xi32>
      %add3A_1176 = arith.addi %add3A_1175, %iota3A : vector<16xi32>
      %gather3A_1177 = tpu.vector_load_idx %arg7[%broadcast_in_dim3A_809, %broadcast_in_dim3A_1134, %broadcast_in_dim3A_1149, %add3A_1176] : memref<2x16x8x64xf32, #tpu.memory_space<vmem>>[vector<16xi32>, vector<16xi32>, vector<16xi32>, vector<16xi32>], vector<16xf32>,
      %add3A_1178 = arith.addf %gather3A_1177, %get3A_7 : vector<16xf32>
      %mul3A_1179 = arith.constant 16 : i32
      %mul3A_1180 = arith.muli %scan3A_526, %mul3A_1179 : i32
      %add3A_1181 = arith.constant 5 : i32
      %add3A_1182 = arith.addi %mul3A_1180, %add3A_1181 : i32
      %swap3A_1183 = arith.index_cast %add3A_1182 : i32 to index
      %swap3A_1184 = arith.constant 32 : index
      %swap3A_1185 = tpu.vector_load %arg8[%swap3A_1183, %swap3A_1184] {strides = array<i32>} : memref<512x64xf32, #tpu.memory_space<vmem>>, vector<16xf32>,
      tpu.vector_store %arg8[%swap3A_1183, %swap3A_1184], %add3A_1178 {strides = array<i32>} : memref<512x64xf32, #tpu.memory_space<vmem>>, vector<16xf32>,
      %add3A_1186 = arith.constant 48 : i32
      %add3A_1187 = vector.broadcast %add3A_1186 : i32 to vector<16xi32>
      %add3A_1188 = arith.addi %add3A_1187, %iota3A : vector<16xi32>
      %gather3A_1189 = tpu.vector_load_idx %arg7[%broadcast_in_dim3A_809, %broadcast_in_dim3A_1134, %broadcast_in_dim3A_1149, %add3A_1188] : memref<2x16x8x64xf32, #tpu.memory_space<vmem>>[vector<16xi32>, vector<16xi32>, vector<16xi32>, vector<16xi32>], vector<16xf32>,
      %add3A_1190 = arith.addf %gather3A_1189, %get3A_9 : vector<16xf32>
      %mul3A_1191 = arith.constant 16 : i32
      %mul3A_1192 = arith.muli %scan3A_526, %mul3A_1191 : i32
      %add3A_1193 = arith.constant 5 : i32
      %add3A_1194 = arith.addi %mul3A_1192, %add3A_1193 : i32
      %swap3A_1195 = arith.index_cast %add3A_1194 : i32 to index
      %swap3A_1196 = arith.constant 48 : index
      %swap3A_1197 = tpu.vector_load %arg8[%swap3A_1195, %swap3A_1196] {strides = array<i32>} : memref<512x64xf32, #tpu.memory_space<vmem>>, vector<16xf32>,
      tpu.vector_store %arg8[%swap3A_1195, %swap3A_1196], %add3A_1190 {strides = array<i32>} : memref<512x64xf32, #tpu.memory_space<vmem>>, vector<16xf32>,
      %broadcast_in_dim3A_1198 = arith.constant 6 : i32
      %broadcast_in_dim3A_1199 = vector.broadcast %broadcast_in_dim3A_1198 : i32 to vector<16xi32>
      %eq3A_1200 = arith.constant 6 : i32
      %eq3A_1201 = vector.broadcast %eq3A_1200 : i32 to vector<16xi32>
      %eq3A_1202 = arith.cmpi eq, %iota3A, %eq3A_1201 : vector<16xi32>
      %jit3A_1203 = arith.constant 0 : i32
      %broadcast_in_dim3A_1204 = vector.broadcast %jit3A_1203 : i32 to vector<16xi32>
      %select_n3A_1205 = arith.select %eq3A_1202, %and3A_808, %broadcast_in_dim3A_1204 : vector<16xi1>, vector<16xi32>
      %reduce_max3A_1206 = arith.constant true
      %reduce_max3A_1207 = vector.broadcast %reduce_max3A_1206 : i1 to vector<16xi1>
      %reduce_max3A_1208 = arith.constant -2147483648 : i32
      %reduce_max3A_1209 = vector.broadcast %reduce_max3A_1208 : i32 to vector<16xi32>
      %reduce_max3A_1210 = arith.xori %select_n3A_1205, %reduce_max3A_1209 : vector<16xi32>
      %reduce_max3A_1211 = tpu.scan <max>, %reduce_max3A_1210 masked %reduce_max3A_1207 : vector<16xi32>, vector<16xi1> -> vector<16xi32>
      %reduce_max3A_1212 = arith.xori %reduce_max3A_1211, %reduce_max3A_1209 : vector<16xi32>
      %reduce_max3A_1213 = vector.extract %reduce_max3A_1212[15] : i32 from vector<16xi32>
      %broadcast_in_dim3A_1214 = vector.broadcast %reduce_max3A_1213 : i32 to vector<16xi32>
      %add3A_1215 = arith.constant 0 : i32
      %add3A_1216 = vector.broadcast %add3A_1215 : i32 to vector<16xi32>
      %add3A_1217 = arith.addi %add3A_1216, %iota3A : vector<16xi32>
      %gather3A_1218 = tpu.vector_load_idx %arg7[%broadcast_in_dim3A_809, %broadcast_in_dim3A_1199, %broadcast_in_dim3A_1214, %add3A_1217] : memref<2x16x8x64xf32, #tpu.memory_space<vmem>>[vector<16xi32>, vector<16xi32>, vector<16xi32>, vector<16xi32>], vector<16xf32>,
      %add3A_1219 = arith.addf %gather3A_1218, %get3A_3 : vector<16xf32>
      %mul3A_1220 = arith.constant 16 : i32
      %mul3A_1221 = arith.muli %scan3A_526, %mul3A_1220 : i32
      %add3A_1222 = arith.constant 6 : i32
      %add3A_1223 = arith.addi %mul3A_1221, %add3A_1222 : i32
      %swap3A_1224 = arith.index_cast %add3A_1223 : i32 to index
      %swap3A_1225 = arith.constant 0 : index
      %swap3A_1226 = tpu.vector_load %arg8[%swap3A_1224, %swap3A_1225] {strides = array<i32>} : memref<512x64xf32, #tpu.memory_space<vmem>>, vector<16xf32>,
      tpu.vector_store %arg8[%swap3A_1224, %swap3A_1225], %add3A_1219 {strides = array<i32>} : memref<512x64xf32, #tpu.memory_space<vmem>>, vector<16xf32>,
      %add3A_1227 = arith.constant 16 : i32
      %add3A_1228 = vector.broadcast %add3A_1227 : i32 to vector<16xi32>
      %add3A_1229 = arith.addi %add3A_1228, %iota3A : vector<16xi32>
      %gather3A_1230 = tpu.vector_load_idx %arg7[%broadcast_in_dim3A_809, %broadcast_in_dim3A_1199, %broadcast_in_dim3A_1214, %add3A_1229] : memref<2x16x8x64xf32, #tpu.memory_space<vmem>>[vector<16xi32>, vector<16xi32>, vector<16xi32>, vector<16xi32>], vector<16xf32>,
      %add3A_1231 = arith.addf %gather3A_1230, %get3A_5 : vector<16xf32>
      %mul3A_1232 = arith.constant 16 : i32
      %mul3A_1233 = arith.muli %scan3A_526, %mul3A_1232 : i32
      %add3A_1234 = arith.constant 6 : i32
      %add3A_1235 = arith.addi %mul3A_1233, %add3A_1234 : i32
      %swap3A_1236 = arith.index_cast %add3A_1235 : i32 to index
      %swap3A_1237 = arith.constant 16 : index
      %swap3A_1238 = tpu.vector_load %arg8[%swap3A_1236, %swap3A_1237] {strides = array<i32>} : memref<512x64xf32, #tpu.memory_space<vmem>>, vector<16xf32>,
      tpu.vector_store %arg8[%swap3A_1236, %swap3A_1237], %add3A_1231 {strides = array<i32>} : memref<512x64xf32, #tpu.memory_space<vmem>>, vector<16xf32>,
      %add3A_1239 = arith.constant 32 : i32
      %add3A_1240 = vector.broadcast %add3A_1239 : i32 to vector<16xi32>
      %add3A_1241 = arith.addi %add3A_1240, %iota3A : vector<16xi32>
      %gather3A_1242 = tpu.vector_load_idx %arg7[%broadcast_in_dim3A_809, %broadcast_in_dim3A_1199, %broadcast_in_dim3A_1214, %add3A_1241] : memref<2x16x8x64xf32, #tpu.memory_space<vmem>>[vector<16xi32>, vector<16xi32>, vector<16xi32>, vector<16xi32>], vector<16xf32>,
      %add3A_1243 = arith.addf %gather3A_1242, %get3A_7 : vector<16xf32>
      %mul3A_1244 = arith.constant 16 : i32
      %mul3A_1245 = arith.muli %scan3A_526, %mul3A_1244 : i32
      %add3A_1246 = arith.constant 6 : i32
      %add3A_1247 = arith.addi %mul3A_1245, %add3A_1246 : i32
      %swap3A_1248 = arith.index_cast %add3A_1247 : i32 to index
      %swap3A_1249 = arith.constant 32 : index
      %swap3A_1250 = tpu.vector_load %arg8[%swap3A_1248, %swap3A_1249] {strides = array<i32>} : memref<512x64xf32, #tpu.memory_space<vmem>>, vector<16xf32>,
      tpu.vector_store %arg8[%swap3A_1248, %swap3A_1249], %add3A_1243 {strides = array<i32>} : memref<512x64xf32, #tpu.memory_space<vmem>>, vector<16xf32>,
      %add3A_1251 = arith.constant 48 : i32
      %add3A_1252 = vector.broadcast %add3A_1251 : i32 to vector<16xi32>
      %add3A_1253 = arith.addi %add3A_1252, %iota3A : vector<16xi32>
      %gather3A_1254 = tpu.vector_load_idx %arg7[%broadcast_in_dim3A_809, %broadcast_in_dim3A_1199, %broadcast_in_dim3A_1214, %add3A_1253] : memref<2x16x8x64xf32, #tpu.memory_space<vmem>>[vector<16xi32>, vector<16xi32>, vector<16xi32>, vector<16xi32>], vector<16xf32>,
      %add3A_1255 = arith.addf %gather3A_1254, %get3A_9 : vector<16xf32>
      %mul3A_1256 = arith.constant 16 : i32
      %mul3A_1257 = arith.muli %scan3A_526, %mul3A_1256 : i32
      %add3A_1258 = arith.constant 6 : i32
      %add3A_1259 = arith.addi %mul3A_1257, %add3A_1258 : i32
      %swap3A_1260 = arith.index_cast %add3A_1259 : i32 to index
      %swap3A_1261 = arith.constant 48 : index
      %swap3A_1262 = tpu.vector_load %arg8[%swap3A_1260, %swap3A_1261] {strides = array<i32>} : memref<512x64xf32, #tpu.memory_space<vmem>>, vector<16xf32>,
      tpu.vector_store %arg8[%swap3A_1260, %swap3A_1261], %add3A_1255 {strides = array<i32>} : memref<512x64xf32, #tpu.memory_space<vmem>>, vector<16xf32>,
      %broadcast_in_dim3A_1263 = arith.constant 7 : i32
      %broadcast_in_dim3A_1264 = vector.broadcast %broadcast_in_dim3A_1263 : i32 to vector<16xi32>
      %eq3A_1265 = arith.constant 7 : i32
      %eq3A_1266 = vector.broadcast %eq3A_1265 : i32 to vector<16xi32>
      %eq3A_1267 = arith.cmpi eq, %iota3A, %eq3A_1266 : vector<16xi32>
      %jit3A_1268 = arith.constant 0 : i32
      %broadcast_in_dim3A_1269 = vector.broadcast %jit3A_1268 : i32 to vector<16xi32>
      %select_n3A_1270 = arith.select %eq3A_1267, %and3A_808, %broadcast_in_dim3A_1269 : vector<16xi1>, vector<16xi32>
      %reduce_max3A_1271 = arith.constant true
      %reduce_max3A_1272 = vector.broadcast %reduce_max3A_1271 : i1 to vector<16xi1>
      %reduce_max3A_1273 = arith.constant -2147483648 : i32
      %reduce_max3A_1274 = vector.broadcast %reduce_max3A_1273 : i32 to vector<16xi32>
      %reduce_max3A_1275 = arith.xori %select_n3A_1270, %reduce_max3A_1274 : vector<16xi32>
      %reduce_max3A_1276 = tpu.scan <max>, %reduce_max3A_1275 masked %reduce_max3A_1272 : vector<16xi32>, vector<16xi1> -> vector<16xi32>
      %reduce_max3A_1277 = arith.xori %reduce_max3A_1276, %reduce_max3A_1274 : vector<16xi32>
      %reduce_max3A_1278 = vector.extract %reduce_max3A_1277[15] : i32 from vector<16xi32>
      %broadcast_in_dim3A_1279 = vector.broadcast %reduce_max3A_1278 : i32 to vector<16xi32>
      %add3A_1280 = arith.constant 0 : i32
      %add3A_1281 = vector.broadcast %add3A_1280 : i32 to vector<16xi32>
      %add3A_1282 = arith.addi %add3A_1281, %iota3A : vector<16xi32>
      %gather3A_1283 = tpu.vector_load_idx %arg7[%broadcast_in_dim3A_809, %broadcast_in_dim3A_1264, %broadcast_in_dim3A_1279, %add3A_1282] : memref<2x16x8x64xf32, #tpu.memory_space<vmem>>[vector<16xi32>, vector<16xi32>, vector<16xi32>, vector<16xi32>], vector<16xf32>,
      %add3A_1284 = arith.addf %gather3A_1283, %get3A_3 : vector<16xf32>
      %mul3A_1285 = arith.constant 16 : i32
      %mul3A_1286 = arith.muli %scan3A_526, %mul3A_1285 : i32
      %add3A_1287 = arith.constant 7 : i32
      %add3A_1288 = arith.addi %mul3A_1286, %add3A_1287 : i32
      %swap3A_1289 = arith.index_cast %add3A_1288 : i32 to index
      %swap3A_1290 = arith.constant 0 : index
      %swap3A_1291 = tpu.vector_load %arg8[%swap3A_1289, %swap3A_1290] {strides = array<i32>} : memref<512x64xf32, #tpu.memory_space<vmem>>, vector<16xf32>,
      tpu.vector_store %arg8[%swap3A_1289, %swap3A_1290], %add3A_1284 {strides = array<i32>} : memref<512x64xf32, #tpu.memory_space<vmem>>, vector<16xf32>,
      %add3A_1292 = arith.constant 16 : i32
      %add3A_1293 = vector.broadcast %add3A_1292 : i32 to vector<16xi32>
      %add3A_1294 = arith.addi %add3A_1293, %iota3A : vector<16xi32>
      %gather3A_1295 = tpu.vector_load_idx %arg7[%broadcast_in_dim3A_809, %broadcast_in_dim3A_1264, %broadcast_in_dim3A_1279, %add3A_1294] : memref<2x16x8x64xf32, #tpu.memory_space<vmem>>[vector<16xi32>, vector<16xi32>, vector<16xi32>, vector<16xi32>], vector<16xf32>,
      %add3A_1296 = arith.addf %gather3A_1295, %get3A_5 : vector<16xf32>
      %mul3A_1297 = arith.constant 16 : i32
      %mul3A_1298 = arith.muli %scan3A_526, %mul3A_1297 : i32
      %add3A_1299 = arith.constant 7 : i32
      %add3A_1300 = arith.addi %mul3A_1298, %add3A_1299 : i32
      %swap3A_1301 = arith.index_cast %add3A_1300 : i32 to index
      %swap3A_1302 = arith.constant 16 : index
      %swap3A_1303 = tpu.vector_load %arg8[%swap3A_1301, %swap3A_1302] {strides = array<i32>} : memref<512x64xf32, #tpu.memory_space<vmem>>, vector<16xf32>,
      tpu.vector_store %arg8[%swap3A_1301, %swap3A_1302], %add3A_1296 {strides = array<i32>} : memref<512x64xf32, #tpu.memory_space<vmem>>, vector<16xf32>,
      %add3A_1304 = arith.constant 32 : i32
      %add3A_1305 = vector.broadcast %add3A_1304 : i32 to vector<16xi32>
      %add3A_1306 = arith.addi %add3A_1305, %iota3A : vector<16xi32>
      %gather3A_1307 = tpu.vector_load_idx %arg7[%broadcast_in_dim3A_809, %broadcast_in_dim3A_1264, %broadcast_in_dim3A_1279, %add3A_1306] : memref<2x16x8x64xf32, #tpu.memory_space<vmem>>[vector<16xi32>, vector<16xi32>, vector<16xi32>, vector<16xi32>], vector<16xf32>,
      %add3A_1308 = arith.addf %gather3A_1307, %get3A_7 : vector<16xf32>
      %mul3A_1309 = arith.constant 16 : i32
      %mul3A_1310 = arith.muli %scan3A_526, %mul3A_1309 : i32
      %add3A_1311 = arith.constant 7 : i32
      %add3A_1312 = arith.addi %mul3A_1310, %add3A_1311 : i32
      %swap3A_1313 = arith.index_cast %add3A_1312 : i32 to index
      %swap3A_1314 = arith.constant 32 : index
      %swap3A_1315 = tpu.vector_load %arg8[%swap3A_1313, %swap3A_1314] {strides = array<i32>} : memref<512x64xf32, #tpu.memory_space<vmem>>, vector<16xf32>,
      tpu.vector_store %arg8[%swap3A_1313, %swap3A_1314], %add3A_1308 {strides = array<i32>} : memref<512x64xf32, #tpu.memory_space<vmem>>, vector<16xf32>,
      %add3A_1316 = arith.constant 48 : i32
      %add3A_1317 = vector.broadcast %add3A_1316 : i32 to vector<16xi32>
      %add3A_1318 = arith.addi %add3A_1317, %iota3A : vector<16xi32>
      %gather3A_1319 = tpu.vector_load_idx %arg7[%broadcast_in_dim3A_809, %broadcast_in_dim3A_1264, %broadcast_in_dim3A_1279, %add3A_1318] : memref<2x16x8x64xf32, #tpu.memory_space<vmem>>[vector<16xi32>, vector<16xi32>, vector<16xi32>, vector<16xi32>], vector<16xf32>,
      %add3A_1320 = arith.addf %gather3A_1319, %get3A_9 : vector<16xf32>
      %mul3A_1321 = arith.constant 16 : i32
      %mul3A_1322 = arith.muli %scan3A_526, %mul3A_1321 : i32
      %add3A_1323 = arith.constant 7 : i32
      %add3A_1324 = arith.addi %mul3A_1322, %add3A_1323 : i32
      %swap3A_1325 = arith.index_cast %add3A_1324 : i32 to index
      %swap3A_1326 = arith.constant 48 : index
      %swap3A_1327 = tpu.vector_load %arg8[%swap3A_1325, %swap3A_1326] {strides = array<i32>} : memref<512x64xf32, #tpu.memory_space<vmem>>, vector<16xf32>,
      tpu.vector_store %arg8[%swap3A_1325, %swap3A_1326], %add3A_1320 {strides = array<i32>} : memref<512x64xf32, #tpu.memory_space<vmem>>, vector<16xf32>,
      %broadcast_in_dim3A_1328 = arith.constant 8 : i32
      %broadcast_in_dim3A_1329 = vector.broadcast %broadcast_in_dim3A_1328 : i32 to vector<16xi32>
      %eq3A_1330 = arith.constant 8 : i32
      %eq3A_1331 = vector.broadcast %eq3A_1330 : i32 to vector<16xi32>
      %eq3A_1332 = arith.cmpi eq, %iota3A, %eq3A_1331 : vector<16xi32>
      %jit3A_1333 = arith.constant 0 : i32
      %broadcast_in_dim3A_1334 = vector.broadcast %jit3A_1333 : i32 to vector<16xi32>
      %select_n3A_1335 = arith.select %eq3A_1332, %and3A_808, %broadcast_in_dim3A_1334 : vector<16xi1>, vector<16xi32>
      %reduce_max3A_1336 = arith.constant true
      %reduce_max3A_1337 = vector.broadcast %reduce_max3A_1336 : i1 to vector<16xi1>
      %reduce_max3A_1338 = arith.constant -2147483648 : i32
      %reduce_max3A_1339 = vector.broadcast %reduce_max3A_1338 : i32 to vector<16xi32>
      %reduce_max3A_1340 = arith.xori %select_n3A_1335, %reduce_max3A_1339 : vector<16xi32>
      %reduce_max3A_1341 = tpu.scan <max>, %reduce_max3A_1340 masked %reduce_max3A_1337 : vector<16xi32>, vector<16xi1> -> vector<16xi32>
      %reduce_max3A_1342 = arith.xori %reduce_max3A_1341, %reduce_max3A_1339 : vector<16xi32>
      %reduce_max3A_1343 = vector.extract %reduce_max3A_1342[15] : i32 from vector<16xi32>
      %broadcast_in_dim3A_1344 = vector.broadcast %reduce_max3A_1343 : i32 to vector<16xi32>
      %add3A_1345 = arith.constant 0 : i32
      %add3A_1346 = vector.broadcast %add3A_1345 : i32 to vector<16xi32>
      %add3A_1347 = arith.addi %add3A_1346, %iota3A : vector<16xi32>
      %gather3A_1348 = tpu.vector_load_idx %arg7[%broadcast_in_dim3A_809, %broadcast_in_dim3A_1329, %broadcast_in_dim3A_1344, %add3A_1347] : memref<2x16x8x64xf32, #tpu.memory_space<vmem>>[vector<16xi32>, vector<16xi32>, vector<16xi32>, vector<16xi32>], vector<16xf32>,
      %add3A_1349 = arith.addf %gather3A_1348, %get3A_3 : vector<16xf32>
      %mul3A_1350 = arith.constant 16 : i32
      %mul3A_1351 = arith.muli %scan3A_526, %mul3A_1350 : i32
      %add3A_1352 = arith.constant 8 : i32
      %add3A_1353 = arith.addi %mul3A_1351, %add3A_1352 : i32
      %swap3A_1354 = arith.index_cast %add3A_1353 : i32 to index
      %swap3A_1355 = arith.constant 0 : index
      %swap3A_1356 = tpu.vector_load %arg8[%swap3A_1354, %swap3A_1355] {strides = array<i32>} : memref<512x64xf32, #tpu.memory_space<vmem>>, vector<16xf32>,
      tpu.vector_store %arg8[%swap3A_1354, %swap3A_1355], %add3A_1349 {strides = array<i32>} : memref<512x64xf32, #tpu.memory_space<vmem>>, vector<16xf32>,
      %add3A_1357 = arith.constant 16 : i32
      %add3A_1358 = vector.broadcast %add3A_1357 : i32 to vector<16xi32>
      %add3A_1359 = arith.addi %add3A_1358, %iota3A : vector<16xi32>
      %gather3A_1360 = tpu.vector_load_idx %arg7[%broadcast_in_dim3A_809, %broadcast_in_dim3A_1329, %broadcast_in_dim3A_1344, %add3A_1359] : memref<2x16x8x64xf32, #tpu.memory_space<vmem>>[vector<16xi32>, vector<16xi32>, vector<16xi32>, vector<16xi32>], vector<16xf32>,
      %add3A_1361 = arith.addf %gather3A_1360, %get3A_5 : vector<16xf32>
      %mul3A_1362 = arith.constant 16 : i32
      %mul3A_1363 = arith.muli %scan3A_526, %mul3A_1362 : i32
      %add3A_1364 = arith.constant 8 : i32
      %add3A_1365 = arith.addi %mul3A_1363, %add3A_1364 : i32
      %swap3A_1366 = arith.index_cast %add3A_1365 : i32 to index
      %swap3A_1367 = arith.constant 16 : index
      %swap3A_1368 = tpu.vector_load %arg8[%swap3A_1366, %swap3A_1367] {strides = array<i32>} : memref<512x64xf32, #tpu.memory_space<vmem>>, vector<16xf32>,
      tpu.vector_store %arg8[%swap3A_1366, %swap3A_1367], %add3A_1361 {strides = array<i32>} : memref<512x64xf32, #tpu.memory_space<vmem>>, vector<16xf32>,
      %add3A_1369 = arith.constant 32 : i32
      %add3A_1370 = vector.broadcast %add3A_1369 : i32 to vector<16xi32>
      %add3A_1371 = arith.addi %add3A_1370, %iota3A : vector<16xi32>
      %gather3A_1372 = tpu.vector_load_idx %arg7[%broadcast_in_dim3A_809, %broadcast_in_dim3A_1329, %broadcast_in_dim3A_1344, %add3A_1371] : memref<2x16x8x64xf32, #tpu.memory_space<vmem>>[vector<16xi32>, vector<16xi32>, vector<16xi32>, vector<16xi32>], vector<16xf32>,
      %add3A_1373 = arith.addf %gather3A_1372, %get3A_7 : vector<16xf32>
      %mul3A_1374 = arith.constant 16 : i32
      %mul3A_1375 = arith.muli %scan3A_526, %mul3A_1374 : i32
      %add3A_1376 = arith.constant 8 : i32
      %add3A_1377 = arith.addi %mul3A_1375, %add3A_1376 : i32
      %swap3A_1378 = arith.index_cast %add3A_1377 : i32 to index
      %swap3A_1379 = arith.constant 32 : index
      %swap3A_1380 = tpu.vector_load %arg8[%swap3A_1378, %swap3A_1379] {strides = array<i32>} : memref<512x64xf32, #tpu.memory_space<vmem>>, vector<16xf32>,
      tpu.vector_store %arg8[%swap3A_1378, %swap3A_1379], %add3A_1373 {strides = array<i32>} : memref<512x64xf32, #tpu.memory_space<vmem>>, vector<16xf32>,
      %add3A_1381 = arith.constant 48 : i32
      %add3A_1382 = vector.broadcast %add3A_1381 : i32 to vector<16xi32>
      %add3A_1383 = arith.addi %add3A_1382, %iota3A : vector<16xi32>
      %gather3A_1384 = tpu.vector_load_idx %arg7[%broadcast_in_dim3A_809, %broadcast_in_dim3A_1329, %broadcast_in_dim3A_1344, %add3A_1383] : memref<2x16x8x64xf32, #tpu.memory_space<vmem>>[vector<16xi32>, vector<16xi32>, vector<16xi32>, vector<16xi32>], vector<16xf32>,
      %add3A_1385 = arith.addf %gather3A_1384, %get3A_9 : vector<16xf32>
      %mul3A_1386 = arith.constant 16 : i32
      %mul3A_1387 = arith.muli %scan3A_526, %mul3A_1386 : i32
      %add3A_1388 = arith.constant 8 : i32
      %add3A_1389 = arith.addi %mul3A_1387, %add3A_1388 : i32
      %swap3A_1390 = arith.index_cast %add3A_1389 : i32 to index
      %swap3A_1391 = arith.constant 48 : index
      %swap3A_1392 = tpu.vector_load %arg8[%swap3A_1390, %swap3A_1391] {strides = array<i32>} : memref<512x64xf32, #tpu.memory_space<vmem>>, vector<16xf32>,
      tpu.vector_store %arg8[%swap3A_1390, %swap3A_1391], %add3A_1385 {strides = array<i32>} : memref<512x64xf32, #tpu.memory_space<vmem>>, vector<16xf32>,
      %broadcast_in_dim3A_1393 = arith.constant 9 : i32
      %broadcast_in_dim3A_1394 = vector.broadcast %broadcast_in_dim3A_1393 : i32 to vector<16xi32>
      %eq3A_1395 = arith.constant 9 : i32
      %eq3A_1396 = vector.broadcast %eq3A_1395 : i32 to vector<16xi32>
      %eq3A_1397 = arith.cmpi eq, %iota3A, %eq3A_1396 : vector<16xi32>
      %jit3A_1398 = arith.constant 0 : i32
      %broadcast_in_dim3A_1399 = vector.broadcast %jit3A_1398 : i32 to vector<16xi32>
      %select_n3A_1400 = arith.select %eq3A_1397, %and3A_808, %broadcast_in_dim3A_1399 : vector<16xi1>, vector<16xi32>
      %reduce_max3A_1401 = arith.constant true
      %reduce_max3A_1402 = vector.broadcast %reduce_max3A_1401 : i1 to vector<16xi1>
      %reduce_max3A_1403 = arith.constant -2147483648 : i32
      %reduce_max3A_1404 = vector.broadcast %reduce_max3A_1403 : i32 to vector<16xi32>
      %reduce_max3A_1405 = arith.xori %select_n3A_1400, %reduce_max3A_1404 : vector<16xi32>
      %reduce_max3A_1406 = tpu.scan <max>, %reduce_max3A_1405 masked %reduce_max3A_1402 : vector<16xi32>, vector<16xi1> -> vector<16xi32>
      %reduce_max3A_1407 = arith.xori %reduce_max3A_1406, %reduce_max3A_1404 : vector<16xi32>
      %reduce_max3A_1408 = vector.extract %reduce_max3A_1407[15] : i32 from vector<16xi32>
      %broadcast_in_dim3A_1409 = vector.broadcast %reduce_max3A_1408 : i32 to vector<16xi32>
      %add3A_1410 = arith.constant 0 : i32
      %add3A_1411 = vector.broadcast %add3A_1410 : i32 to vector<16xi32>
      %add3A_1412 = arith.addi %add3A_1411, %iota3A : vector<16xi32>
      %gather3A_1413 = tpu.vector_load_idx %arg7[%broadcast_in_dim3A_809, %broadcast_in_dim3A_1394, %broadcast_in_dim3A_1409, %add3A_1412] : memref<2x16x8x64xf32, #tpu.memory_space<vmem>>[vector<16xi32>, vector<16xi32>, vector<16xi32>, vector<16xi32>], vector<16xf32>,
      %add3A_1414 = arith.addf %gather3A_1413, %get3A_3 : vector<16xf32>
      %mul3A_1415 = arith.constant 16 : i32
      %mul3A_1416 = arith.muli %scan3A_526, %mul3A_1415 : i32
      %add3A_1417 = arith.constant 9 : i32
      %add3A_1418 = arith.addi %mul3A_1416, %add3A_1417 : i32
      %swap3A_1419 = arith.index_cast %add3A_1418 : i32 to index
      %swap3A_1420 = arith.constant 0 : index
      %swap3A_1421 = tpu.vector_load %arg8[%swap3A_1419, %swap3A_1420] {strides = array<i32>} : memref<512x64xf32, #tpu.memory_space<vmem>>, vector<16xf32>,
      tpu.vector_store %arg8[%swap3A_1419, %swap3A_1420], %add3A_1414 {strides = array<i32>} : memref<512x64xf32, #tpu.memory_space<vmem>>, vector<16xf32>,
      %add3A_1422 = arith.constant 16 : i32
      %add3A_1423 = vector.broadcast %add3A_1422 : i32 to vector<16xi32>
      %add3A_1424 = arith.addi %add3A_1423, %iota3A : vector<16xi32>
      %gather3A_1425 = tpu.vector_load_idx %arg7[%broadcast_in_dim3A_809, %broadcast_in_dim3A_1394, %broadcast_in_dim3A_1409, %add3A_1424] : memref<2x16x8x64xf32, #tpu.memory_space<vmem>>[vector<16xi32>, vector<16xi32>, vector<16xi32>, vector<16xi32>], vector<16xf32>,
      %add3A_1426 = arith.addf %gather3A_1425, %get3A_5 : vector<16xf32>
      %mul3A_1427 = arith.constant 16 : i32
      %mul3A_1428 = arith.muli %scan3A_526, %mul3A_1427 : i32
      %add3A_1429 = arith.constant 9 : i32
      %add3A_1430 = arith.addi %mul3A_1428, %add3A_1429 : i32
      %swap3A_1431 = arith.index_cast %add3A_1430 : i32 to index
      %swap3A_1432 = arith.constant 16 : index
      %swap3A_1433 = tpu.vector_load %arg8[%swap3A_1431, %swap3A_1432] {strides = array<i32>} : memref<512x64xf32, #tpu.memory_space<vmem>>, vector<16xf32>,
      tpu.vector_store %arg8[%swap3A_1431, %swap3A_1432], %add3A_1426 {strides = array<i32>} : memref<512x64xf32, #tpu.memory_space<vmem>>, vector<16xf32>,
      %add3A_1434 = arith.constant 32 : i32
      %add3A_1435 = vector.broadcast %add3A_1434 : i32 to vector<16xi32>
      %add3A_1436 = arith.addi %add3A_1435, %iota3A : vector<16xi32>
      %gather3A_1437 = tpu.vector_load_idx %arg7[%broadcast_in_dim3A_809, %broadcast_in_dim3A_1394, %broadcast_in_dim3A_1409, %add3A_1436] : memref<2x16x8x64xf32, #tpu.memory_space<vmem>>[vector<16xi32>, vector<16xi32>, vector<16xi32>, vector<16xi32>], vector<16xf32>,
      %add3A_1438 = arith.addf %gather3A_1437, %get3A_7 : vector<16xf32>
      %mul3A_1439 = arith.constant 16 : i32
      %mul3A_1440 = arith.muli %scan3A_526, %mul3A_1439 : i32
      %add3A_1441 = arith.constant 9 : i32
      %add3A_1442 = arith.addi %mul3A_1440, %add3A_1441 : i32
      %swap3A_1443 = arith.index_cast %add3A_1442 : i32 to index
      %swap3A_1444 = arith.constant 32 : index
      %swap3A_1445 = tpu.vector_load %arg8[%swap3A_1443, %swap3A_1444] {strides = array<i32>} : memref<512x64xf32, #tpu.memory_space<vmem>>, vector<16xf32>,
      tpu.vector_store %arg8[%swap3A_1443, %swap3A_1444], %add3A_1438 {strides = array<i32>} : memref<512x64xf32, #tpu.memory_space<vmem>>, vector<16xf32>,
      %add3A_1446 = arith.constant 48 : i32
      %add3A_1447 = vector.broadcast %add3A_1446 : i32 to vector<16xi32>
      %add3A_1448 = arith.addi %add3A_1447, %iota3A : vector<16xi32>
      %gather3A_1449 = tpu.vector_load_idx %arg7[%broadcast_in_dim3A_809, %broadcast_in_dim3A_1394, %broadcast_in_dim3A_1409, %add3A_1448] : memref<2x16x8x64xf32, #tpu.memory_space<vmem>>[vector<16xi32>, vector<16xi32>, vector<16xi32>, vector<16xi32>], vector<16xf32>,
      %add3A_1450 = arith.addf %gather3A_1449, %get3A_9 : vector<16xf32>
      %mul3A_1451 = arith.constant 16 : i32
      %mul3A_1452 = arith.muli %scan3A_526, %mul3A_1451 : i32
      %add3A_1453 = arith.constant 9 : i32
      %add3A_1454 = arith.addi %mul3A_1452, %add3A_1453 : i32
      %swap3A_1455 = arith.index_cast %add3A_1454 : i32 to index
      %swap3A_1456 = arith.constant 48 : index
      %swap3A_1457 = tpu.vector_load %arg8[%swap3A_1455, %swap3A_1456] {strides = array<i32>} : memref<512x64xf32, #tpu.memory_space<vmem>>, vector<16xf32>,
      tpu.vector_store %arg8[%swap3A_1455, %swap3A_1456], %add3A_1450 {strides = array<i32>} : memref<512x64xf32, #tpu.memory_space<vmem>>, vector<16xf32>,
      %broadcast_in_dim3A_1458 = arith.constant 10 : i32
      %broadcast_in_dim3A_1459 = vector.broadcast %broadcast_in_dim3A_1458 : i32 to vector<16xi32>
      %eq3A_1460 = arith.constant 10 : i32
      %eq3A_1461 = vector.broadcast %eq3A_1460 : i32 to vector<16xi32>
      %eq3A_1462 = arith.cmpi eq, %iota3A, %eq3A_1461 : vector<16xi32>
      %jit3A_1463 = arith.constant 0 : i32
      %broadcast_in_dim3A_1464 = vector.broadcast %jit3A_1463 : i32 to vector<16xi32>
      %select_n3A_1465 = arith.select %eq3A_1462, %and3A_808, %broadcast_in_dim3A_1464 : vector<16xi1>, vector<16xi32>
      %reduce_max3A_1466 = arith.constant true
      %reduce_max3A_1467 = vector.broadcast %reduce_max3A_1466 : i1 to vector<16xi1>
      %reduce_max3A_1468 = arith.constant -2147483648 : i32
      %reduce_max3A_1469 = vector.broadcast %reduce_max3A_1468 : i32 to vector<16xi32>
      %reduce_max3A_1470 = arith.xori %select_n3A_1465, %reduce_max3A_1469 : vector<16xi32>
      %reduce_max3A_1471 = tpu.scan <max>, %reduce_max3A_1470 masked %reduce_max3A_1467 : vector<16xi32>, vector<16xi1> -> vector<16xi32>
      %reduce_max3A_1472 = arith.xori %reduce_max3A_1471, %reduce_max3A_1469 : vector<16xi32>
      %reduce_max3A_1473 = vector.extract %reduce_max3A_1472[15] : i32 from vector<16xi32>
      %broadcast_in_dim3A_1474 = vector.broadcast %reduce_max3A_1473 : i32 to vector<16xi32>
      %add3A_1475 = arith.constant 0 : i32
      %add3A_1476 = vector.broadcast %add3A_1475 : i32 to vector<16xi32>
      %add3A_1477 = arith.addi %add3A_1476, %iota3A : vector<16xi32>
      %gather3A_1478 = tpu.vector_load_idx %arg7[%broadcast_in_dim3A_809, %broadcast_in_dim3A_1459, %broadcast_in_dim3A_1474, %add3A_1477] : memref<2x16x8x64xf32, #tpu.memory_space<vmem>>[vector<16xi32>, vector<16xi32>, vector<16xi32>, vector<16xi32>], vector<16xf32>,
      %add3A_1479 = arith.addf %gather3A_1478, %get3A_3 : vector<16xf32>
      %mul3A_1480 = arith.constant 16 : i32
      %mul3A_1481 = arith.muli %scan3A_526, %mul3A_1480 : i32
      %add3A_1482 = arith.constant 10 : i32
      %add3A_1483 = arith.addi %mul3A_1481, %add3A_1482 : i32
      %swap3A_1484 = arith.index_cast %add3A_1483 : i32 to index
      %swap3A_1485 = arith.constant 0 : index
      %swap3A_1486 = tpu.vector_load %arg8[%swap3A_1484, %swap3A_1485] {strides = array<i32>} : memref<512x64xf32, #tpu.memory_space<vmem>>, vector<16xf32>,
      tpu.vector_store %arg8[%swap3A_1484, %swap3A_1485], %add3A_1479 {strides = array<i32>} : memref<512x64xf32, #tpu.memory_space<vmem>>, vector<16xf32>,
      %add3A_1487 = arith.constant 16 : i32
      %add3A_1488 = vector.broadcast %add3A_1487 : i32 to vector<16xi32>
      %add3A_1489 = arith.addi %add3A_1488, %iota3A : vector<16xi32>
      %gather3A_1490 = tpu.vector_load_idx %arg7[%broadcast_in_dim3A_809, %broadcast_in_dim3A_1459, %broadcast_in_dim3A_1474, %add3A_1489] : memref<2x16x8x64xf32, #tpu.memory_space<vmem>>[vector<16xi32>, vector<16xi32>, vector<16xi32>, vector<16xi32>], vector<16xf32>,
      %add3A_1491 = arith.addf %gather3A_1490, %get3A_5 : vector<16xf32>
      %mul3A_1492 = arith.constant 16 : i32
      %mul3A_1493 = arith.muli %scan3A_526, %mul3A_1492 : i32
      %add3A_1494 = arith.constant 10 : i32
      %add3A_1495 = arith.addi %mul3A_1493, %add3A_1494 : i32
      %swap3A_1496 = arith.index_cast %add3A_1495 : i32 to index
      %swap3A_1497 = arith.constant 16 : index
      %swap3A_1498 = tpu.vector_load %arg8[%swap3A_1496, %swap3A_1497] {strides = array<i32>} : memref<512x64xf32, #tpu.memory_space<vmem>>, vector<16xf32>,
      tpu.vector_store %arg8[%swap3A_1496, %swap3A_1497], %add3A_1491 {strides = array<i32>} : memref<512x64xf32, #tpu.memory_space<vmem>>, vector<16xf32>,
      %add3A_1499 = arith.constant 32 : i32
      %add3A_1500 = vector.broadcast %add3A_1499 : i32 to vector<16xi32>
      %add3A_1501 = arith.addi %add3A_1500, %iota3A : vector<16xi32>
      %gather3A_1502 = tpu.vector_load_idx %arg7[%broadcast_in_dim3A_809, %broadcast_in_dim3A_1459, %broadcast_in_dim3A_1474, %add3A_1501] : memref<2x16x8x64xf32, #tpu.memory_space<vmem>>[vector<16xi32>, vector<16xi32>, vector<16xi32>, vector<16xi32>], vector<16xf32>,
      %add3A_1503 = arith.addf %gather3A_1502, %get3A_7 : vector<16xf32>
      %mul3A_1504 = arith.constant 16 : i32
      %mul3A_1505 = arith.muli %scan3A_526, %mul3A_1504 : i32
      %add3A_1506 = arith.constant 10 : i32
      %add3A_1507 = arith.addi %mul3A_1505, %add3A_1506 : i32
      %swap3A_1508 = arith.index_cast %add3A_1507 : i32 to index
      %swap3A_1509 = arith.constant 32 : index
      %swap3A_1510 = tpu.vector_load %arg8[%swap3A_1508, %swap3A_1509] {strides = array<i32>} : memref<512x64xf32, #tpu.memory_space<vmem>>, vector<16xf32>,
      tpu.vector_store %arg8[%swap3A_1508, %swap3A_1509], %add3A_1503 {strides = array<i32>} : memref<512x64xf32, #tpu.memory_space<vmem>>, vector<16xf32>,
      %add3A_1511 = arith.constant 48 : i32
      %add3A_1512 = vector.broadcast %add3A_1511 : i32 to vector<16xi32>
      %add3A_1513 = arith.addi %add3A_1512, %iota3A : vector<16xi32>
      %gather3A_1514 = tpu.vector_load_idx %arg7[%broadcast_in_dim3A_809, %broadcast_in_dim3A_1459, %broadcast_in_dim3A_1474, %add3A_1513] : memref<2x16x8x64xf32, #tpu.memory_space<vmem>>[vector<16xi32>, vector<16xi32>, vector<16xi32>, vector<16xi32>], vector<16xf32>,
      %add3A_1515 = arith.addf %gather3A_1514, %get3A_9 : vector<16xf32>
      %mul3A_1516 = arith.constant 16 : i32
      %mul3A_1517 = arith.muli %scan3A_526, %mul3A_1516 : i32
      %add3A_1518 = arith.constant 10 : i32
      %add3A_1519 = arith.addi %mul3A_1517, %add3A_1518 : i32
      %swap3A_1520 = arith.index_cast %add3A_1519 : i32 to index
      %swap3A_1521 = arith.constant 48 : index
      %swap3A_1522 = tpu.vector_load %arg8[%swap3A_1520, %swap3A_1521] {strides = array<i32>} : memref<512x64xf32, #tpu.memory_space<vmem>>, vector<16xf32>,
      tpu.vector_store %arg8[%swap3A_1520, %swap3A_1521], %add3A_1515 {strides = array<i32>} : memref<512x64xf32, #tpu.memory_space<vmem>>, vector<16xf32>,
      %broadcast_in_dim3A_1523 = arith.constant 11 : i32
      %broadcast_in_dim3A_1524 = vector.broadcast %broadcast_in_dim3A_1523 : i32 to vector<16xi32>
      %eq3A_1525 = arith.constant 11 : i32
      %eq3A_1526 = vector.broadcast %eq3A_1525 : i32 to vector<16xi32>
      %eq3A_1527 = arith.cmpi eq, %iota3A, %eq3A_1526 : vector<16xi32>
      %jit3A_1528 = arith.constant 0 : i32
      %broadcast_in_dim3A_1529 = vector.broadcast %jit3A_1528 : i32 to vector<16xi32>
      %select_n3A_1530 = arith.select %eq3A_1527, %and3A_808, %broadcast_in_dim3A_1529 : vector<16xi1>, vector<16xi32>
      %reduce_max3A_1531 = arith.constant true
      %reduce_max3A_1532 = vector.broadcast %reduce_max3A_1531 : i1 to vector<16xi1>
      %reduce_max3A_1533 = arith.constant -2147483648 : i32
      %reduce_max3A_1534 = vector.broadcast %reduce_max3A_1533 : i32 to vector<16xi32>
      %reduce_max3A_1535 = arith.xori %select_n3A_1530, %reduce_max3A_1534 : vector<16xi32>
      %reduce_max3A_1536 = tpu.scan <max>, %reduce_max3A_1535 masked %reduce_max3A_1532 : vector<16xi32>, vector<16xi1> -> vector<16xi32>
      %reduce_max3A_1537 = arith.xori %reduce_max3A_1536, %reduce_max3A_1534 : vector<16xi32>
      %reduce_max3A_1538 = vector.extract %reduce_max3A_1537[15] : i32 from vector<16xi32>
      %broadcast_in_dim3A_1539 = vector.broadcast %reduce_max3A_1538 : i32 to vector<16xi32>
      %add3A_1540 = arith.constant 0 : i32
      %add3A_1541 = vector.broadcast %add3A_1540 : i32 to vector<16xi32>
      %add3A_1542 = arith.addi %add3A_1541, %iota3A : vector<16xi32>
      %gather3A_1543 = tpu.vector_load_idx %arg7[%broadcast_in_dim3A_809, %broadcast_in_dim3A_1524, %broadcast_in_dim3A_1539, %add3A_1542] : memref<2x16x8x64xf32, #tpu.memory_space<vmem>>[vector<16xi32>, vector<16xi32>, vector<16xi32>, vector<16xi32>], vector<16xf32>,
      %add3A_1544 = arith.addf %gather3A_1543, %get3A_3 : vector<16xf32>
      %mul3A_1545 = arith.constant 16 : i32
      %mul3A_1546 = arith.muli %scan3A_526, %mul3A_1545 : i32
      %add3A_1547 = arith.constant 11 : i32
      %add3A_1548 = arith.addi %mul3A_1546, %add3A_1547 : i32
      %swap3A_1549 = arith.index_cast %add3A_1548 : i32 to index
      %swap3A_1550 = arith.constant 0 : index
      %swap3A_1551 = tpu.vector_load %arg8[%swap3A_1549, %swap3A_1550] {strides = array<i32>} : memref<512x64xf32, #tpu.memory_space<vmem>>, vector<16xf32>,
      tpu.vector_store %arg8[%swap3A_1549, %swap3A_1550], %add3A_1544 {strides = array<i32>} : memref<512x64xf32, #tpu.memory_space<vmem>>, vector<16xf32>,
      %add3A_1552 = arith.constant 16 : i32
      %add3A_1553 = vector.broadcast %add3A_1552 : i32 to vector<16xi32>
      %add3A_1554 = arith.addi %add3A_1553, %iota3A : vector<16xi32>
      %gather3A_1555 = tpu.vector_load_idx %arg7[%broadcast_in_dim3A_809, %broadcast_in_dim3A_1524, %broadcast_in_dim3A_1539, %add3A_1554] : memref<2x16x8x64xf32, #tpu.memory_space<vmem>>[vector<16xi32>, vector<16xi32>, vector<16xi32>, vector<16xi32>], vector<16xf32>,
      %add3A_1556 = arith.addf %gather3A_1555, %get3A_5 : vector<16xf32>
      %mul3A_1557 = arith.constant 16 : i32
      %mul3A_1558 = arith.muli %scan3A_526, %mul3A_1557 : i32
      %add3A_1559 = arith.constant 11 : i32
      %add3A_1560 = arith.addi %mul3A_1558, %add3A_1559 : i32
      %swap3A_1561 = arith.index_cast %add3A_1560 : i32 to index
      %swap3A_1562 = arith.constant 16 : index
      %swap3A_1563 = tpu.vector_load %arg8[%swap3A_1561, %swap3A_1562] {strides = array<i32>} : memref<512x64xf32, #tpu.memory_space<vmem>>, vector<16xf32>,
      tpu.vector_store %arg8[%swap3A_1561, %swap3A_1562], %add3A_1556 {strides = array<i32>} : memref<512x64xf32, #tpu.memory_space<vmem>>, vector<16xf32>,
      %add3A_1564 = arith.constant 32 : i32
      %add3A_1565 = vector.broadcast %add3A_1564 : i32 to vector<16xi32>
      %add3A_1566 = arith.addi %add3A_1565, %iota3A : vector<16xi32>
      %gather3A_1567 = tpu.vector_load_idx %arg7[%broadcast_in_dim3A_809, %broadcast_in_dim3A_1524, %broadcast_in_dim3A_1539, %add3A_1566] : memref<2x16x8x64xf32, #tpu.memory_space<vmem>>[vector<16xi32>, vector<16xi32>, vector<16xi32>, vector<16xi32>], vector<16xf32>,
      %add3A_1568 = arith.addf %gather3A_1567, %get3A_7 : vector<16xf32>
      %mul3A_1569 = arith.constant 16 : i32
      %mul3A_1570 = arith.muli %scan3A_526, %mul3A_1569 : i32
      %add3A_1571 = arith.constant 11 : i32
      %add3A_1572 = arith.addi %mul3A_1570, %add3A_1571 : i32
      %swap3A_1573 = arith.index_cast %add3A_1572 : i32 to index
      %swap3A_1574 = arith.constant 32 : index
      %swap3A_1575 = tpu.vector_load %arg8[%swap3A_1573, %swap3A_1574] {strides = array<i32>} : memref<512x64xf32, #tpu.memory_space<vmem>>, vector<16xf32>,
      tpu.vector_store %arg8[%swap3A_1573, %swap3A_1574], %add3A_1568 {strides = array<i32>} : memref<512x64xf32, #tpu.memory_space<vmem>>, vector<16xf32>,
      %add3A_1576 = arith.constant 48 : i32
      %add3A_1577 = vector.broadcast %add3A_1576 : i32 to vector<16xi32>
      %add3A_1578 = arith.addi %add3A_1577, %iota3A : vector<16xi32>
      %gather3A_1579 = tpu.vector_load_idx %arg7[%broadcast_in_dim3A_809, %broadcast_in_dim3A_1524, %broadcast_in_dim3A_1539, %add3A_1578] : memref<2x16x8x64xf32, #tpu.memory_space<vmem>>[vector<16xi32>, vector<16xi32>, vector<16xi32>, vector<16xi32>], vector<16xf32>,
      %add3A_1580 = arith.addf %gather3A_1579, %get3A_9 : vector<16xf32>
      %mul3A_1581 = arith.constant 16 : i32
      %mul3A_1582 = arith.muli %scan3A_526, %mul3A_1581 : i32
      %add3A_1583 = arith.constant 11 : i32
      %add3A_1584 = arith.addi %mul3A_1582, %add3A_1583 : i32
      %swap3A_1585 = arith.index_cast %add3A_1584 : i32 to index
      %swap3A_1586 = arith.constant 48 : index
      %swap3A_1587 = tpu.vector_load %arg8[%swap3A_1585, %swap3A_1586] {strides = array<i32>} : memref<512x64xf32, #tpu.memory_space<vmem>>, vector<16xf32>,
      tpu.vector_store %arg8[%swap3A_1585, %swap3A_1586], %add3A_1580 {strides = array<i32>} : memref<512x64xf32, #tpu.memory_space<vmem>>, vector<16xf32>,
      %broadcast_in_dim3A_1588 = arith.constant 12 : i32
      %broadcast_in_dim3A_1589 = vector.broadcast %broadcast_in_dim3A_1588 : i32 to vector<16xi32>
      %eq3A_1590 = arith.constant 12 : i32
      %eq3A_1591 = vector.broadcast %eq3A_1590 : i32 to vector<16xi32>
      %eq3A_1592 = arith.cmpi eq, %iota3A, %eq3A_1591 : vector<16xi32>
      %jit3A_1593 = arith.constant 0 : i32
      %broadcast_in_dim3A_1594 = vector.broadcast %jit3A_1593 : i32 to vector<16xi32>
      %select_n3A_1595 = arith.select %eq3A_1592, %and3A_808, %broadcast_in_dim3A_1594 : vector<16xi1>, vector<16xi32>
      %reduce_max3A_1596 = arith.constant true
      %reduce_max3A_1597 = vector.broadcast %reduce_max3A_1596 : i1 to vector<16xi1>
      %reduce_max3A_1598 = arith.constant -2147483648 : i32
      %reduce_max3A_1599 = vector.broadcast %reduce_max3A_1598 : i32 to vector<16xi32>
      %reduce_max3A_1600 = arith.xori %select_n3A_1595, %reduce_max3A_1599 : vector<16xi32>
      %reduce_max3A_1601 = tpu.scan <max>, %reduce_max3A_1600 masked %reduce_max3A_1597 : vector<16xi32>, vector<16xi1> -> vector<16xi32>
      %reduce_max3A_1602 = arith.xori %reduce_max3A_1601, %reduce_max3A_1599 : vector<16xi32>
      %reduce_max3A_1603 = vector.extract %reduce_max3A_1602[15] : i32 from vector<16xi32>
      %broadcast_in_dim3A_1604 = vector.broadcast %reduce_max3A_1603 : i32 to vector<16xi32>
      %add3A_1605 = arith.constant 0 : i32
      %add3A_1606 = vector.broadcast %add3A_1605 : i32 to vector<16xi32>
      %add3A_1607 = arith.addi %add3A_1606, %iota3A : vector<16xi32>
      %gather3A_1608 = tpu.vector_load_idx %arg7[%broadcast_in_dim3A_809, %broadcast_in_dim3A_1589, %broadcast_in_dim3A_1604, %add3A_1607] : memref<2x16x8x64xf32, #tpu.memory_space<vmem>>[vector<16xi32>, vector<16xi32>, vector<16xi32>, vector<16xi32>], vector<16xf32>,
      %add3A_1609 = arith.addf %gather3A_1608, %get3A_3 : vector<16xf32>
      %mul3A_1610 = arith.constant 16 : i32
      %mul3A_1611 = arith.muli %scan3A_526, %mul3A_1610 : i32
      %add3A_1612 = arith.constant 12 : i32
      %add3A_1613 = arith.addi %mul3A_1611, %add3A_1612 : i32
      %swap3A_1614 = arith.index_cast %add3A_1613 : i32 to index
      %swap3A_1615 = arith.constant 0 : index
      %swap3A_1616 = tpu.vector_load %arg8[%swap3A_1614, %swap3A_1615] {strides = array<i32>} : memref<512x64xf32, #tpu.memory_space<vmem>>, vector<16xf32>,
      tpu.vector_store %arg8[%swap3A_1614, %swap3A_1615], %add3A_1609 {strides = array<i32>} : memref<512x64xf32, #tpu.memory_space<vmem>>, vector<16xf32>,
      %add3A_1617 = arith.constant 16 : i32
      %add3A_1618 = vector.broadcast %add3A_1617 : i32 to vector<16xi32>
      %add3A_1619 = arith.addi %add3A_1618, %iota3A : vector<16xi32>
      %gather3A_1620 = tpu.vector_load_idx %arg7[%broadcast_in_dim3A_809, %broadcast_in_dim3A_1589, %broadcast_in_dim3A_1604, %add3A_1619] : memref<2x16x8x64xf32, #tpu.memory_space<vmem>>[vector<16xi32>, vector<16xi32>, vector<16xi32>, vector<16xi32>], vector<16xf32>,
      %add3A_1621 = arith.addf %gather3A_1620, %get3A_5 : vector<16xf32>
      %mul3A_1622 = arith.constant 16 : i32
      %mul3A_1623 = arith.muli %scan3A_526, %mul3A_1622 : i32
      %add3A_1624 = arith.constant 12 : i32
      %add3A_1625 = arith.addi %mul3A_1623, %add3A_1624 : i32
      %swap3A_1626 = arith.index_cast %add3A_1625 : i32 to index
      %swap3A_1627 = arith.constant 16 : index
      %swap3A_1628 = tpu.vector_load %arg8[%swap3A_1626, %swap3A_1627] {strides = array<i32>} : memref<512x64xf32, #tpu.memory_space<vmem>>, vector<16xf32>,
      tpu.vector_store %arg8[%swap3A_1626, %swap3A_1627], %add3A_1621 {strides = array<i32>} : memref<512x64xf32, #tpu.memory_space<vmem>>, vector<16xf32>,
      %add3A_1629 = arith.constant 32 : i32
      %add3A_1630 = vector.broadcast %add3A_1629 : i32 to vector<16xi32>
      %add3A_1631 = arith.addi %add3A_1630, %iota3A : vector<16xi32>
      %gather3A_1632 = tpu.vector_load_idx %arg7[%broadcast_in_dim3A_809, %broadcast_in_dim3A_1589, %broadcast_in_dim3A_1604, %add3A_1631] : memref<2x16x8x64xf32, #tpu.memory_space<vmem>>[vector<16xi32>, vector<16xi32>, vector<16xi32>, vector<16xi32>], vector<16xf32>,
      %add3A_1633 = arith.addf %gather3A_1632, %get3A_7 : vector<16xf32>
      %mul3A_1634 = arith.constant 16 : i32
      %mul3A_1635 = arith.muli %scan3A_526, %mul3A_1634 : i32
      %add3A_1636 = arith.constant 12 : i32
      %add3A_1637 = arith.addi %mul3A_1635, %add3A_1636 : i32
      %swap3A_1638 = arith.index_cast %add3A_1637 : i32 to index
      %swap3A_1639 = arith.constant 32 : index
      %swap3A_1640 = tpu.vector_load %arg8[%swap3A_1638, %swap3A_1639] {strides = array<i32>} : memref<512x64xf32, #tpu.memory_space<vmem>>, vector<16xf32>,
      tpu.vector_store %arg8[%swap3A_1638, %swap3A_1639], %add3A_1633 {strides = array<i32>} : memref<512x64xf32, #tpu.memory_space<vmem>>, vector<16xf32>,
      %add3A_1641 = arith.constant 48 : i32
      %add3A_1642 = vector.broadcast %add3A_1641 : i32 to vector<16xi32>
      %add3A_1643 = arith.addi %add3A_1642, %iota3A : vector<16xi32>
      %gather3A_1644 = tpu.vector_load_idx %arg7[%broadcast_in_dim3A_809, %broadcast_in_dim3A_1589, %broadcast_in_dim3A_1604, %add3A_1643] : memref<2x16x8x64xf32, #tpu.memory_space<vmem>>[vector<16xi32>, vector<16xi32>, vector<16xi32>, vector<16xi32>], vector<16xf32>,
      %add3A_1645 = arith.addf %gather3A_1644, %get3A_9 : vector<16xf32>
      %mul3A_1646 = arith.constant 16 : i32
      %mul3A_1647 = arith.muli %scan3A_526, %mul3A_1646 : i32
      %add3A_1648 = arith.constant 12 : i32
      %add3A_1649 = arith.addi %mul3A_1647, %add3A_1648 : i32
      %swap3A_1650 = arith.index_cast %add3A_1649 : i32 to index
      %swap3A_1651 = arith.constant 48 : index
      %swap3A_1652 = tpu.vector_load %arg8[%swap3A_1650, %swap3A_1651] {strides = array<i32>} : memref<512x64xf32, #tpu.memory_space<vmem>>, vector<16xf32>,
      tpu.vector_store %arg8[%swap3A_1650, %swap3A_1651], %add3A_1645 {strides = array<i32>} : memref<512x64xf32, #tpu.memory_space<vmem>>, vector<16xf32>,
      %broadcast_in_dim3A_1653 = arith.constant 13 : i32
      %broadcast_in_dim3A_1654 = vector.broadcast %broadcast_in_dim3A_1653 : i32 to vector<16xi32>
      %eq3A_1655 = arith.constant 13 : i32
      %eq3A_1656 = vector.broadcast %eq3A_1655 : i32 to vector<16xi32>
      %eq3A_1657 = arith.cmpi eq, %iota3A, %eq3A_1656 : vector<16xi32>
      %jit3A_1658 = arith.constant 0 : i32
      %broadcast_in_dim3A_1659 = vector.broadcast %jit3A_1658 : i32 to vector<16xi32>
      %select_n3A_1660 = arith.select %eq3A_1657, %and3A_808, %broadcast_in_dim3A_1659 : vector<16xi1>, vector<16xi32>
      %reduce_max3A_1661 = arith.constant true
      %reduce_max3A_1662 = vector.broadcast %reduce_max3A_1661 : i1 to vector<16xi1>
      %reduce_max3A_1663 = arith.constant -2147483648 : i32
      %reduce_max3A_1664 = vector.broadcast %reduce_max3A_1663 : i32 to vector<16xi32>
      %reduce_max3A_1665 = arith.xori %select_n3A_1660, %reduce_max3A_1664 : vector<16xi32>
      %reduce_max3A_1666 = tpu.scan <max>, %reduce_max3A_1665 masked %reduce_max3A_1662 : vector<16xi32>, vector<16xi1> -> vector<16xi32>
      %reduce_max3A_1667 = arith.xori %reduce_max3A_1666, %reduce_max3A_1664 : vector<16xi32>
      %reduce_max3A_1668 = vector.extract %reduce_max3A_1667[15] : i32 from vector<16xi32>
      %broadcast_in_dim3A_1669 = vector.broadcast %reduce_max3A_1668 : i32 to vector<16xi32>
      %add3A_1670 = arith.constant 0 : i32
      %add3A_1671 = vector.broadcast %add3A_1670 : i32 to vector<16xi32>
      %add3A_1672 = arith.addi %add3A_1671, %iota3A : vector<16xi32>
      %gather3A_1673 = tpu.vector_load_idx %arg7[%broadcast_in_dim3A_809, %broadcast_in_dim3A_1654, %broadcast_in_dim3A_1669, %add3A_1672] : memref<2x16x8x64xf32, #tpu.memory_space<vmem>>[vector<16xi32>, vector<16xi32>, vector<16xi32>, vector<16xi32>], vector<16xf32>,
      %add3A_1674 = arith.addf %gather3A_1673, %get3A_3 : vector<16xf32>
      %mul3A_1675 = arith.constant 16 : i32
      %mul3A_1676 = arith.muli %scan3A_526, %mul3A_1675 : i32
      %add3A_1677 = arith.constant 13 : i32
      %add3A_1678 = arith.addi %mul3A_1676, %add3A_1677 : i32
      %swap3A_1679 = arith.index_cast %add3A_1678 : i32 to index
      %swap3A_1680 = arith.constant 0 : index
      %swap3A_1681 = tpu.vector_load %arg8[%swap3A_1679, %swap3A_1680] {strides = array<i32>} : memref<512x64xf32, #tpu.memory_space<vmem>>, vector<16xf32>,
      tpu.vector_store %arg8[%swap3A_1679, %swap3A_1680], %add3A_1674 {strides = array<i32>} : memref<512x64xf32, #tpu.memory_space<vmem>>, vector<16xf32>,
      %add3A_1682 = arith.constant 16 : i32
      %add3A_1683 = vector.broadcast %add3A_1682 : i32 to vector<16xi32>
      %add3A_1684 = arith.addi %add3A_1683, %iota3A : vector<16xi32>
      %gather3A_1685 = tpu.vector_load_idx %arg7[%broadcast_in_dim3A_809, %broadcast_in_dim3A_1654, %broadcast_in_dim3A_1669, %add3A_1684] : memref<2x16x8x64xf32, #tpu.memory_space<vmem>>[vector<16xi32>, vector<16xi32>, vector<16xi32>, vector<16xi32>], vector<16xf32>,
      %add3A_1686 = arith.addf %gather3A_1685, %get3A_5 : vector<16xf32>
      %mul3A_1687 = arith.constant 16 : i32
      %mul3A_1688 = arith.muli %scan3A_526, %mul3A_1687 : i32
      %add3A_1689 = arith.constant 13 : i32
      %add3A_1690 = arith.addi %mul3A_1688, %add3A_1689 : i32
      %swap3A_1691 = arith.index_cast %add3A_1690 : i32 to index
      %swap3A_1692 = arith.constant 16 : index
      %swap3A_1693 = tpu.vector_load %arg8[%swap3A_1691, %swap3A_1692] {strides = array<i32>} : memref<512x64xf32, #tpu.memory_space<vmem>>, vector<16xf32>,
      tpu.vector_store %arg8[%swap3A_1691, %swap3A_1692], %add3A_1686 {strides = array<i32>} : memref<512x64xf32, #tpu.memory_space<vmem>>, vector<16xf32>,
      %add3A_1694 = arith.constant 32 : i32
      %add3A_1695 = vector.broadcast %add3A_1694 : i32 to vector<16xi32>
      %add3A_1696 = arith.addi %add3A_1695, %iota3A : vector<16xi32>
      %gather3A_1697 = tpu.vector_load_idx %arg7[%broadcast_in_dim3A_809, %broadcast_in_dim3A_1654, %broadcast_in_dim3A_1669, %add3A_1696] : memref<2x16x8x64xf32, #tpu.memory_space<vmem>>[vector<16xi32>, vector<16xi32>, vector<16xi32>, vector<16xi32>], vector<16xf32>,
      %add3A_1698 = arith.addf %gather3A_1697, %get3A_7 : vector<16xf32>
      %mul3A_1699 = arith.constant 16 : i32
      %mul3A_1700 = arith.muli %scan3A_526, %mul3A_1699 : i32
      %add3A_1701 = arith.constant 13 : i32
      %add3A_1702 = arith.addi %mul3A_1700, %add3A_1701 : i32
      %swap3A_1703 = arith.index_cast %add3A_1702 : i32 to index
      %swap3A_1704 = arith.constant 32 : index
      %swap3A_1705 = tpu.vector_load %arg8[%swap3A_1703, %swap3A_1704] {strides = array<i32>} : memref<512x64xf32, #tpu.memory_space<vmem>>, vector<16xf32>,
      tpu.vector_store %arg8[%swap3A_1703, %swap3A_1704], %add3A_1698 {strides = array<i32>} : memref<512x64xf32, #tpu.memory_space<vmem>>, vector<16xf32>,
      %add3A_1706 = arith.constant 48 : i32
      %add3A_1707 = vector.broadcast %add3A_1706 : i32 to vector<16xi32>
      %add3A_1708 = arith.addi %add3A_1707, %iota3A : vector<16xi32>
      %gather3A_1709 = tpu.vector_load_idx %arg7[%broadcast_in_dim3A_809, %broadcast_in_dim3A_1654, %broadcast_in_dim3A_1669, %add3A_1708] : memref<2x16x8x64xf32, #tpu.memory_space<vmem>>[vector<16xi32>, vector<16xi32>, vector<16xi32>, vector<16xi32>], vector<16xf32>,
      %add3A_1710 = arith.addf %gather3A_1709, %get3A_9 : vector<16xf32>
      %mul3A_1711 = arith.constant 16 : i32
      %mul3A_1712 = arith.muli %scan3A_526, %mul3A_1711 : i32
      %add3A_1713 = arith.constant 13 : i32
      %add3A_1714 = arith.addi %mul3A_1712, %add3A_1713 : i32
      %swap3A_1715 = arith.index_cast %add3A_1714 : i32 to index
      %swap3A_1716 = arith.constant 48 : index
      %swap3A_1717 = tpu.vector_load %arg8[%swap3A_1715, %swap3A_1716] {strides = array<i32>} : memref<512x64xf32, #tpu.memory_space<vmem>>, vector<16xf32>,
      tpu.vector_store %arg8[%swap3A_1715, %swap3A_1716], %add3A_1710 {strides = array<i32>} : memref<512x64xf32, #tpu.memory_space<vmem>>, vector<16xf32>,
      %broadcast_in_dim3A_1718 = arith.constant 14 : i32
      %broadcast_in_dim3A_1719 = vector.broadcast %broadcast_in_dim3A_1718 : i32 to vector<16xi32>
      %eq3A_1720 = arith.constant 14 : i32
      %eq3A_1721 = vector.broadcast %eq3A_1720 : i32 to vector<16xi32>
      %eq3A_1722 = arith.cmpi eq, %iota3A, %eq3A_1721 : vector<16xi32>
      %jit3A_1723 = arith.constant 0 : i32
      %broadcast_in_dim3A_1724 = vector.broadcast %jit3A_1723 : i32 to vector<16xi32>
      %select_n3A_1725 = arith.select %eq3A_1722, %and3A_808, %broadcast_in_dim3A_1724 : vector<16xi1>, vector<16xi32>
      %reduce_max3A_1726 = arith.constant true
      %reduce_max3A_1727 = vector.broadcast %reduce_max3A_1726 : i1 to vector<16xi1>
      %reduce_max3A_1728 = arith.constant -2147483648 : i32
      %reduce_max3A_1729 = vector.broadcast %reduce_max3A_1728 : i32 to vector<16xi32>
      %reduce_max3A_1730 = arith.xori %select_n3A_1725, %reduce_max3A_1729 : vector<16xi32>
      %reduce_max3A_1731 = tpu.scan <max>, %reduce_max3A_1730 masked %reduce_max3A_1727 : vector<16xi32>, vector<16xi1> -> vector<16xi32>
      %reduce_max3A_1732 = arith.xori %reduce_max3A_1731, %reduce_max3A_1729 : vector<16xi32>
      %reduce_max3A_1733 = vector.extract %reduce_max3A_1732[15] : i32 from vector<16xi32>
      %broadcast_in_dim3A_1734 = vector.broadcast %reduce_max3A_1733 : i32 to vector<16xi32>
      %add3A_1735 = arith.constant 0 : i32
      %add3A_1736 = vector.broadcast %add3A_1735 : i32 to vector<16xi32>
      %add3A_1737 = arith.addi %add3A_1736, %iota3A : vector<16xi32>
      %gather3A_1738 = tpu.vector_load_idx %arg7[%broadcast_in_dim3A_809, %broadcast_in_dim3A_1719, %broadcast_in_dim3A_1734, %add3A_1737] : memref<2x16x8x64xf32, #tpu.memory_space<vmem>>[vector<16xi32>, vector<16xi32>, vector<16xi32>, vector<16xi32>], vector<16xf32>,
      %add3A_1739 = arith.addf %gather3A_1738, %get3A_3 : vector<16xf32>
      %mul3A_1740 = arith.constant 16 : i32
      %mul3A_1741 = arith.muli %scan3A_526, %mul3A_1740 : i32
      %add3A_1742 = arith.constant 14 : i32
      %add3A_1743 = arith.addi %mul3A_1741, %add3A_1742 : i32
      %swap3A_1744 = arith.index_cast %add3A_1743 : i32 to index
      %swap3A_1745 = arith.constant 0 : index
      %swap3A_1746 = tpu.vector_load %arg8[%swap3A_1744, %swap3A_1745] {strides = array<i32>} : memref<512x64xf32, #tpu.memory_space<vmem>>, vector<16xf32>,
      tpu.vector_store %arg8[%swap3A_1744, %swap3A_1745], %add3A_1739 {strides = array<i32>} : memref<512x64xf32, #tpu.memory_space<vmem>>, vector<16xf32>,
      %add3A_1747 = arith.constant 16 : i32
      %add3A_1748 = vector.broadcast %add3A_1747 : i32 to vector<16xi32>
      %add3A_1749 = arith.addi %add3A_1748, %iota3A : vector<16xi32>
      %gather3A_1750 = tpu.vector_load_idx %arg7[%broadcast_in_dim3A_809, %broadcast_in_dim3A_1719, %broadcast_in_dim3A_1734, %add3A_1749] : memref<2x16x8x64xf32, #tpu.memory_space<vmem>>[vector<16xi32>, vector<16xi32>, vector<16xi32>, vector<16xi32>], vector<16xf32>,
      %add3A_1751 = arith.addf %gather3A_1750, %get3A_5 : vector<16xf32>
      %mul3A_1752 = arith.constant 16 : i32
      %mul3A_1753 = arith.muli %scan3A_526, %mul3A_1752 : i32
      %add3A_1754 = arith.constant 14 : i32
      %add3A_1755 = arith.addi %mul3A_1753, %add3A_1754 : i32
      %swap3A_1756 = arith.index_cast %add3A_1755 : i32 to index
      %swap3A_1757 = arith.constant 16 : index
      %swap3A_1758 = tpu.vector_load %arg8[%swap3A_1756, %swap3A_1757] {strides = array<i32>} : memref<512x64xf32, #tpu.memory_space<vmem>>, vector<16xf32>,
      tpu.vector_store %arg8[%swap3A_1756, %swap3A_1757], %add3A_1751 {strides = array<i32>} : memref<512x64xf32, #tpu.memory_space<vmem>>, vector<16xf32>,
      %add3A_1759 = arith.constant 32 : i32
      %add3A_1760 = vector.broadcast %add3A_1759 : i32 to vector<16xi32>
      %add3A_1761 = arith.addi %add3A_1760, %iota3A : vector<16xi32>
      %gather3A_1762 = tpu.vector_load_idx %arg7[%broadcast_in_dim3A_809, %broadcast_in_dim3A_1719, %broadcast_in_dim3A_1734, %add3A_1761] : memref<2x16x8x64xf32, #tpu.memory_space<vmem>>[vector<16xi32>, vector<16xi32>, vector<16xi32>, vector<16xi32>], vector<16xf32>,
      %add3A_1763 = arith.addf %gather3A_1762, %get3A_7 : vector<16xf32>
      %mul3A_1764 = arith.constant 16 : i32
      %mul3A_1765 = arith.muli %scan3A_526, %mul3A_1764 : i32
      %add3A_1766 = arith.constant 14 : i32
      %add3A_1767 = arith.addi %mul3A_1765, %add3A_1766 : i32
      %swap3A_1768 = arith.index_cast %add3A_1767 : i32 to index
      %swap3A_1769 = arith.constant 32 : index
      %swap3A_1770 = tpu.vector_load %arg8[%swap3A_1768, %swap3A_1769] {strides = array<i32>} : memref<512x64xf32, #tpu.memory_space<vmem>>, vector<16xf32>,
      tpu.vector_store %arg8[%swap3A_1768, %swap3A_1769], %add3A_1763 {strides = array<i32>} : memref<512x64xf32, #tpu.memory_space<vmem>>, vector<16xf32>,
      %add3A_1771 = arith.constant 48 : i32
      %add3A_1772 = vector.broadcast %add3A_1771 : i32 to vector<16xi32>
      %add3A_1773 = arith.addi %add3A_1772, %iota3A : vector<16xi32>
      %gather3A_1774 = tpu.vector_load_idx %arg7[%broadcast_in_dim3A_809, %broadcast_in_dim3A_1719, %broadcast_in_dim3A_1734, %add3A_1773] : memref<2x16x8x64xf32, #tpu.memory_space<vmem>>[vector<16xi32>, vector<16xi32>, vector<16xi32>, vector<16xi32>], vector<16xf32>,
      %add3A_1775 = arith.addf %gather3A_1774, %get3A_9 : vector<16xf32>
      %mul3A_1776 = arith.constant 16 : i32
      %mul3A_1777 = arith.muli %scan3A_526, %mul3A_1776 : i32
      %add3A_1778 = arith.constant 14 : i32
      %add3A_1779 = arith.addi %mul3A_1777, %add3A_1778 : i32
      %swap3A_1780 = arith.index_cast %add3A_1779 : i32 to index
      %swap3A_1781 = arith.constant 48 : index
      %swap3A_1782 = tpu.vector_load %arg8[%swap3A_1780, %swap3A_1781] {strides = array<i32>} : memref<512x64xf32, #tpu.memory_space<vmem>>, vector<16xf32>,
      tpu.vector_store %arg8[%swap3A_1780, %swap3A_1781], %add3A_1775 {strides = array<i32>} : memref<512x64xf32, #tpu.memory_space<vmem>>, vector<16xf32>,
      %broadcast_in_dim3A_1783 = arith.constant 15 : i32
      %broadcast_in_dim3A_1784 = vector.broadcast %broadcast_in_dim3A_1783 : i32 to vector<16xi32>
      %eq3A_1785 = arith.constant 15 : i32
      %eq3A_1786 = vector.broadcast %eq3A_1785 : i32 to vector<16xi32>
      %eq3A_1787 = arith.cmpi eq, %iota3A, %eq3A_1786 : vector<16xi32>
      %jit3A_1788 = arith.constant 0 : i32
      %broadcast_in_dim3A_1789 = vector.broadcast %jit3A_1788 : i32 to vector<16xi32>
      %select_n3A_1790 = arith.select %eq3A_1787, %and3A_808, %broadcast_in_dim3A_1789 : vector<16xi1>, vector<16xi32>
      %reduce_max3A_1791 = arith.constant true
      %reduce_max3A_1792 = vector.broadcast %reduce_max3A_1791 : i1 to vector<16xi1>
      %reduce_max3A_1793 = arith.constant -2147483648 : i32
      %reduce_max3A_1794 = vector.broadcast %reduce_max3A_1793 : i32 to vector<16xi32>
      %reduce_max3A_1795 = arith.xori %select_n3A_1790, %reduce_max3A_1794 : vector<16xi32>
      %reduce_max3A_1796 = tpu.scan <max>, %reduce_max3A_1795 masked %reduce_max3A_1792 : vector<16xi32>, vector<16xi1> -> vector<16xi32>
      %reduce_max3A_1797 = arith.xori %reduce_max3A_1796, %reduce_max3A_1794 : vector<16xi32>
      %reduce_max3A_1798 = vector.extract %reduce_max3A_1797[15] : i32 from vector<16xi32>
      %broadcast_in_dim3A_1799 = vector.broadcast %reduce_max3A_1798 : i32 to vector<16xi32>
      %add3A_1800 = arith.constant 0 : i32
      %add3A_1801 = vector.broadcast %add3A_1800 : i32 to vector<16xi32>
      %add3A_1802 = arith.addi %add3A_1801, %iota3A : vector<16xi32>
      %gather3A_1803 = tpu.vector_load_idx %arg7[%broadcast_in_dim3A_809, %broadcast_in_dim3A_1784, %broadcast_in_dim3A_1799, %add3A_1802] : memref<2x16x8x64xf32, #tpu.memory_space<vmem>>[vector<16xi32>, vector<16xi32>, vector<16xi32>, vector<16xi32>], vector<16xf32>,
      %add3A_1804 = arith.addf %gather3A_1803, %get3A_3 : vector<16xf32>
      %mul3A_1805 = arith.constant 16 : i32
      %mul3A_1806 = arith.muli %scan3A_526, %mul3A_1805 : i32
      %add3A_1807 = arith.constant 15 : i32
      %add3A_1808 = arith.addi %mul3A_1806, %add3A_1807 : i32
      %swap3A_1809 = arith.index_cast %add3A_1808 : i32 to index
      %swap3A_1810 = arith.constant 0 : index
      %swap3A_1811 = tpu.vector_load %arg8[%swap3A_1809, %swap3A_1810] {strides = array<i32>} : memref<512x64xf32, #tpu.memory_space<vmem>>, vector<16xf32>,
      tpu.vector_store %arg8[%swap3A_1809, %swap3A_1810], %add3A_1804 {strides = array<i32>} : memref<512x64xf32, #tpu.memory_space<vmem>>, vector<16xf32>,
      %add3A_1812 = arith.constant 16 : i32
      %add3A_1813 = vector.broadcast %add3A_1812 : i32 to vector<16xi32>
      %add3A_1814 = arith.addi %add3A_1813, %iota3A : vector<16xi32>
      %gather3A_1815 = tpu.vector_load_idx %arg7[%broadcast_in_dim3A_809, %broadcast_in_dim3A_1784, %broadcast_in_dim3A_1799, %add3A_1814] : memref<2x16x8x64xf32, #tpu.memory_space<vmem>>[vector<16xi32>, vector<16xi32>, vector<16xi32>, vector<16xi32>], vector<16xf32>,
      %add3A_1816 = arith.addf %gather3A_1815, %get3A_5 : vector<16xf32>
      %mul3A_1817 = arith.constant 16 : i32
      %mul3A_1818 = arith.muli %scan3A_526, %mul3A_1817 : i32
      %add3A_1819 = arith.constant 15 : i32
      %add3A_1820 = arith.addi %mul3A_1818, %add3A_1819 : i32
      %swap3A_1821 = arith.index_cast %add3A_1820 : i32 to index
      %swap3A_1822 = arith.constant 16 : index
      %swap3A_1823 = tpu.vector_load %arg8[%swap3A_1821, %swap3A_1822] {strides = array<i32>} : memref<512x64xf32, #tpu.memory_space<vmem>>, vector<16xf32>,
      tpu.vector_store %arg8[%swap3A_1821, %swap3A_1822], %add3A_1816 {strides = array<i32>} : memref<512x64xf32, #tpu.memory_space<vmem>>, vector<16xf32>,
      %add3A_1824 = arith.constant 32 : i32
      %add3A_1825 = vector.broadcast %add3A_1824 : i32 to vector<16xi32>
      %add3A_1826 = arith.addi %add3A_1825, %iota3A : vector<16xi32>
      %gather3A_1827 = tpu.vector_load_idx %arg7[%broadcast_in_dim3A_809, %broadcast_in_dim3A_1784, %broadcast_in_dim3A_1799, %add3A_1826] : memref<2x16x8x64xf32, #tpu.memory_space<vmem>>[vector<16xi32>, vector<16xi32>, vector<16xi32>, vector<16xi32>], vector<16xf32>,
      %add3A_1828 = arith.addf %gather3A_1827, %get3A_7 : vector<16xf32>
      %mul3A_1829 = arith.constant 16 : i32
      %mul3A_1830 = arith.muli %scan3A_526, %mul3A_1829 : i32
      %add3A_1831 = arith.constant 15 : i32
      %add3A_1832 = arith.addi %mul3A_1830, %add3A_1831 : i32
      %swap3A_1833 = arith.index_cast %add3A_1832 : i32 to index
      %swap3A_1834 = arith.constant 32 : index
      %swap3A_1835 = tpu.vector_load %arg8[%swap3A_1833, %swap3A_1834] {strides = array<i32>} : memref<512x64xf32, #tpu.memory_space<vmem>>, vector<16xf32>,
      tpu.vector_store %arg8[%swap3A_1833, %swap3A_1834], %add3A_1828 {strides = array<i32>} : memref<512x64xf32, #tpu.memory_space<vmem>>, vector<16xf32>,
      %add3A_1836 = arith.constant 48 : i32
      %add3A_1837 = vector.broadcast %add3A_1836 : i32 to vector<16xi32>
      %add3A_1838 = arith.addi %add3A_1837, %iota3A : vector<16xi32>
      %gather3A_1839 = tpu.vector_load_idx %arg7[%broadcast_in_dim3A_809, %broadcast_in_dim3A_1784, %broadcast_in_dim3A_1799, %add3A_1838] : memref<2x16x8x64xf32, #tpu.memory_space<vmem>>[vector<16xi32>, vector<16xi32>, vector<16xi32>, vector<16xi32>], vector<16xf32>,
      %add3A_1840 = arith.addf %gather3A_1839, %get3A_9 : vector<16xf32>
      %mul3A_1841 = arith.constant 16 : i32
      %mul3A_1842 = arith.muli %scan3A_526, %mul3A_1841 : i32
      %add3A_1843 = arith.constant 15 : i32
      %add3A_1844 = arith.addi %mul3A_1842, %add3A_1843 : i32
      %swap3A_1845 = arith.index_cast %add3A_1844 : i32 to index
      %swap3A_1846 = arith.constant 48 : index
      %swap3A_1847 = tpu.vector_load %arg8[%swap3A_1845, %swap3A_1846] {strides = array<i32>} : memref<512x64xf32, #tpu.memory_space<vmem>>, vector<16xf32>,
      tpu.vector_store %arg8[%swap3A_1845, %swap3A_1846], %add3A_1840 {strides = array<i32>} : memref<512x64xf32, #tpu.memory_space<vmem>>, vector<16xf32>,
    }
    %scan3A_525 = arith.constant 32 : i32
    "tpu.region"() ({
      %run_scoped3A = tpu.sem_alloc : memref<!tpu.dma_semaphore, #tpu.memory_space<semaphore_mem>>
      %dma_start3A_526 = arith.constant 0 : i32
      %dma_start3A_527 = tpu.memref_slice %arg5[%mul3A_2, %dma_start3A_526] : memref<16384x64xf32, #tpu.memory_space<hbm>> -> memref<512x64xf32, #tpu.memory_space<hbm>>
      %dma_start3A_528 = arith.constant 0 : i32
      %dma_start3A_529 = tpu.memref_slice %arg5[%mul3A_2, %dma_start3A_528] : memref<16384x64xf32, #tpu.memory_space<hbm>> -> memref<512x64xf32, #tpu.memory_space<hbm>>
      tpu.enqueue_dma source(%arg8 : memref<512x64xf32, #tpu.memory_space<vmem>>) target(%dma_start3A_529 : memref<512x64xf32, #tpu.memory_space<hbm>>) target_semaphore(%run_scoped3A : memref<!tpu.dma_semaphore, #tpu.memory_space<semaphore_mem>>)
      %dma_wait3A = arith.constant 0 : i32
      %dma_wait3A_530 = tpu.memref_slice %arg5[%mul3A_2, %dma_wait3A] : memref<16384x64xf32, #tpu.memory_space<hbm>> -> memref<512x64xf32, #tpu.memory_space<hbm>>
      %dma_wait3A_531 = arith.constant 0 : i32
      %dma_wait3A_532 = tpu.memref_slice %arg5[%mul3A_2, %dma_wait3A_531] : memref<16384x64xf32, #tpu.memory_space<hbm>> -> memref<512x64xf32, #tpu.memory_space<hbm>>
      tpu.wait_dma2 semaphore(%run_scoped3A : memref<!tpu.dma_semaphore, #tpu.memory_space<semaphore_mem>>) src(%arg8 : memref<512x64xf32, #tpu.memory_space<vmem>>) dst(%dma_wait3A_532 : memref<512x64xf32, #tpu.memory_space<hbm>>)
      tpu.yield
    }) : () -> ()
    return
  }
}

</mosaic_0001>

<sc_bundles>
// kernel: kernel.3.cloned.1.call-start
scs
__scs_entry_jumppad:
0x0: {  	(pc) =	sbr.rel $0x88, $3  }
0x1: {  	(tag) =	ssettag $0x0;
	lr =	simm.s32 $0x1  }
0x2: {  	[smem:$0x3F9E] =	sst lr;
	_ =	strace $0xD0000000  }
0x3: {  	_ = 	snop  }
0x4: {  	_ = 	snop  }
0x5: {  	_ = 	snop  }
0x6: {  	_ = 	snop  }
0x7: {  	_ = 	snop  }
__scs_overlays_trampoline_lowered:
0x8: {  	[smem:$0x3FAD] =	sst s0  }
0x9: {  	[smem:$0x3FAE] =	sst s1  }
0xa: {  	[smem:$0x3FAF] =	sst s2  }
0xb: {  	[smem:$0x3FB0] =	sst s3  }
0xc: {  	[smem:$0x3FB1] =	sst s4  }
0xd: {  	[smem:$0x3FB2] =	sst s5  }
0xe: {  	[smem:$0x3FB3] =	sst s6  }
0xf: {  	[smem:$0x3FB4] =	sst s7  }
0x10: {  	[smem:$0x3FB5] =	sst s8  }
0x11: {  	[smem:$0x3FB6] =	sst s9;
	s0 =	simm.s32 @!p0 $0x0  }
0x12: {  	s1 =	sld [smem:$0x3F9C];
	s0 =	simm.s32 @p0 $0x1  }
0x13: {  	[smem:$0x3FB7] =	sst s0;
	s0 =	simm.s32 @!p1 $0x0  }
0x14: {  	s2 =	sld [smem:$0x3F9B];
	s0 =	simm.s32 @p1 $0x1  }
0x15: {  	[smem:$0x3FB8] =	sst s0;
	s0 =	simm.s32 @!p2 $0x0  }
0x16: {  	s3 =	sld [smem:$0x3FDB];
	s0 =	simm.s32 @p2 $0x1  }
0x17: {  	s4 =	simm.s32 $0x1BF5;
	[smem:$0x3FBA] =	sst s0  }
0x18: {  	s0 =	sld [smem:$0x3F9D];
	_ =	swait.ge [sflag:s4], $0x0  }
0x19: {  	s7 =	sld [smem:$0x3F9E]  }
0x1a: {  	s8 =	sadd.s32 $0xFFFFE003, lr  }
0x1b: {  	s9 =	sadd.s32 $0xFFFFFEF7, lr;
	s5 =	simm.s32 $0xFFFFFFFF;
	p2 =	slt.u32 s8, $0xFFFFF086  }
0x1c: {  	p1 =	slt.u32 s9, $0xF7A;
	s5 =	simm.s32 @!p2 $0x0  }
0x1d: {  	s5 =	simm.s32 @p1 $0x1;
	p0 =	seq.s32 s7, s2  }
0x1e: {  	s7 =	smul.u32 @!p0 $0xF7A, s2;
	p2 =	seq.s32 @!p0 s5, $0x0  }
0x1f: {  	s9 =	smul.u32 $0xF7A, s1;
	s8 =	simm.s32 @!p0 $0x1BF5;
	p2 =	por !p2, p0  }
0x20: {  	[sflag:s8] =	ssyncset.s32 @!p0 $0xFFFFF086;
	s6 =	sadd.s32 @!p0 s3, s7;
	s7 =	simm.s32 @!p0 $0x108  }
0x21: {  	s3 =	sadd.s32 s3, s9;
	s6 =	sadd.s32 @!p0 $0x88, s6;
	s7 =	simm.s32 @p2 $0x1082  }
0x22: {  	[simem:s7], [sflag:s8] =	dma.local @!p0 [hbm:s6], $0xF7A  }
0x23: {  	s9 =	sor.u32 $0xD0000000, s2;
	s6 =	simm.s32 $0x108;
	_ =	swait.ge @!p0 [sflag:s8], $0x0  }
0x24: {  	s3 =	sadd.s32 $0x88, s3;
	s6 =	simm.s32 @!p1 $0x1082;
	[sflag:s4] =	ssyncset.s32 $0xFFFFF086  }
0x25: {  	[simem:s6], [sflag:s4] =	dma.local [hbm:s3], $0xF7A  }
0x26: {  	[smem:$0x3F9E] =	sst s1;
	(tag) =	ssettag s2;
	_ =	strace s9  }
0x27: {  	s1 =	sld [smem:$0x3FAE]  }
0x28: {  	s2 =	sld [smem:$0x3FAF]  }
0x29: {  	s4 =	sld [smem:$0x3FB1]  }
0x2a: {  	p0 =	seq.s32 s5, $0x0;
	s5 =	sld [smem:$0x3FB2]  }
0x2b: {  	s6 =	sld [smem:$0x3FB3]  }
0x2c: {  	s7 =	sld [smem:$0x3FB4]  }
0x2d: {  	s3 =	simm.s32 $0x108;
	s8 =	sld [smem:$0x3FB5]  }
0x2e: {  	s3 =	simm.s32 @!p0 $0x1082;
	s9 =	sld [smem:$0x3FB6]  }
0x2f: {  	lr =	sadd.s32 s0, s3;
	s0 =	sld [smem:$0x3FAD]  }
0x30: {  	s3 =	sld [smem:$0x3FB0]  }
0x31: {  	[smem:$0x3FB9] =	sst s10  }
0x32: {  	s10 =	sld [smem:$0x3FB7];
	_ =	sdelay $0x3  }
0x33: {  	p0 =	seq.s32 s10, $0x1;
	s10 =	sld [smem:$0x3FB9];
	_ =	sdelay $0x3  }
0x34: {  	[smem:$0x3FB9] =	sst s10  }
0x35: {  	s10 =	sld [smem:$0x3FB8];
	_ =	sdelay $0x3  }
0x36: {  	p1 =	seq.s32 s10, $0x1;
	s10 =	sld [smem:$0x3FB9];
	_ =	sdelay $0x3  }
0x37: {  	[smem:$0x3FB9] =	sst s10  }
0x38: {  	s10 =	sld [smem:$0x3FBA]  }
0x39: {  	_ = 	snop;
	(pc) =	sbr.ind lr, $3  }
0x3a: {  	_ = 	snop  }
0x3b: {  	_ = 	snop  }
0x3c: {  	p2 =	seq.s32 s10, $0x1;
	s10 =	sld [smem:$0x3FB9]  }
0x3d: {  	_ =	shalt  }
0x3e: {  	_ =	shalt  }
0x3f: {  	_ =	shalt  }
0x40: {  	_ =	shalt  }
0x41: {  	_ =	shalt  }
0x42: {  	_ =	shalt  }
0x43: {  	_ =	shalt  }
0x44: {  	_ =	shalt  }
0x45: {  	_ =	shalt  }
0x46: {  	_ =	shalt  }
0x47: {  	_ =	shalt  }
0x48: {  	_ =	shalt  }
0x49: {  	_ =	shalt  }
0x4a: {  	_ =	shalt  }
0x4b: {  	_ =	shalt  }
0x4c: {  	_ =	shalt  }
0x4d: {  	_ =	shalt  }
0x4e: {  	_ =	shalt  }
0x4f: {  	_ =	shalt  }
0x50: {  	_ =	shalt  }
0x51: {  	_ =	shalt  }
0x52: {  	_ =	shalt  }
0x53: {  	_ =	shalt  }
0x54: {  	_ =	shalt  }
0x55: {  	_ =	shalt  }
0x56: {  	_ =	shalt  }
0x57: {  	_ =	shalt  }
0x58: {  	_ =	shalt  }
0x59: {  	_ =	shalt  }
0x5a: {  	_ =	shalt  }
0x5b: {  	_ =	shalt  }
0x5c: {  	_ =	shalt  }
0x5d: {  	_ =	shalt  }
0x5e: {  	_ =	shalt  }
0x5f: {  	_ =	shalt  }
0x60: {  	_ =	shalt  }
0x61: {  	_ =	shalt  }
0x62: {  	_ =	shalt  }
0x63: {  	_ =	shalt  }
0x64: {  	_ =	shalt  }
0x65: {  	_ =	shalt  }
0x66: {  	_ =	shalt  }
0x67: {  	_ =	shalt  }
0x68: {  	_ =	shalt  }
0x69: {  	_ =	shalt  }
0x6a: {  	_ =	shalt  }
0x6b: {  	_ =	shalt  }
0x6c: {  	_ =	shalt  }
0x6d: {  	_ =	shalt  }
0x6e: {  	_ =	shalt  }
0x6f: {  	_ =	shalt  }
0x70: {  	_ =	shalt  }
0x71: {  	_ =	shalt  }
0x72: {  	_ =	shalt  }
0x73: {  	_ =	shalt  }
0x74: {  	_ =	shalt  }
0x75: {  	_ =	shalt  }
0x76: {  	_ =	shalt  }
0x77: {  	_ =	shalt  }
0x78: {  	_ =	shalt  }
0x79: {  	_ =	shalt  }
0x7a: {  	_ =	shalt  }
0x7b: {  	_ =	shalt  }
0x7c: {  	_ =	shalt  }
0x7d: {  	_ =	shalt  }
0x7e: {  	_ =	shalt  }
0x7f: {  	_ =	shalt  }
0x80: {  	_ =	shalt  }
0x81: {  	_ =	shalt  }
0x82: {  	_ =	shalt  }
0x83: {  	_ =	shalt  }
0x84: {  	_ =	shalt  }
0x85: {  	_ =	shalt  }
0x86: {  	_ =	shalt  }
0x87: {  	_ =	shalt  }
.Lfunc_end0:
.L_simem_size_0:
called_computation_lowered:
.L_overlay_start_0:
0x88: {  	s2 =	sld [smem:$0x3FD9]  }
0x89: {  	s3 =	sld [smem:$0x3FFE];
	_ =	sdelay $0x1  }
0x8a: {  	s1 =	srdreg.scid  }
0x8b: {  	s0 =	sand.u32 $0x1, s1  }
0x8c: {  	s17 =	sshll.u32 s0, $0xA;
	s2 =	sadd.s32 s3, s2  }
0x8d: {  	s2 =	sadd.s32 s2, s17  }
0x8e: {  	[smem:$0x3FC5] =	sst s2  }
0x8f: {  	_ = 	snop  }
0x90: {  	s2 =	sld [smem:$0x3FC9]  }
0x91: {  	s18 =	sld [smem:$0x3FC7];
	(tm) =	ssettm $0x1  }
0x92: {  	s4 =	sld [smem:$0x3FFB];
	_ =	sdelay $0x3  }
0x93: {  	_ =	strace s4  }
0x94: {  	s4 =	sld [smem:$0x3FFC];
	_ =	sdelay $0x3  }
0x95: {  	_ =	strace s4  }
0x96: {  	s4 =	sld [smem:$0x3FFD];
	_ =	sdelay $0x3  }
0x97: {  	_ =	strace s4  }
0x98: {  	_ =	strace $0x8FFFFFFF  }
0x99: {  	s19 =	sld [smem:$0x3FDB];
	_ =	sdelay $0x1  }
0x9a: {  	s5 =	simm.s32 $_scs_section_size  }
0x9b: {  	s6 =	simm.s32 $_size__tile_overlayer_lowered;
	s7 =	simm.s32 $_tile_overlayer_lowered  }
0x9c: {  	s22 =	simm.s32 $0x1BFF;
	s21 =	sshll.u32 s7, $0x1;
	s4 =	sadd.s32 s5, s19  }
0x9d: {  	s8 =	simm.s32 $0x0;
	s20 =	sshll.u32 s6, $0x1;
	s6 =	sadd.s32 s21, s4  }
0x9e: {  	[timem:s8], [sflag:s22] =	dma.local [hbm:s6], s20  }
0x9f: {  	_ =	swait.ge [sflag:s22], s20  }
0xa0: {  	s5 =	ssub.s32 $0x0, s20;
	[sflag:s22] =	ssyncset.done $0x0  }
0xa1: {  	[sflag:s22] =	ssyncadd.s32 s5;
	_ =	sdelay $0x1  }
0xa2: {  	s23 =	simm.s32 $0x1B8B  }
0xa3: {  	_ =	swait.ge [sflag:s23], $0x1  }
0xa4: {  	[sflag:s23] =	ssyncset.done $0x0  }
0xa5: {  	s25 =	simm.s32 $0x1B8E;
	s24 =	sld [smem:$0x3FFE];
	[sflag:s23] =	ssyncadd.s32 $0xFFFFFFFF  }
0xa6: {  	s26 =	simm.s32 $execute0_lowered;
	[smem:$0x3FD2] =	sst s25  }
0xa7: {  	s6 =	sshll.u32 s26, $0x1;
	_ =	strace $0x80000046;
	[dreg:$0x1] =	wrdreg $0xFFFFFFFF  }
0xa8: {  	s28 =	simm.s32 $_size_execute0_lowered;
	s4 =	sadd.s32 s4, s6;
	[dreg:$0x0] =	wrdreg $0x0  }
0xa9: {  	s6 =	sshll.u32 s28, $0x1;
	[dreg:$0x2] =	wrdreg s4  }
0xaa: {  	[dreg:$0x3] =	wrdreg s6  }
0xab: {  	[dreg:$0x4] =	wrdreg $0xC0  }
0xac: {  	_ =	task [dreg:s8], $0x5FFFF  }
0xad: {  	[dreg:$0x1] =	wrdreg $0xFFFFFFFF  }
0xae: {  	[dreg:$0x0] =	wrdreg $0x60  }
0xaf: {  	[dreg:$0x2] =	wrdreg s2  }
0xb0: {  	[dreg:$0x3] =	wrdreg s24  }
0xb1: {  	[dreg:$0x4] =	wrdreg s18  }
0xb2: {  	[dreg:$0x5] =	wrdreg $0x9  }
0xb3: {  	_ =	task.clear_ibuf [dreg:s8], $0x6FFFF;
	_ =	strace $0x90000046  }
0xb4: {  	s29 =	simm.s32 $0x9;
	_ =	strace $0x80000048  }
0xb5: {  	_ =	swait.ge [sflag:s29], $0x1  }
0xb6: {  	[sflag:s29] =	ssyncadd.s32 $0xFFFFFFFF  }
0xb7: {  	_ =	strace $0x90000048  }
0xb8: {  	_ =	sfence  }
0xb9: {  	s30 =	sld [smem:$0x0];
	_ =	sdelay $0x2  }
0xba: {  	s31 =	sshll.u32 s1, $0xD;
	s1 =	sshrl.u32 s1, $0x2  }
0xbb: {  	s3 =	sand.u32 $0x4000, s31;
	s1 =	sadd.s32 s1, s30  }
0xbc: {  	s0 =	sor.u32 s3, s0;
	s1 =	sshll.u32 s1, $0x11  }
0xbd: {  	s0 =	sor.u32 s1, s0  }
0xbe: {  	s0 =	sadd.s32 $0x8F2B, s0  }
0xbf: {  	[sflag:s0] =	ssyncadd.remote.s32 $0x1  }
0xc0: {  	_ =	sfence.sel $0xFFFF  }
0xc1: {  	[dreg:$0x0] =	wrdreg $0xFFFFFFFF;
	(pc) =	sbr.abs _section_cstart, $3  }
0xc2: {  	[dreg:$0x1] =	wrdreg $0xFFFFFFFF  }
0xc3: {  	_ =	task.clear_ibuf [dreg:s8], $0x2FFFF;
	_ =	strace $0x9FFFFFFF  }
0xc4: {  	(tm) =	ssettm $0x7FFFFFFF  }
0xc5: {  	_ =	shalt  }
tec
execute0_lowered:
.L_overlay_start_1:
0x0: {  	(tag) =	ssettag $0x1  }
0x1: {  	vm0 =	vmmov $0x1;
	vm1 =	vcmask $0x308  }
0x2: {  	vm2 =	vcmask $0x70C;
	vm3 =	vcmask $0xB10;
	vm4 =	vcmask $0xF14  }
0x3: {  	vm5 =	vcmask $0x1318;
	vm6 =	vcmask $0x171C;
	vm7 =	vcmask $0x1B20  }
0x4: {  	vm8 =	vcmask $0x1F24;
	vm9 =	vcmask $0x2328;
	vm10 =	vcmask $0x272C  }
0x5: {  	vm11 =	vcmask $0x2B30;
	vm12 =	vcmask $0x2F34;
	vm13 =	vcmask $0x3338  }
0x6: {  	vm14 =	vcmask $0x373C;
	vm15 =	vmmov $0x7fff;
	v0 =	vlaneseq.u32  }
0x7: {  	s0 =	rddreg [dreg:$0x0];
	v1 =	vor.u32 $0x10, v0;
	v2 =	vor.u32 $0x20, v0;
	v3 =	vor.u32 $0x30, v0  }
0x8: {  	s1 =	rddreg [dreg:$0x1];
	s2 =	srdreg.scid;
	s3 =	simm.s32 $0x0;
	v4 =	vor.u32 $0x400, v0;
	v5 =	vor.u32 $0x410, v0;
	v6 =	vor.u32 $0x420, v0  }
0x9: {  	s4 =	stileid.u32;
	s8 =	simm.s32 $0x3;
	s10 =	simm.s32 $0x200;
	v7 =	vor.u32 $0x800, v0;
	v8 =	vor.u32 $0x810, v0;
	v9 =	vor.u32 $0x820, v0  }
0xa: {  	s12 =	simm.s32 $0xA00;
	s13 =	simm.s32 $0xE00;
	s14 =	simm.s32 $0x1200;
	v10 =	vor.u32 $0xC00, v0;
	v11 =	vor.u32 $0xC10, v0;
	v12 =	vor.u32 $0xC20, v0  }
0xb: {  	s15 =	simm.s32 $0x1600;
	s16 =	simm.s32 $0x1A00;
	s17 =	simm.s32 $0x1E00;
	v13 =	vor.u32 $0x1000, v0;
	v14 =	vor.u32 $0x1010, v0;
	v15 =	vor.u32 $0x1020, v0  }
0xc: {  	s18 =	simm.s32 $0x2200;
	s19 =	simm.s32 $0x2600;
	s20 =	simm.s32 $0x2A00;
	v16 =	vor.u32 $0x1400, v0;
	v17 =	vor.u32 $0x1410, v0;
	v18 =	vor.u32 $0x1420, v0  }
0xd: {  	s21 =	simm.s32 $0x2E00;
	s22 =	simm.s32 $0x3200;
	s23 =	simm.s32 $0x3600;
	v19 =	vor.u32 $0x1800, v0;
	v20 =	vor.u32 $0x1810, v0;
	v21 =	vor.u32 $0x1820, v0  }
0xe: {  	s24 =	simm.s32 $0x3A00;
	s25 =	simm.s32 $0x3E00;
	s26 =	simm.s32 $0x8200;
	v22 =	vor.u32 $0x1C00, v0;
	v23 =	vor.u32 $0x1C10, v0;
	v24 =	vor.u32 $0x1C20, v0  }
0xf: {  	s28 =	simm.s32 $0x0;
	s2 =	sand.u32 $0x1, s2;
	[smem:$0x7FF] =	sst s3;
	v25 =	vor.u32 $0x2000, v0;
	v26 =	vor.u32 $0x2010, v0;
	v27 =	vor.u32 $0x2020, v0  }
.Ltmp0:
0x10: {  	s4 =	sshll.u32 s4, $0xA;
	v28 =	vor.u32 $0x2400, v0;
	v29 =	vor.u32 $0x2410, v0;
	v30 =	vor.u32 $0x2420, v0;
	s5 =	sshll.u32 s2, $0x9;
	(pc) =	sbr.rel .LBB2_1-.Ltmp0, $4  }
0x11: {  	v31 =	vor.u32 $0x2800, v0;
	v32 =	vor.u32 $0x2810, v0;
	v33 =	vor.u32 $0x2820, v0;
	_ =	strace $0x80000047;
	s2 =	ssub.s32 $0x2, s2;
	s5 =	sor.u32 s5, s4  }
0x12: {  	v34 =	vor.u32 $0x2C00, v0;
	v35 =	vor.u32 $0x2C10, v0;
	v36 =	vor.u32 $0x2C20, v0;
	s4 =	sadd.s32 $0x400, s1;
	s31 =	sshrl.u32 s2, $0x1;
	s6 =	sshll.u32 s5, $0x4  }
0x13: {  	v37 =	vor.u32 $0x3000, v0;
	v38 =	vor.u32 $0x3010, v0;
	v39 =	vor.u32 $0x3020, v0;
	s5 =	sshrl.u32 s5, $0x3;
	s2 =	ssub.s32 s2, s31;
	s1 =	sadd.s32 s6, s1  }
0x14: {  	v40 =	vor.u32 $0x3400, v0;
	v41 =	vor.u32 $0x3410, v0;
	v42 =	vor.u32 $0x3420, v0;
	s5 =	sadd.s32 s0, s5;
	s7 =	smax.u32 s2, $0x1;
	s6 =	sadd.s32 $0xF42800, s1  }
.LBB2_5:
0x15: {  	s28 =	sadd.s32 $0x1, s28  }
0x16: {  	p0 =	sne.s32 s28, s7  }
.Ltmp1:
0x17: {  	_ = 	snop;
	(pc) =	sbr.rel @!p0 .LBB2_6-.Ltmp1, $4  }
0x18: {  	[hbm4b:s6+s3] =	stream.linear.scatter [tilespmem:s26], [sflag:$0x3], $0x10000, $0x38;
	[tilespmem:$0x18280] =	vst v63  }
0x19: {  	_ =	swait.ge [sflag:s8], $0x10000  }
0x1a: {  	[sflag:s8] =	ssyncset.done $0x0  }
0x1b: {  	[sflag:s8] =	ssyncadd.s32 $0xFFFF0000  }
.LBB2_1:
0x1c: {  	[tilespmem:s3], [sflag:$0x3] =	stream.linear.gather [hbm4b:s5+s3], $0x200, $0x38;
	[tilespmem:$0x18280] =	vst v63  }
0x1d: {  	_ =	swait.ge [sflag:s8], $0x200  }
0x1e: {  	[sflag:s8] =	ssyncset.done $0x0  }
0x1f: {  	[sflag:s8] =	ssyncadd.s32 $0xFFFFFE00  }
0x20: {  	s1 =	simm.s32 $0x18200;
	s0 =	rddreg [dreg:$0x2]  }
0x21: {  	[tilespmem:s1], [sflag:$0x3] =	stream.linear.gather [hbm4b:s0+s3], $0x80, $0x38;
	[tilespmem:$0x18280] =	vst v63  }
0x22: {  	_ =	swait.ge [sflag:s8], $0x80  }
0x23: {  	[sflag:s8] =	ssyncset.done $0x0  }
0x24: {  	[sflag:s8] =	ssyncadd.s32 $0xFFFFFF80  }
0x25: {  	v43 =	vld [tilespmem:$0x0];
	_ =	sdelay $0x4  }
0x26: {  	v47 =	vand.u32 $0xFFFFFFF8, v43  }
0x27: {  	v43 =	vnsel vm0, $0x0, v47  }
0x28: {  	v43 =	vxor.u32 $0x80000000, v43  }
0x29: {  	(xrf0) =	vmax.scan.msk.u32 $0xffff, v43  }
0x2a: {  	v48 =	vsel vm1, $0x0, v47  }
0x2b: {  	v43 =	vxor.u32 $0x80000000, v48  }
0x2c: {  	(xrf0) =	vmax.scan.msk.u32 $0xffff, v43;
	_ =	sdelay $0x2  }
0x2d: {  	v49, _, _ =	vpop (xrf0)  }
0x2e: {  	(v2sf) =	vpush v49, $0xF;
	_ =	sdelay $0x1  }
0x2f: {  	v44, _, _ =	vpop (xrf0)  }
0x30: {  	v50 =	vsel vm2, $0x0, v47;
	(v2sf) =	vpush v44, $0xF  }
0x31: {  	v43 =	vxor.u32 $0x80000000, v50  }
0x32: {  	(xrf0) =	vmax.scan.msk.u32 $0xffff, v43  }
0x33: {  	v51 =	vsel vm3, $0x0, v47  }
0x34: {  	v43 =	vxor.u32 $0x80000000, v51  }
0x35: {  	(xrf0) =	vmax.scan.msk.u32 $0xffff, v43  }
0x36: {  	v53 =	vsel vm4, $0x0, v47  }
0x37: {  	v54 =	vxor.u32 $0x80000000, v53  }
0x38: {  	v52, _, _ =	vpop (xrf0);
	(xrf0) =	vmax.scan.msk.u32 $0xffff, v54;
	_ =	sdelay $0x2  }
0x39: {  	v48 =	vsel vm5, $0x0, v47;
	(v2sf) =	vpush v52, $0xF;
	v45, _, _ =	vpop (xrf0)  }
0x3a: {  	v48 =	vxor.u32 $0x80000000, v48;
	s31 =	spop (v2sf);
	(v2sf) =	vpush v45, $0xF  }
0x3b: {  	(xrf0) =	vmax.scan.msk.u32 $0xffff, v48  }
0x3c: {  	v55, _, _ =	vpop (xrf0)  }
0x3d: {  	v56 =	vsel vm6, $0x0, v47;
	s1 =	spop (v2sf);
	(v2sf) =	vpush v55, $0xF  }
0x3e: {  	v48 =	vxor.u32 $0x80000000, v56  }
0x3f: {  	(xrf0) =	vmax.scan.msk.u32 $0xffff, v48;
	_ =	sdelay $0x1  }
0x40: {  	v57, _, _ =	vpop (xrf0)  }
0x41: {  	(v2sf) =	vpush v57, $0xF  }
0x42: {  	v46 =	vld [tilespmem:$0x18230];
	v58 =	vsel vm7, $0x0, v47;
	s0 =	sshll.u32 s31, $0x4  }
0x43: {  	v43 =	vld [tilespmem:$0x18200];
	v48 =	vxor.u32 $0x80000000, v58;
	s0 =	sand.u32 $0x1FFFFF80, s0  }
0x44: {  	v44 =	vld [tilespmem:$0x18210];
	v49, _, _ =	vpop (xrf0);
	(xrf0) =	vmax.scan.msk.u32 $0xffff, v48;
	s0 =	sadd.s32 s4, s0  }
0x45: {  	v45 =	vld [tilespmem:$0x18220];
	[tilespmem:s10], [sflag:$0x1] =	stream.linear.gather [hbm4b:s0+s3], $0x400, $0x38  }
0x46: {  	s0 =	sshll.u32 s1, $0x4  }
0x47: {  	s0 =	sand.u32 $0x1FFFFF80, s0;
	s9 =	spop (v2sf)  }
0x48: {  	s2 =	simm.s32 $0x600;
	v59 =	vsel vm8, $0x0, v47;
	s0 =	sadd.s32 s4, s0;
	s11 =	spop (v2sf);
	(v2sf) =	vpush v49, $0xF  }
0x49: {  	v48 =	vxor.u32 $0x80000000, v59;
	[tilespmem:s2], [sflag:$0x1] =	stream.linear.gather [hbm4b:s0+s3], $0x400, $0x38;
	[tilespmem:$0x18280] =	vst v63  }
0x4a: {  	(xrf0) =	vmax.scan.msk.u32 $0xffff, v48;
	s0 =	sshll.u32 s9, $0x4;
	v60, _, _ =	vpop (xrf0)  }
0x4b: {  	s0 =	sand.u32 $0x1FFFFF80, s0;
	s31 =	spop (v2sf);
	(v2sf) =	vpush v60, $0xF  }
0x4c: {  	s0 =	sadd.s32 s4, s0  }
0x4d: {  	[tilespmem:s12], [sflag:$0x1] =	stream.linear.gather [hbm4b:s0+s3], $0x400, $0x38;
	[tilespmem:$0x18280] =	vst v63  }
0x4e: {  	v61 =	vsel vm9, $0x0, v47;
	s0 =	sshll.u32 s11, $0x4  }
0x4f: {  	v48 =	vxor.u32 $0x80000000, v61;
	s0 =	sand.u32 $0x1FFFFF80, s0  }
0x50: {  	(xrf0) =	vmax.scan.msk.u32 $0xffff, v48;
	v62, _, _ =	vpop (xrf0);
	s1 =	spop (v2sf);
	s0 =	sadd.s32 s4, s0  }
0x51: {  	v63 =	vsel vm10, $0x0, v47;
	(v2sf) =	vpush v62, $0xF;
	[tilespmem:s13], [sflag:$0x1] =	stream.linear.gather [hbm4b:s0+s3], $0x400, $0x38;
	[tilespmem:$0x18280] =	vst v63  }
0x52: {  	v48 =	vxor.u32 $0x80000000, v63;
	s0 =	sshll.u32 s31, $0x4  }
0x53: {  	(xrf0) =	vmax.scan.msk.u32 $0xffff, v48;
	s0 =	sand.u32 $0x1FFFFF80, s0  }
0x54: {  	s0 =	sadd.s32 s4, s0  }
0x55: {  	v53 =	vsel vm11, $0x0, v47;
	[tilespmem:s14], [sflag:$0x1] =	stream.linear.gather [hbm4b:s0+s3], $0x400, $0x38;
	[tilespmem:$0x18280] =	vst v63  }
0x56: {  	v48 =	vxor.u32 $0x80000000, v53;
	v52, _, _ =	vpop (xrf0);
	s0 =	sshll.u32 s1, $0x4  }
0x57: {  	(xrf0) =	vmax.scan.msk.u32 $0xffff, v48;
	s0 =	sand.u32 $0x1FFFFF80, s0;
	s2 =	spop (v2sf);
	(v2sf) =	vpush v52, $0xF  }
0x58: {  	v55 =	vsel vm12, $0x0, v47;
	s0 =	sadd.s32 s4, s0  }
0x59: {  	v56 =	vxor.u32 $0x80000000, v55;
	v54, _, _ =	vpop (xrf0);
	[tilespmem:s15], [sflag:$0x1] =	stream.linear.gather [hbm4b:s0+s3], $0x400, $0x38;
	[tilespmem:$0x18280] =	vst v63  }
0x5a: {  	(xrf0) =	vmax.scan.msk.u32 $0xffff, v56;
	s0 =	sshll.u32 s2, $0x4;
	s9 =	spop (v2sf);
	(v2sf) =	vpush v54, $0xF  }
0x5b: {  	s0 =	sand.u32 $0x1FFFFF80, s0  }
0x5c: {  	s0 =	sadd.s32 s4, s0  }
0x5d: {  	v58, _, _ =	vpop (xrf0);
	[tilespmem:s16], [sflag:$0x1] =	stream.linear.gather [hbm4b:s0+s3], $0x400, $0x38;
	[tilespmem:$0x18280] =	vst v63  }
0x5e: {  	v57 =	vsel vm13, $0x0, v47;
	(v2sf) =	vpush v58, $0xF;
	s0 =	sshll.u32 s9, $0x4  }
0x5f: {  	v48 =	vxor.u32 $0x80000000, v57;
	s0 =	sand.u32 $0x1FFFFF80, s0  }
0x60: {  	v60 =	vsel vm14, $0x0, v47;
	(xrf0) =	vmax.scan.msk.u32 $0xffff, v48;
	v59, _, _ =	vpop (xrf0);
	s11 =	spop (v2sf);
	s0 =	sadd.s32 s4, s0  }
0x61: {  	v61 =	vxor.u32 $0x80000000, v60;
	(v2sf) =	vpush v59, $0xF;
	[tilespmem:s17], [sflag:$0x1] =	stream.linear.gather [hbm4b:s0+s3], $0x400, $0x38;
	[tilespmem:$0x18280] =	vst v63  }
0x62: {  	(xrf0) =	vmax.scan.msk.u32 $0xffff, v61;
	s0 =	sshll.u32 s11, $0x4  }
0x63: {  	s0 =	sand.u32 $0x1FFFFF80, s0  }
0x64: {  	v47 =	vsel vm15, $0x0, v47;
	s0 =	sadd.s32 s4, s0  }
0x65: {  	v47 =	vxor.u32 $0x80000000, v47;
	[tilespmem:s18], [sflag:$0x1] =	stream.linear.gather [hbm4b:s0+s3], $0x400, $0x38;
	[tilespmem:$0x18280] =	vst v63  }
0x66: {  	v62, _, _ =	vpop (xrf0);
	(xrf0) =	vmax.scan.msk.u32 $0xffff, v47;
	s31 =	spop (v2sf)  }
0x67: {  	(v2sf) =	vpush v62, $0xF;
	s0 =	sshll.u32 s31, $0x4  }
0x68: {  	v63, _, _ =	vpop (xrf0);
	s0 =	sand.u32 $0x1FFFFF80, s0  }
0x69: {  	s1 =	spop (v2sf);
	(v2sf) =	vpush v63, $0xF;
	s0 =	sadd.s32 s4, s0  }
0x6a: {  	[tilespmem:s19], [sflag:$0x1] =	stream.linear.gather [hbm4b:s0+s3], $0x400, $0x38;
	[tilespmem:$0x18280] =	vst v63  }
0x6b: {  	s0 =	sshll.u32 s1, $0x4  }
0x6c: {  	v47, _, _ =	vpop (xrf0);
	s0 =	sand.u32 $0x1FFFFF80, s0  }
0x6d: {  	s2 =	spop (v2sf);
	(v2sf) =	vpush v47, $0xF;
	s0 =	sadd.s32 s4, s0  }
0x6e: {  	[tilespmem:s20], [sflag:$0x1] =	stream.linear.gather [hbm4b:s0+s3], $0x400, $0x38;
	[tilespmem:$0x18280] =	vst v63  }
0x6f: {  	s0 =	sshll.u32 s2, $0x4  }
0x70: {  	s9 =	spop (v2sf);
	s0 =	sand.u32 $0x1FFFFF80, s0  }
0x71: {  	s11 =	sshll.u32 s9, $0x4;
	s0 =	sadd.s32 s4, s0  }
0x72: {  	[tilespmem:s21], [sflag:$0x1] =	stream.linear.gather [hbm4b:s0+s3], $0x400, $0x38;
	[tilespmem:$0x18280] =	vst v63  }
0x73: {  	s0 =	sand.u32 $0x1FFFFF80, s11  }
0x74: {  	s0 =	sadd.s32 s4, s0  }
0x75: {  	[tilespmem:s22], [sflag:$0x1] =	stream.linear.gather [hbm4b:s0+s3], $0x400, $0x38;
	[tilespmem:$0x18280] =	vst v63  }
0x76: {  	s31 =	spop (v2sf)  }
0x77: {  	s2 =	sshll.u32 s31, $0x4  }
0x78: {  	s9 =	spop (v2sf);
	s0 =	sand.u32 $0x1FFFFF80, s2  }
0x79: {  	s11 =	sshll.u32 s9, $0x4;
	s0 =	sadd.s32 s4, s0  }
0x7a: {  	[tilespmem:s23], [sflag:$0x1] =	stream.linear.gather [hbm4b:s0+s3], $0x400, $0x38;
	[tilespmem:$0x18280] =	vst v63  }
0x7b: {  	s0 =	sand.u32 $0x1FFFFF80, s11  }
0x7c: {  	s31 =	spop (v2sf);
	s0 =	sadd.s32 s4, s0  }
0x7d: {  	[tilespmem:s24], [sflag:$0x1] =	stream.linear.gather [hbm4b:s0+s3], $0x400, $0x38;
	[tilespmem:$0x18280] =	vst v63  }
.Ltmp2:
0x7e: {  	s0 =	sshll.u32 s31, $0x4;
	(pc) =	sbr.rel .LBB2_2-.Ltmp2, $4  }
0x7f: {  	s0 =	sand.u32 $0x1FFFFF80, s0  }
0x80: {  	s0 =	sadd.s32 s4, s0  }
0x81: {  	[tilespmem:s25], [sflag:$0x1] =	stream.linear.gather [hbm4b:s0+s3], $0x400, $0x38;
	[tilespmem:$0x18280] =	vst v63  }
0x82: {  	s29 =	simm.s32 $0x8600;
	s30 =	simm.s32 $0x10;
	s0 =	simm.s32 $0x0  }
.LBB2_4:
0x83: {  	s0 =	sand.u32 $0x1, s0  }
0x84: {  	s1 =	sadd.s32 $0x1, s0  }
0x85: {  	_ =	swait.ge [sflag:s1], $0x400  }
0x86: {  	[sflag:s1] =	ssyncset.done $0x0  }
0x87: {  	[sflag:s1] =	ssyncadd.s32 $0xFFFFFC00  }
0x88: {  	_ =	swait.ge [sflag:s1], $0x400  }
0x89: {  	[sflag:s1] =	ssyncset.done $0x0  }
0x8a: {  	[sflag:s1] =	ssyncadd.s32 $0xFFFFFC00  }
0x8b: {  	_ =	swait.ge [sflag:s1], $0x400  }
0x8c: {  	[sflag:s1] =	ssyncset.done $0x0  }
0x8d: {  	[sflag:s1] =	ssyncadd.s32 $0xFFFFFC00  }
0x8e: {  	_ =	swait.ge [sflag:s1], $0x400  }
0x8f: {  	[sflag:s1] =	ssyncset.done $0x0  }
0x90: {  	[sflag:s1] =	ssyncadd.s32 $0xFFFFFC00  }
0x91: {  	_ =	swait.ge [sflag:s1], $0x400  }
0x92: {  	[sflag:s1] =	ssyncset.done $0x0  }
0x93: {  	[sflag:s1] =	ssyncadd.s32 $0xFFFFFC00  }
0x94: {  	_ =	swait.ge [sflag:s1], $0x400  }
0x95: {  	[sflag:s1] =	ssyncset.done $0x0  }
0x96: {  	[sflag:s1] =	ssyncadd.s32 $0xFFFFFC00  }
0x97: {  	_ =	swait.ge [sflag:s1], $0x400  }
0x98: {  	[sflag:s1] =	ssyncset.done $0x0  }
0x99: {  	[sflag:s1] =	ssyncadd.s32 $0xFFFFFC00  }
0x9a: {  	_ =	swait.ge [sflag:s1], $0x400  }
0x9b: {  	[sflag:s1] =	ssyncset.done $0x0  }
0x9c: {  	[sflag:s1] =	ssyncadd.s32 $0xFFFFFC00  }
0x9d: {  	_ =	swait.ge [sflag:s1], $0x400  }
0x9e: {  	[sflag:s1] =	ssyncset.done $0x0  }
0x9f: {  	[sflag:s1] =	ssyncadd.s32 $0xFFFFFC00  }
0xa0: {  	_ =	swait.ge [sflag:s1], $0x400  }
0xa1: {  	[sflag:s1] =	ssyncset.done $0x0  }
0xa2: {  	[sflag:s1] =	ssyncadd.s32 $0xFFFFFC00  }
0xa3: {  	_ =	swait.ge [sflag:s1], $0x400  }
0xa4: {  	[sflag:s1] =	ssyncset.done $0x0  }
0xa5: {  	[sflag:s1] =	ssyncadd.s32 $0xFFFFFC00  }
0xa6: {  	_ =	swait.ge [sflag:s1], $0x400  }
0xa7: {  	[sflag:s1] =	ssyncset.done $0x0  }
0xa8: {  	[sflag:s1] =	ssyncadd.s32 $0xFFFFFC00  }
0xa9: {  	_ =	swait.ge [sflag:s1], $0x400  }
0xaa: {  	[sflag:s1] =	ssyncset.done $0x0  }
0xab: {  	[sflag:s1] =	ssyncadd.s32 $0xFFFFFC00  }
0xac: {  	_ =	swait.ge [sflag:s1], $0x400  }
0xad: {  	[sflag:s1] =	ssyncset.done $0x0  }
0xae: {  	[sflag:s1] =	ssyncadd.s32 $0xFFFFFC00  }
0xaf: {  	_ =	swait.ge [sflag:s1], $0x400  }
0xb0: {  	[sflag:s1] =	ssyncset.done $0x0  }
0xb1: {  	[sflag:s1] =	ssyncadd.s32 $0xFFFFFC00  }
0xb2: {  	_ =	swait.ge [sflag:s1], $0x400  }
0xb3: {  	[sflag:s1] =	ssyncset.done $0x0  }
0xb4: {  	[sflag:s1] =	ssyncadd.s32 $0xFFFFFC00  }
0xb5: {  	v47 =	vld [tilespmem:s30+$0xFFFFFFF0];
	_ =	sdelay $0x4  }
0xb6: {  	v47 =	vand.u32 $0x7, v47  }
0xb7: {  	v48 =	vnsel vm0, $0x0, v47  }
0xb8: {  	v48 =	vor.u32 $0x80000000, v48  }
0xb9: {  	(xrf0) =	vmax.scan.msk.u32 $0xffff, v48;
	_ =	sdelay $0x5  }
0xba: {  	v48, _, _ =	vpop (xrf0)  }
0xbb: {  	(v2sf) =	vpush v48, $0xF;
	_ =	sdelay $0xe  }
0xbc: {  	s11 =	spop (v2sf)  }
0xbd: {  	s0 =	sshll.u32 s0, $0xE;
	s1 =	sshll.u32 s11, $0x7  }
0xbe: {  	s1 =	sadd.s32 s0, s1  }
0xbf: {  	v57 =	vor.u32 s1, v0;
	_ =	sdelay $0x1  }
0xc0: {  	v49 =	vsel vm1, $0x0, v47  }
0xc1: {  	v49 =	vor.u32 $0x80000000, v49  }
0xc2: {  	(xrf0) =	vmax.scan.msk.u32 $0xffff, v49  }
0xc3: {  	v48 =	vld.idx.msk [tilespmem:v57+s10+$0x0], $0xffff;
	_ =	sdelay $0x2  }
0xc4: {  	v58 =	vor.u32 s1, v1;
	_ =	sdelay $0x1  }
0xc5: {  	v50, _, _ =	vpop (xrf0);
	v48 =	vadd.f32 v48, v43  }
0xc6: {  	(v2sf) =	vpush v50, $0xF  }
0xc7: {  	[tilespmem:s29+$0xFFFFFC00] =	vst v48  }
0xc8: {  	v48 =	vld.idx.msk [tilespmem:v58+s10+$0x0], $0xffff;
	_ =	sdelay $0x2  }
0xc9: {  	v59 =	vor.u32 s1, v2;
	_ =	sdelay $0x1  }
0xca: {  	v48 =	vadd.f32 v48, v44;
	_ =	sdelay $0x1  }
0xcb: {  	[tilespmem:s29+$0xFFFFFC10] =	vst v48  }
0xcc: {  	v48 =	vld.idx.msk [tilespmem:v59+s10+$0x0], $0xffff;
	_ =	sdelay $0x2  }
0xcd: {  	v60 =	vor.u32 s1, v3;
	_ =	sdelay $0x1  }
0xce: {  	s2 =	spop (v2sf);
	v48 =	vadd.f32 v48, v45  }
0xcf: {  	s1 =	sshll.u32 s2, $0x7  }
0xd0: {  	v61 =	vmov s1;
	[tilespmem:s29+$0xFFFFFC20] =	vst v48  }
0xd1: {  	v48 =	vadd.s32 s0, v61;
	v49 =	vld.idx.msk [tilespmem:v60+s10+$0x0], $0xffff  }
0xd2: {  	v48 =	vbroadcast v48, $0x0;
	_ =	sdelay $0x1  }
0xd3: {  	v62 =	vadd.s32 v4, v48;
	_ =	sdelay $0x1  }
0xd4: {  	v51 =	vsel vm2, $0x0, v47;
	v49 =	vadd.f32 v49, v46  }
0xd5: {  	v51 =	vor.u32 $0x80000000, v51  }
0xd6: {  	(xrf0) =	vmax.scan.msk.u32 $0xffff, v51;
	[tilespmem:s29+$0xFFFFFC30] =	vst v49  }
0xd7: {  	v49 =	vld.idx.msk [tilespmem:v62+s10+$0x0], $0xffff;
	_ =	sdelay $0x2  }
0xd8: {  	v63 =	vadd.s32 v5, v48;
	_ =	sdelay $0x1  }
0xd9: {  	v51, _, _ =	vpop (xrf0);
	v49 =	vadd.f32 v49, v43  }
0xda: {  	(v2sf) =	vpush v51, $0xF  }
0xdb: {  	[tilespmem:s29+$0xFFFFFC80] =	vst v49  }
0xdc: {  	v49 =	vld.idx.msk [tilespmem:v63+s10+$0x0], $0xffff;
	_ =	sdelay $0x2  }
0xdd: {  	v54 =	vadd.s32 v6, v48;
	_ =	sdelay $0x1  }
0xde: {  	v49 =	vadd.f32 v49, v44;
	_ =	sdelay $0x1  }
0xdf: {  	[tilespmem:s29+$0xFFFFFC90] =	vst v49  }
0xe0: {  	v49 =	vld.idx.msk [tilespmem:v54+s10+$0x0], $0xffff;
	_ =	sdelay $0x1  }
0xe1: {  	v48 =	vadd.s32 $0x400, v48  }
0xe2: {  	v48 =	vor.u32 v3, v48;
	_ =	sdelay $0x1  }
0xe3: {  	s9 =	spop (v2sf);
	v49 =	vadd.f32 v49, v45  }
0xe4: {  	s1 =	sshll.u32 s9, $0x7  }
0xe5: {  	v55 =	vmov s1;
	[tilespmem:s29+$0xFFFFFCA0] =	vst v49  }
0xe6: {  	v49 =	vadd.s32 s0, v55;
	v48 =	vld.idx.msk [tilespmem:v48+s10+$0x0], $0xffff  }
0xe7: {  	v49 =	vbroadcast v49, $0x0;
	_ =	sdelay $0x1  }
0xe8: {  	v56 =	vadd.s32 v7, v49;
	_ =	sdelay $0x1  }
0xe9: {  	v57 =	vsel vm3, $0x0, v47;
	v48 =	vadd.f32 v48, v46  }
0xea: {  	v51 =	vor.u32 $0x80000000, v57  }
0xeb: {  	(xrf0) =	vmax.scan.msk.u32 $0xffff, v51;
	[tilespmem:s29+$0xFFFFFCB0] =	vst v48  }
0xec: {  	v48 =	vld.idx.msk [tilespmem:v56+s10+$0x0], $0xffff;
	_ =	sdelay $0x2  }
0xed: {  	v58 =	vadd.s32 v8, v49;
	_ =	sdelay $0x1  }
0xee: {  	v51, _, _ =	vpop (xrf0);
	v48 =	vadd.f32 v48, v43  }
0xef: {  	(v2sf) =	vpush v51, $0xF  }
0xf0: {  	[tilespmem:s29+$0xFFFFFD00] =	vst v48  }
0xf1: {  	v48 =	vld.idx.msk [tilespmem:v58+s10+$0x0], $0xffff;
	_ =	sdelay $0x2  }
0xf2: {  	v59 =	vadd.s32 v9, v49;
	_ =	sdelay $0x1  }
0xf3: {  	v48 =	vadd.f32 v48, v44;
	_ =	sdelay $0x1  }
0xf4: {  	[tilespmem:s29+$0xFFFFFD10] =	vst v48  }
0xf5: {  	v48 =	vld.idx.msk [tilespmem:v59+s10+$0x0], $0xffff;
	_ =	sdelay $0x1  }
0xf6: {  	v49 =	vadd.s32 $0x800, v49  }
0xf7: {  	v49 =	vor.u32 v3, v49;
	_ =	sdelay $0x1  }
0xf8: {  	s11 =	spop (v2sf);
	v48 =	vadd.f32 v48, v45  }
0xf9: {  	s1 =	sshll.u32 s11, $0x7  }
0xfa: {  	v60 =	vmov s1;
	[tilespmem:s29+$0xFFFFFD20] =	vst v48  }
0xfb: {  	v48 =	vadd.s32 s0, v60;
	v49 =	vld.idx.msk [tilespmem:v49+s10+$0x0], $0xffff  }
0xfc: {  	v48 =	vbroadcast v48, $0x0;
	_ =	sdelay $0x1  }
0xfd: {  	v61 =	vadd.s32 v10, v48;
	_ =	sdelay $0x1  }
0xfe: {  	v62 =	vsel vm4, $0x0, v47;
	v49 =	vadd.f32 v49, v46  }
0xff: {  	v51 =	vor.u32 $0x80000000, v62  }
0x100: {  	(xrf0) =	vmax.scan.msk.u32 $0xffff, v51;
	[tilespmem:s29+$0xFFFFFD30] =	vst v49  }
0x101: {  	v49 =	vld.idx.msk [tilespmem:v61+s10+$0x0], $0xffff;
	_ =	sdelay $0x2  }
0x102: {  	v63 =	vadd.s32 v11, v48;
	_ =	sdelay $0x1  }
0x103: {  	v51, _, _ =	vpop (xrf0);
	v49 =	vadd.f32 v49, v43  }
0x104: {  	(v2sf) =	vpush v51, $0xF  }
0x105: {  	[tilespmem:s29+$0xFFFFFD80] =	vst v49  }
0x106: {  	v49 =	vld.idx.msk [tilespmem:v63+s10+$0x0], $0xffff;
	_ =	sdelay $0x2  }
0x107: {  	v54 =	vadd.s32 v12, v48;
	_ =	sdelay $0x1  }
0x108: {  	v49 =	vadd.f32 v49, v44;
	_ =	sdelay $0x1  }
0x109: {  	[tilespmem:s29+$0xFFFFFD90] =	vst v49  }
0x10a: {  	v49 =	vld.idx.msk [tilespmem:v54+s10+$0x0], $0xffff;
	_ =	sdelay $0x1  }
0x10b: {  	v48 =	vadd.s32 $0xC00, v48  }
0x10c: {  	v48 =	vor.u32 v3, v48;
	_ =	sdelay $0x1  }
0x10d: {  	s2 =	spop (v2sf);
	v49 =	vadd.f32 v49, v45  }
0x10e: {  	s1 =	sshll.u32 s2, $0x7  }
0x10f: {  	v55 =	vmov s1;
	[tilespmem:s29+$0xFFFFFDA0] =	vst v49  }
0x110: {  	v49 =	vadd.s32 s0, v55;
	v48 =	vld.idx.msk [tilespmem:v48+s10+$0x0], $0xffff  }
0x111: {  	v49 =	vbroadcast v49, $0x0;
	_ =	sdelay $0x1  }
0x112: {  	v56 =	vadd.s32 v13, v49;
	_ =	sdelay $0x1  }
0x113: {  	v57 =	vsel vm5, $0x0, v47;
	v48 =	vadd.f32 v48, v46  }
0x114: {  	v51 =	vor.u32 $0x80000000, v57  }
0x115: {  	(xrf0) =	vmax.scan.msk.u32 $0xffff, v51;
	[tilespmem:s29+$0xFFFFFDB0] =	vst v48  }
0x116: {  	v48 =	vld.idx.msk [tilespmem:v56+s10+$0x0], $0xffff;
	_ =	sdelay $0x2  }
0x117: {  	v58 =	vadd.s32 v14, v49;
	_ =	sdelay $0x1  }
0x118: {  	v51, _, _ =	vpop (xrf0);
	v48 =	vadd.f32 v48, v43  }
0x119: {  	(v2sf) =	vpush v51, $0xF  }
0x11a: {  	[tilespmem:s29+$0xFFFFFE00] =	vst v48  }
0x11b: {  	v48 =	vld.idx.msk [tilespmem:v58+s10+$0x0], $0xffff;
	_ =	sdelay $0x2  }
0x11c: {  	v59 =	vadd.s32 v15, v49;
	_ =	sdelay $0x1  }
0x11d: {  	v48 =	vadd.f32 v48, v44;
	_ =	sdelay $0x1  }
0x11e: {  	[tilespmem:s29+$0xFFFFFE10] =	vst v48  }
0x11f: {  	v48 =	vld.idx.msk [tilespmem:v59+s10+$0x0], $0xffff;
	_ =	sdelay $0x1  }
0x120: {  	v49 =	vadd.s32 $0x1000, v49  }
0x121: {  	v49 =	vor.u32 v3, v49;
	_ =	sdelay $0x1  }
0x122: {  	s9 =	spop (v2sf);
	v48 =	vadd.f32 v48, v45  }
0x123: {  	s1 =	sshll.u32 s9, $0x7  }
0x124: {  	v60 =	vmov s1;
	[tilespmem:s29+$0xFFFFFE20] =	vst v48  }
0x125: {  	v48 =	vadd.s32 s0, v60;
	v49 =	vld.idx.msk [tilespmem:v49+s10+$0x0], $0xffff  }
0x126: {  	v48 =	vbroadcast v48, $0x0;
	_ =	sdelay $0x1  }
0x127: {  	v61 =	vadd.s32 v16, v48;
	_ =	sdelay $0x1  }
0x128: {  	v62 =	vsel vm6, $0x0, v47;
	v49 =	vadd.f32 v49, v46  }
0x129: {  	v51 =	vor.u32 $0x80000000, v62  }
0x12a: {  	(xrf0) =	vmax.scan.msk.u32 $0xffff, v51;
	[tilespmem:s29+$0xFFFFFE30] =	vst v49  }
0x12b: {  	v49 =	vld.idx.msk [tilespmem:v61+s10+$0x0], $0xffff;
	_ =	sdelay $0x2  }
0x12c: {  	v63 =	vadd.s32 v17, v48;
	_ =	sdelay $0x1  }
0x12d: {  	v51, _, _ =	vpop (xrf0);
	v49 =	vadd.f32 v49, v43  }
0x12e: {  	(v2sf) =	vpush v51, $0xF  }
0x12f: {  	[tilespmem:s29+$0xFFFFFE80] =	vst v49  }
0x130: {  	v49 =	vld.idx.msk [tilespmem:v63+s10+$0x0], $0xffff;
	_ =	sdelay $0x2  }
0x131: {  	v54 =	vadd.s32 v18, v48;
	_ =	sdelay $0x1  }
0x132: {  	v49 =	vadd.f32 v49, v44;
	_ =	sdelay $0x1  }
0x133: {  	[tilespmem:s29+$0xFFFFFE90] =	vst v49  }
0x134: {  	v49 =	vld.idx.msk [tilespmem:v54+s10+$0x0], $0xffff;
	_ =	sdelay $0x1  }
0x135: {  	v48 =	vadd.s32 $0x1400, v48  }
0x136: {  	v48 =	vor.u32 v3, v48;
	_ =	sdelay $0x1  }
0x137: {  	s11 =	spop (v2sf);
	v49 =	vadd.f32 v49, v45  }
0x138: {  	s1 =	sshll.u32 s11, $0x7  }
0x139: {  	v55 =	vmov s1;
	[tilespmem:s29+$0xFFFFFEA0] =	vst v49  }
0x13a: {  	v49 =	vadd.s32 s0, v55;
	v48 =	vld.idx.msk [tilespmem:v48+s10+$0x0], $0xffff  }
0x13b: {  	v49 =	vbroadcast v49, $0x0;
	_ =	sdelay $0x1  }
0x13c: {  	v56 =	vadd.s32 v19, v49;
	_ =	sdelay $0x1  }
0x13d: {  	v57 =	vsel vm7, $0x0, v47;
	v48 =	vadd.f32 v48, v46  }
0x13e: {  	v51 =	vor.u32 $0x80000000, v57  }
0x13f: {  	(xrf0) =	vmax.scan.msk.u32 $0xffff, v51;
	[tilespmem:s29+$0xFFFFFEB0] =	vst v48  }
0x140: {  	v48 =	vld.idx.msk [tilespmem:v56+s10+$0x0], $0xffff;
	_ =	sdelay $0x2  }
0x141: {  	v58 =	vadd.s32 v20, v49;
	_ =	sdelay $0x1  }
0x142: {  	v51, _, _ =	vpop (xrf0);
	v48 =	vadd.f32 v48, v43  }
0x143: {  	(v2sf) =	vpush v51, $0xF  }
0x144: {  	[tilespmem:s29+$0xFFFFFF00] =	vst v48  }
0x145: {  	v48 =	vld.idx.msk [tilespmem:v58+s10+$0x0], $0xffff;
	_ =	sdelay $0x2  }
0x146: {  	v59 =	vadd.s32 v21, v49;
	_ =	sdelay $0x1  }
0x147: {  	v48 =	vadd.f32 v48, v44;
	_ =	sdelay $0x1  }
0x148: {  	[tilespmem:s29+$0xFFFFFF10] =	vst v48  }
0x149: {  	v48 =	vld.idx.msk [tilespmem:v59+s10+$0x0], $0xffff;
	_ =	sdelay $0x1  }
0x14a: {  	v49 =	vadd.s32 $0x1800, v49  }
0x14b: {  	v49 =	vor.u32 v3, v49;
	_ =	sdelay $0x1  }
0x14c: {  	s2 =	spop (v2sf);
	v48 =	vadd.f32 v48, v45  }
0x14d: {  	s1 =	sshll.u32 s2, $0x7  }
0x14e: {  	v60 =	vmov s1;
	[tilespmem:s29+$0xFFFFFF20] =	vst v48  }
0x14f: {  	v48 =	vadd.s32 s0, v60;
	v49 =	vld.idx.msk [tilespmem:v49+s10+$0x0], $0xffff  }
0x150: {  	v48 =	vbroadcast v48, $0x0;
	_ =	sdelay $0x1  }
0x151: {  	v61 =	vadd.s32 v22, v48;
	_ =	sdelay $0x1  }
0x152: {  	v62 =	vsel vm8, $0x0, v47;
	v49 =	vadd.f32 v49, v46  }
0x153: {  	v51 =	vor.u32 $0x80000000, v62  }
0x154: {  	(xrf0) =	vmax.scan.msk.u32 $0xffff, v51;
	[tilespmem:s29+$0xFFFFFF30] =	vst v49  }
0x155: {  	v49 =	vld.idx.msk [tilespmem:v61+s10+$0x0], $0xffff;
	_ =	sdelay $0x2  }
0x156: {  	v63 =	vadd.s32 v23, v48;
	_ =	sdelay $0x1  }
0x157: {  	v51, _, _ =	vpop (xrf0);
	v49 =	vadd.f32 v49, v43  }
0x158: {  	(v2sf) =	vpush v51, $0xF  }
0x159: {  	[tilespmem:s29+$0xFFFFFF80] =	vst v49  }
0x15a: {  	v49 =	vld.idx.msk [tilespmem:v63+s10+$0x0], $0xffff;
	_ =	sdelay $0x2  }
0x15b: {  	v54 =	vadd.s32 v24, v48;
	_ =	sdelay $0x1  }
0x15c: {  	v49 =	vadd.f32 v49, v44;
	_ =	sdelay $0x1  }
0x15d: {  	[tilespmem:s29+$0xFFFFFF90] =	vst v49  }
0x15e: {  	v49 =	vld.idx.msk [tilespmem:v54+s10+$0x0], $0xffff;
	_ =	sdelay $0x1  }
0x15f: {  	v48 =	vadd.s32 $0x1C00, v48  }
0x160: {  	v48 =	vor.u32 v3, v48;
	_ =	sdelay $0x1  }
0x161: {  	s9 =	spop (v2sf);
	v49 =	vadd.f32 v49, v45  }
0x162: {  	s1 =	sshll.u32 s9, $0x7  }
0x163: {  	v55 =	vmov s1;
	[tilespmem:s29+$0xFFFFFFA0] =	vst v49  }
0x164: {  	v49 =	vadd.s32 s0, v55;
	v48 =	vld.idx.msk [tilespmem:v48+s10+$0x0], $0xffff  }
0x165: {  	v49 =	vbroadcast v49, $0x0;
	_ =	sdelay $0x1  }
0x166: {  	v56 =	vadd.s32 v25, v49;
	_ =	sdelay $0x1  }
0x167: {  	v57 =	vsel vm9, $0x0, v47;
	v48 =	vadd.f32 v48, v46  }
0x168: {  	v51 =	vor.u32 $0x80000000, v57  }
0x169: {  	(xrf0) =	vmax.scan.msk.u32 $0xffff, v51;
	[tilespmem:s29+$0xFFFFFFB0] =	vst v48  }
0x16a: {  	v48 =	vld.idx.msk [tilespmem:v56+s10+$0x0], $0xffff;
	_ =	sdelay $0x2  }
0x16b: {  	v58 =	vadd.s32 v26, v49;
	_ =	sdelay $0x1  }
0x16c: {  	v51, _, _ =	vpop (xrf0);
	v48 =	vadd.f32 v48, v43  }
0x16d: {  	(v2sf) =	vpush v51, $0xF  }
0x16e: {  	[tilespmem:s29+$0x0] =	vst v48  }
0x16f: {  	v48 =	vld.idx.msk [tilespmem:v58+s10+$0x0], $0xffff;
	_ =	sdelay $0x2  }
0x170: {  	v59 =	vadd.s32 v27, v49;
	_ =	sdelay $0x1  }
0x171: {  	v48 =	vadd.f32 v48, v44;
	_ =	sdelay $0x1  }
0x172: {  	[tilespmem:s29+$0x10] =	vst v48  }
0x173: {  	v48 =	vld.idx.msk [tilespmem:v59+s10+$0x0], $0xffff;
	_ =	sdelay $0x1  }
0x174: {  	v49 =	vadd.s32 $0x2000, v49  }
0x175: {  	v49 =	vor.u32 v3, v49;
	_ =	sdelay $0x1  }
0x176: {  	s11 =	spop (v2sf);
	v48 =	vadd.f32 v48, v45  }
0x177: {  	s1 =	sshll.u32 s11, $0x7  }
0x178: {  	v60 =	vmov s1;
	[tilespmem:s29+$0x20] =	vst v48  }
0x179: {  	v48 =	vadd.s32 s0, v60;
	v49 =	vld.idx.msk [tilespmem:v49+s10+$0x0], $0xffff  }
0x17a: {  	v48 =	vbroadcast v48, $0x0;
	_ =	sdelay $0x1  }
0x17b: {  	v61 =	vadd.s32 v28, v48;
	_ =	sdelay $0x1  }
0x17c: {  	v62 =	vsel vm10, $0x0, v47;
	v49 =	vadd.f32 v49, v46  }
0x17d: {  	v51 =	vor.u32 $0x80000000, v62  }
0x17e: {  	(xrf0) =	vmax.scan.msk.u32 $0xffff, v51;
	[tilespmem:s29+$0x30] =	vst v49  }
0x17f: {  	v49 =	vld.idx.msk [tilespmem:v61+s10+$0x0], $0xffff;
	_ =	sdelay $0x2  }
0x180: {  	v63 =	vadd.s32 v29, v48;
	_ =	sdelay $0x1  }
0x181: {  	v51, _, _ =	vpop (xrf0);
	v49 =	vadd.f32 v49, v43  }
0x182: {  	(v2sf) =	vpush v51, $0xF  }
0x183: {  	[tilespmem:s29+$0x80] =	vst v49  }
0x184: {  	v49 =	vld.idx.msk [tilespmem:v63+s10+$0x0], $0xffff;
	_ =	sdelay $0x2  }
0x185: {  	v54 =	vadd.s32 v30, v48;
	_ =	sdelay $0x1  }
0x186: {  	v49 =	vadd.f32 v49, v44;
	_ =	sdelay $0x1  }
0x187: {  	[tilespmem:s29+$0x90] =	vst v49  }
0x188: {  	v49 =	vld.idx.msk [tilespmem:v54+s10+$0x0], $0xffff;
	_ =	sdelay $0x1  }
0x189: {  	v48 =	vadd.s32 $0x2400, v48  }
0x18a: {  	v48 =	vor.u32 v3, v48;
	_ =	sdelay $0x1  }
0x18b: {  	s2 =	spop (v2sf);
	v49 =	vadd.f32 v49, v45  }
0x18c: {  	s1 =	sshll.u32 s2, $0x7  }
0x18d: {  	v55 =	vmov s1;
	[tilespmem:s29+$0xA0] =	vst v49  }
0x18e: {  	v49 =	vadd.s32 s0, v55;
	v48 =	vld.idx.msk [tilespmem:v48+s10+$0x0], $0xffff  }
0x18f: {  	v49 =	vbroadcast v49, $0x0;
	_ =	sdelay $0x1  }
0x190: {  	v56 =	vadd.s32 v31, v49;
	_ =	sdelay $0x1  }
0x191: {  	v57 =	vsel vm11, $0x0, v47;
	v48 =	vadd.f32 v48, v46  }
0x192: {  	v51 =	vor.u32 $0x80000000, v57  }
0x193: {  	(xrf0) =	vmax.scan.msk.u32 $0xffff, v51;
	[tilespmem:s29+$0xB0] =	vst v48  }
0x194: {  	v48 =	vld.idx.msk [tilespmem:v56+s10+$0x0], $0xffff;
	_ =	sdelay $0x2  }
0x195: {  	v58 =	vadd.s32 v32, v49;
	_ =	sdelay $0x1  }
0x196: {  	v51, _, _ =	vpop (xrf0);
	v48 =	vadd.f32 v48, v43  }
0x197: {  	(v2sf) =	vpush v51, $0xF  }
0x198: {  	[tilespmem:s29+$0x100] =	vst v48  }
0x199: {  	v48 =	vld.idx.msk [tilespmem:v58+s10+$0x0], $0xffff;
	_ =	sdelay $0x2  }
0x19a: {  	v59 =	vadd.s32 v33, v49;
	_ =	sdelay $0x1  }
0x19b: {  	v48 =	vadd.f32 v48, v44;
	_ =	sdelay $0x1  }
0x19c: {  	[tilespmem:s29+$0x110] =	vst v48  }
0x19d: {  	v48 =	vld.idx.msk [tilespmem:v59+s10+$0x0], $0xffff;
	_ =	sdelay $0x1  }
0x19e: {  	v49 =	vadd.s32 $0x2800, v49  }
0x19f: {  	v49 =	vor.u32 v3, v49;
	_ =	sdelay $0x1  }
0x1a0: {  	s9 =	spop (v2sf);
	v48 =	vadd.f32 v48, v45  }
0x1a1: {  	s1 =	sshll.u32 s9, $0x7  }
0x1a2: {  	v60 =	vmov s1;
	[tilespmem:s29+$0x120] =	vst v48  }
0x1a3: {  	v48 =	vadd.s32 s0, v60;
	v49 =	vld.idx.msk [tilespmem:v49+s10+$0x0], $0xffff  }
0x1a4: {  	v48 =	vbroadcast v48, $0x0;
	_ =	sdelay $0x1  }
0x1a5: {  	v61 =	vadd.s32 v34, v48;
	_ =	sdelay $0x1  }
0x1a6: {  	v62 =	vsel vm12, $0x0, v47;
	v49 =	vadd.f32 v49, v46  }
0x1a7: {  	v51 =	vor.u32 $0x80000000, v62  }
0x1a8: {  	(xrf0) =	vmax.scan.msk.u32 $0xffff, v51;
	[tilespmem:s29+$0x130] =	vst v49  }
0x1a9: {  	v49 =	vld.idx.msk [tilespmem:v61+s10+$0x0], $0xffff;
	_ =	sdelay $0x2  }
0x1aa: {  	v63 =	vadd.s32 v35, v48;
	_ =	sdelay $0x1  }
0x1ab: {  	v51, _, _ =	vpop (xrf0);
	v49 =	vadd.f32 v49, v43  }
0x1ac: {  	(v2sf) =	vpush v51, $0xF  }
0x1ad: {  	[tilespmem:s29+$0x180] =	vst v49  }
0x1ae: {  	v49 =	vld.idx.msk [tilespmem:v63+s10+$0x0], $0xffff;
	_ =	sdelay $0x2  }
0x1af: {  	v54 =	vadd.s32 v36, v48;
	_ =	sdelay $0x1  }
0x1b0: {  	v49 =	vadd.f32 v49, v44;
	_ =	sdelay $0x1  }
0x1b1: {  	[tilespmem:s29+$0x190] =	vst v49  }
0x1b2: {  	v49 =	vld.idx.msk [tilespmem:v54+s10+$0x0], $0xffff;
	_ =	sdelay $0x1  }
0x1b3: {  	v48 =	vadd.s32 $0x2C00, v48  }
0x1b4: {  	v48 =	vor.u32 v3, v48;
	_ =	sdelay $0x1  }
0x1b5: {  	s11 =	spop (v2sf);
	v49 =	vadd.f32 v49, v45  }
0x1b6: {  	s1 =	sshll.u32 s11, $0x7  }
0x1b7: {  	v55 =	vmov s1;
	[tilespmem:s29+$0x1A0] =	vst v49  }
0x1b8: {  	v49 =	vadd.s32 s0, v55;
	v48 =	vld.idx.msk [tilespmem:v48+s10+$0x0], $0xffff  }
0x1b9: {  	v49 =	vbroadcast v49, $0x0;
	_ =	sdelay $0x1  }
0x1ba: {  	v56 =	vadd.s32 v37, v49;
	_ =	sdelay $0x1  }
0x1bb: {  	v57 =	vsel vm13, $0x0, v47;
	v48 =	vadd.f32 v48, v46  }
0x1bc: {  	v51 =	vor.u32 $0x80000000, v57  }
0x1bd: {  	(xrf0) =	vmax.scan.msk.u32 $0xffff, v51;
	[tilespmem:s29+$0x1B0] =	vst v48  }
0x1be: {  	v48 =	vld.idx.msk [tilespmem:v56+s10+$0x0], $0xffff;
	_ =	sdelay $0x2  }
0x1bf: {  	v58 =	vadd.s32 v38, v49;
	_ =	sdelay $0x1  }
0x1c0: {  	v51, _, _ =	vpop (xrf0);
	v48 =	vadd.f32 v48, v43  }
0x1c1: {  	(v2sf) =	vpush v51, $0xF  }
0x1c2: {  	[tilespmem:s29+$0x200] =	vst v48  }
0x1c3: {  	v48 =	vld.idx.msk [tilespmem:v58+s10+$0x0], $0xffff;
	_ =	sdelay $0x2  }
0x1c4: {  	v59 =	vadd.s32 v39, v49;
	_ =	sdelay $0x1  }
0x1c5: {  	v48 =	vadd.f32 v48, v44;
	_ =	sdelay $0x1  }
0x1c6: {  	[tilespmem:s29+$0x210] =	vst v48  }
0x1c7: {  	v48 =	vld.idx.msk [tilespmem:v59+s10+$0x0], $0xffff;
	_ =	sdelay $0x1  }
0x1c8: {  	v49 =	vadd.s32 $0x3000, v49  }
0x1c9: {  	v49 =	vor.u32 v3, v49;
	_ =	sdelay $0x1  }
0x1ca: {  	s2 =	spop (v2sf);
	v48 =	vadd.f32 v48, v45  }
0x1cb: {  	s1 =	sshll.u32 s2, $0x7  }
0x1cc: {  	v60 =	vmov s1;
	[tilespmem:s29+$0x220] =	vst v48  }
0x1cd: {  	v48 =	vadd.s32 s0, v60;
	v49 =	vld.idx.msk [tilespmem:v49+s10+$0x0], $0xffff  }
0x1ce: {  	v48 =	vbroadcast v48, $0x0;
	_ =	sdelay $0x1  }
0x1cf: {  	v61 =	vadd.s32 v40, v48;
	_ =	sdelay $0x1  }
0x1d0: {  	v62 =	vsel vm14, $0x0, v47;
	v49 =	vadd.f32 v49, v46  }
0x1d1: {  	v51 =	vor.u32 $0x80000000, v62  }
0x1d2: {  	(xrf0) =	vmax.scan.msk.u32 $0xffff, v51;
	[tilespmem:s29+$0x230] =	vst v49  }
0x1d3: {  	v49 =	vld.idx.msk [tilespmem:v61+s10+$0x0], $0xffff;
	_ =	sdelay $0x2  }
0x1d4: {  	v63 =	vadd.s32 v41, v48;
	_ =	sdelay $0x1  }
0x1d5: {  	v51, _, _ =	vpop (xrf0);
	v49 =	vadd.f32 v49, v43  }
0x1d6: {  	(v2sf) =	vpush v51, $0xF  }
0x1d7: {  	[tilespmem:s29+$0x280] =	vst v49  }
0x1d8: {  	v49 =	vld.idx.msk [tilespmem:v63+s10+$0x0], $0xffff;
	_ =	sdelay $0x2  }
0x1d9: {  	v52 =	vadd.s32 v42, v48;
	_ =	sdelay $0x1  }
0x1da: {  	v49 =	vadd.f32 v49, v44;
	_ =	sdelay $0x1  }
0x1db: {  	[tilespmem:s29+$0x290] =	vst v49  }
0x1dc: {  	v49 =	vld.idx.msk [tilespmem:v52+s10+$0x0], $0xffff;
	_ =	sdelay $0x1  }
0x1dd: {  	v48 =	vadd.s32 $0x3400, v48  }
0x1de: {  	v48 =	vor.u32 v3, v48;
	_ =	sdelay $0x1  }
0x1df: {  	s9 =	spop (v2sf);
	v49 =	vadd.f32 v49, v45  }
0x1e0: {  	s1 =	sshll.u32 s9, $0x7  }
0x1e1: {  	v53 =	vmov s1;
	[tilespmem:s29+$0x2A0] =	vst v49  }
0x1e2: {  	v49 =	vadd.s32 s0, v53;
	v48 =	vld.idx.msk [tilespmem:v48+s10+$0x0], $0xffff  }
0x1e3: {  	v49 =	vbroadcast v49, $0x0  }
0x1e4: {  	v54 =	vor.u32 $0x3800, v0  }
0x1e5: {  	v50 =	vadd.s32 v54, v49;
	_ =	sdelay $0x1  }
0x1e6: {  	v47 =	vsel vm15, $0x0, v47;
	v48 =	vadd.f32 v48, v46  }
0x1e7: {  	v47 =	vor.u32 $0x80000000, v47  }
0x1e8: {  	(xrf0) =	vmax.scan.msk.u32 $0xffff, v47;
	[tilespmem:s29+$0x2B0] =	vst v48  }
0x1e9: {  	v55 =	vld.idx.msk [tilespmem:v50+s10+$0x0], $0xffff;
	_ =	sdelay $0x1  }
0x1ea: {  	v56 =	vor.u32 $0x3810, v0  }
0x1eb: {  	v48 =	vadd.s32 v56, v49;
	_ =	sdelay $0x1  }
0x1ec: {  	v57, _, _ =	vpop (xrf0);
	v47 =	vadd.f32 v55, v43  }
0x1ed: {  	(v2sf) =	vpush v57, $0xF  }
0x1ee: {  	[tilespmem:s29+$0x300] =	vst v47  }
0x1ef: {  	v47 =	vld.idx.msk [tilespmem:v48+s10+$0x0], $0xffff;
	_ =	sdelay $0x1  }
0x1f0: {  	v58 =	vor.u32 $0x3820, v0  }
0x1f1: {  	v48 =	vadd.s32 v58, v49;
	_ =	sdelay $0x1  }
0x1f2: {  	v47 =	vadd.f32 v47, v44;
	_ =	sdelay $0x1  }
0x1f3: {  	[tilespmem:s29+$0x310] =	vst v47  }
0x1f4: {  	v47 =	vld.idx.msk [tilespmem:v48+s10+$0x0], $0xffff;
	_ =	sdelay $0x1  }
0x1f5: {  	v59 =	vadd.s32 $0x3800, v49  }
0x1f6: {  	v48 =	vor.u32 v3, v59;
	_ =	sdelay $0x1  }
0x1f7: {  	s11 =	spop (v2sf);
	v47 =	vadd.f32 v47, v45  }
0x1f8: {  	s1 =	sshll.u32 s11, $0x7  }
0x1f9: {  	v60 =	vmov s1;
	[tilespmem:s29+$0x320] =	vst v47  }
0x1fa: {  	v47 =	vadd.s32 s0, v60;
	v48 =	vld.idx.msk [tilespmem:v48+s10+$0x0], $0xffff  }
0x1fb: {  	v47 =	vbroadcast v47, $0x0  }
0x1fc: {  	v61 =	vor.u32 $0x3C00, v0  }
0x1fd: {  	v49 =	vadd.s32 v61, v47;
	_ =	sdelay $0x1  }
0x1fe: {  	v48 =	vadd.f32 v48, v46;
	_ =	sdelay $0x1  }
0x1ff: {  	[tilespmem:s29+$0x330] =	vst v48  }
0x200: {  	v48 =	vld.idx.msk [tilespmem:v49+s10+$0x0], $0xffff;
	_ =	sdelay $0x1  }
0x201: {  	v62 =	vor.u32 $0x3C10, v0  }
0x202: {  	v49 =	vadd.s32 v62, v47;
	_ =	sdelay $0x1  }
0x203: {  	v48 =	vadd.f32 v48, v43;
	_ =	sdelay $0x1  }
0x204: {  	[tilespmem:s29+$0x380] =	vst v48  }
0x205: {  	v48 =	vld.idx.msk [tilespmem:v49+s10+$0x0], $0xffff;
	_ =	sdelay $0x1  }
0x206: {  	v63 =	vor.u32 $0x3C20, v0  }
0x207: {  	v49 =	vadd.s32 v63, v47;
	_ =	sdelay $0x1  }
0x208: {  	v48 =	vadd.f32 v48, v44;
	_ =	sdelay $0x1  }
0x209: {  	[tilespmem:s29+$0x390] =	vst v48  }
0x20a: {  	v48 =	vld.idx.msk [tilespmem:v49+s10+$0x0], $0xffff;
	_ =	sdelay $0x1  }
0x20b: {  	v47 =	vadd.s32 $0x3C00, v47  }
0x20c: {  	v47 =	vor.u32 v3, v47;
	_ =	sdelay $0x1  }
0x20d: {  	v48 =	vadd.f32 v48, v45;
	_ =	sdelay $0x1  }
0x20e: {  	[tilespmem:s29+$0x3A0] =	vst v48  }
0x20f: {  	v47 =	vld.idx.msk [tilespmem:v47+s10+$0x0], $0xffff;
	_ =	sdelay $0x1  }
0x210: {  	p0 =	sne.s32 s31, $0x20  }
.Ltmp3:
0x211: {  	_ = 	snop;
	(pc) =	sbr.rel @!p0 .LBB2_5-.Ltmp3, $3  }
0x212: {  	_ = 	snop  }
0x213: {  	v47 =	vadd.f32 v47, v46;
	_ =	sdelay $0x1  }
0x214: {  	s30 =	sadd.s32 $0x10, s30;
	s0 =	smov.u32 s31;
	[tilespmem:s29+$0x3B0] =	vst v47;
	s29 =	sadd.s32 $0x800, s29  }
.LBB2_2:
0x215: {  	p0 =	seq.s32 s0, $0x1F  }
.Ltmp4:
0x216: {  	_ = 	snop;
	(pc) =	sbr.rel @p0 .LBB2_4-.Ltmp4, $2  }
0x217: {  	_ =	sdelay $0x2  }
0x218: {  	s31 =	sadd.s32 $0x1, s0  }
0x219: {  	v47 =	vld [tilespmem:s30+$0x0];
	_ =	sdelay $0x4  }
0x21a: {  	v47 =	vand.u32 $0xFFFFFFF8, v47  }
0x21b: {  	v48 =	vnsel vm0, $0x0, v47  }
0x21c: {  	v48 =	vxor.u32 $0x80000000, v48  }
0x21d: {  	(xrf0) =	vmax.scan.msk.u32 $0xffff, v48;
	_ =	sdelay $0x2  }
0x21e: {  	v58 =	vsel vm1, $0x0, v47  }
0x21f: {  	v48 =	vxor.u32 $0x80000000, v58  }
0x220: {  	(xrf0) =	vmax.scan.msk.u32 $0xffff, v48  }
0x221: {  	v59, _, _ =	vpop (xrf0)  }
0x222: {  	(v2sf) =	vpush v59, $0xF  }
0x223: {  	v60 =	vsel vm2, $0x0, v47  }
0x224: {  	v48 =	vxor.u32 $0x80000000, v60  }
0x225: {  	(xrf0) =	vmax.scan.msk.u32 $0xffff, v48  }
0x226: {  	v61, _, _ =	vpop (xrf0)  }
0x227: {  	(v2sf) =	vpush v61, $0xF  }
0x228: {  	v62 =	vsel vm3, $0x0, v47  }
0x229: {  	v48 =	vxor.u32 $0x80000000, v62  }
0x22a: {  	(xrf0) =	vmax.scan.msk.u32 $0xffff, v48  }
0x22b: {  	v63, _, _ =	vpop (xrf0)  }
0x22c: {  	(v2sf) =	vpush v63, $0xF  }
0x22d: {  	v52 =	vsel vm4, $0x0, v47  }
0x22e: {  	v48 =	vxor.u32 $0x80000000, v52  }
0x22f: {  	(xrf0) =	vmax.scan.msk.u32 $0xffff, v48  }
0x230: {  	v53, _, _ =	vpop (xrf0)  }
0x231: {  	s1 =	spop (v2sf);
	(v2sf) =	vpush v53, $0xF  }
0x232: {  	s9 =	sand.u32 $0x1, s31;
	v54 =	vsel vm5, $0x0, v47;
	s1 =	sshll.u32 s1, $0x4  }
0x233: {  	s2 =	sshll.u32 s9, $0xE;
	v48 =	vxor.u32 $0x80000000, v54;
	s11 =	sand.u32 $0x1FFFFF80, s1  }
0x234: {  	(xrf0) =	vmax.scan.msk.u32 $0xffff, v48;
	s1 =	sadd.s32 $0x1, s9;
	s9 =	sor.u32 $0x200, s2;
	s11 =	sadd.s32 s4, s11  }
0x235: {  	v55, _, _ =	vpop (xrf0);
	[tilespmem:s9], [sflag:s1] =	stream.linear.gather [hbm4b:s11+s3], $0x400, $0x38;
	[tilespmem:$0x18280] =	vst v63  }
0x236: {  	s11 =	spop (v2sf);
	(v2sf) =	vpush v55, $0xF  }
0x237: {  	v56 =	vsel vm6, $0x0, v47;
	s9 =	sshll.u32 s11, $0x4  }
0x238: {  	v48 =	vxor.u32 $0x80000000, v56;
	s9 =	sand.u32 $0x1FFFFF80, s9  }
0x239: {  	(xrf0) =	vmax.scan.msk.u32 $0xffff, v48;
	s11 =	sor.u32 $0x600, s2;
	s9 =	sadd.s32 s4, s9  }
0x23a: {  	v57, _, _ =	vpop (xrf0);
	[tilespmem:s11], [sflag:s1] =	stream.linear.gather [hbm4b:s9+s3], $0x400, $0x38;
	[tilespmem:$0x18280] =	vst v63  }
0x23b: {  	s11 =	spop (v2sf);
	(v2sf) =	vpush v57, $0xF  }
0x23c: {  	v58 =	vsel vm7, $0x0, v47;
	s9 =	sshll.u32 s11, $0x4  }
0x23d: {  	v48 =	vxor.u32 $0x80000000, v58;
	s9 =	sand.u32 $0x1FFFFF80, s9  }
0x23e: {  	(xrf0) =	vmax.scan.msk.u32 $0xffff, v48;
	s11 =	sor.u32 $0xA00, s2;
	s9 =	sadd.s32 s4, s9  }
0x23f: {  	v59, _, _ =	vpop (xrf0);
	[tilespmem:s11], [sflag:s1] =	stream.linear.gather [hbm4b:s9+s3], $0x400, $0x38;
	[tilespmem:$0x18280] =	vst v63  }
0x240: {  	s11 =	spop (v2sf);
	(v2sf) =	vpush v59, $0xF  }
0x241: {  	v60 =	vsel vm8, $0x0, v47;
	s9 =	sshll.u32 s11, $0x4  }
0x242: {  	v48 =	vxor.u32 $0x80000000, v60;
	s9 =	sand.u32 $0x1FFFFF80, s9  }
0x243: {  	(xrf0) =	vmax.scan.msk.u32 $0xffff, v48;
	s11 =	sor.u32 $0xE00, s2;
	s9 =	sadd.s32 s4, s9  }
0x244: {  	v61, _, _ =	vpop (xrf0);
	[tilespmem:s11], [sflag:s1] =	stream.linear.gather [hbm4b:s9+s3], $0x400, $0x38;
	[tilespmem:$0x18280] =	vst v63  }
0x245: {  	s11 =	spop (v2sf);
	(v2sf) =	vpush v61, $0xF  }
0x246: {  	v62 =	vsel vm9, $0x0, v47;
	s9 =	sshll.u32 s11, $0x4  }
0x247: {  	v48 =	vxor.u32 $0x80000000, v62;
	s9 =	sand.u32 $0x1FFFFF80, s9  }
0x248: {  	(xrf0) =	vmax.scan.msk.u32 $0xffff, v48;
	s11 =	sor.u32 $0x1200, s2;
	s9 =	sadd.s32 s4, s9  }
0x249: {  	v63, _, _ =	vpop (xrf0);
	[tilespmem:s11], [sflag:s1] =	stream.linear.gather [hbm4b:s9+s3], $0x400, $0x38;
	[tilespmem:$0x18280] =	vst v63  }
0x24a: {  	s11 =	spop (v2sf);
	(v2sf) =	vpush v63, $0xF  }
0x24b: {  	v52 =	vsel vm10, $0x0, v47;
	s9 =	sshll.u32 s11, $0x4  }
0x24c: {  	v48 =	vxor.u32 $0x80000000, v52;
	s9 =	sand.u32 $0x1FFFFF80, s9  }
0x24d: {  	(xrf0) =	vmax.scan.msk.u32 $0xffff, v48;
	s11 =	sor.u32 $0x1600, s2;
	s9 =	sadd.s32 s4, s9  }
0x24e: {  	v53, _, _ =	vpop (xrf0);
	[tilespmem:s11], [sflag:s1] =	stream.linear.gather [hbm4b:s9+s3], $0x400, $0x38;
	[tilespmem:$0x18280] =	vst v63  }
0x24f: {  	s11 =	spop (v2sf);
	(v2sf) =	vpush v53, $0xF  }
0x250: {  	v54 =	vsel vm11, $0x0, v47;
	s9 =	sshll.u32 s11, $0x4  }
0x251: {  	v48 =	vxor.u32 $0x80000000, v54;
	s9 =	sand.u32 $0x1FFFFF80, s9  }
0x252: {  	(xrf0) =	vmax.scan.msk.u32 $0xffff, v48;
	s11 =	sor.u32 $0x1A00, s2;
	s9 =	sadd.s32 s4, s9  }
0x253: {  	v55, _, _ =	vpop (xrf0);
	[tilespmem:s11], [sflag:s1] =	stream.linear.gather [hbm4b:s9+s3], $0x400, $0x38;
	[tilespmem:$0x18280] =	vst v63  }
0x254: {  	s11 =	spop (v2sf);
	(v2sf) =	vpush v55, $0xF  }
0x255: {  	v56 =	vsel vm12, $0x0, v47;
	s9 =	sshll.u32 s11, $0x4  }
0x256: {  	v48 =	vxor.u32 $0x80000000, v56;
	s9 =	sand.u32 $0x1FFFFF80, s9  }
0x257: {  	(xrf0) =	vmax.scan.msk.u32 $0xffff, v48;
	s11 =	sor.u32 $0x1E00, s2;
	s9 =	sadd.s32 s4, s9  }
0x258: {  	v57, _, _ =	vpop (xrf0);
	[tilespmem:s11], [sflag:s1] =	stream.linear.gather [hbm4b:s9+s3], $0x400, $0x38;
	[tilespmem:$0x18280] =	vst v63  }
0x259: {  	s11 =	spop (v2sf);
	(v2sf) =	vpush v57, $0xF  }
0x25a: {  	v58 =	vsel vm13, $0x0, v47;
	s9 =	sshll.u32 s11, $0x4  }
0x25b: {  	v48 =	vxor.u32 $0x80000000, v58;
	s9 =	sand.u32 $0x1FFFFF80, s9  }
0x25c: {  	(xrf0) =	vmax.scan.msk.u32 $0xffff, v48;
	s11 =	sor.u32 $0x2200, s2;
	s9 =	sadd.s32 s4, s9  }
0x25d: {  	v59, _, _ =	vpop (xrf0);
	[tilespmem:s11], [sflag:s1] =	stream.linear.gather [hbm4b:s9+s3], $0x400, $0x38;
	[tilespmem:$0x18280] =	vst v63  }
0x25e: {  	s11 =	spop (v2sf);
	(v2sf) =	vpush v59, $0xF  }
0x25f: {  	v60 =	vsel vm14, $0x0, v47;
	s9 =	sshll.u32 s11, $0x4  }
0x260: {  	v48 =	vxor.u32 $0x80000000, v60;
	s9 =	sand.u32 $0x1FFFFF80, s9  }
0x261: {  	(xrf0) =	vmax.scan.msk.u32 $0xffff, v48;
	s11 =	sor.u32 $0x2600, s2;
	s9 =	sadd.s32 s4, s9  }
0x262: {  	v61, _, _ =	vpop (xrf0);
	[tilespmem:s11], [sflag:s1] =	stream.linear.gather [hbm4b:s9+s3], $0x400, $0x38;
	[tilespmem:$0x18280] =	vst v63  }
0x263: {  	s11 =	spop (v2sf);
	(v2sf) =	vpush v61, $0xF  }
0x264: {  	v47 =	vsel vm15, $0x0, v47;
	s9 =	sshll.u32 s11, $0x4  }
0x265: {  	v47 =	vxor.u32 $0x80000000, v47;
	s9 =	sand.u32 $0x1FFFFF80, s9  }
0x266: {  	(xrf0) =	vmax.scan.msk.u32 $0xffff, v47;
	s11 =	sor.u32 $0x2A00, s2;
	s9 =	sadd.s32 s4, s9  }
0x267: {  	v62, _, _ =	vpop (xrf0);
	[tilespmem:s11], [sflag:s1] =	stream.linear.gather [hbm4b:s9+s3], $0x400, $0x38;
	[tilespmem:$0x18280] =	vst v63  }
0x268: {  	s11 =	spop (v2sf);
	(v2sf) =	vpush v62, $0xF  }
0x269: {  	s9 =	sshll.u32 s11, $0x4  }
0x26a: {  	s9 =	sand.u32 $0x1FFFFF80, s9  }
0x26b: {  	s11 =	sor.u32 $0x2E00, s2;
	s9 =	sadd.s32 s4, s9  }
0x26c: {  	v63, _, _ =	vpop (xrf0);
	[tilespmem:s11], [sflag:s1] =	stream.linear.gather [hbm4b:s9+s3], $0x400, $0x38;
	[tilespmem:$0x18280] =	vst v63  }
0x26d: {  	s11 =	spop (v2sf);
	(v2sf) =	vpush v63, $0xF  }
0x26e: {  	s9 =	sshll.u32 s11, $0x4  }
0x26f: {  	s9 =	sand.u32 $0x1FFFFF80, s9  }
0x270: {  	s11 =	sor.u32 $0x3200, s2;
	s9 =	sadd.s32 s4, s9  }
0x271: {  	[tilespmem:s11], [sflag:s1] =	stream.linear.gather [hbm4b:s9+s3], $0x400, $0x38;
	[tilespmem:$0x18280] =	vst v63  }
0x272: {  	s11 =	spop (v2sf)  }
0x273: {  	s9 =	sshll.u32 s11, $0x4  }
0x274: {  	s9 =	sand.u32 $0x1FFFFF80, s9  }
0x275: {  	s11 =	sor.u32 $0x3600, s2;
	s9 =	sadd.s32 s4, s9  }
0x276: {  	[tilespmem:s11], [sflag:s1] =	stream.linear.gather [hbm4b:s9+s3], $0x400, $0x38;
	[tilespmem:$0x18280] =	vst v63  }
0x277: {  	s11 =	spop (v2sf)  }
0x278: {  	s9 =	sshll.u32 s11, $0x4  }
0x279: {  	s9 =	sand.u32 $0x1FFFFF80, s9  }
0x27a: {  	s11 =	sor.u32 $0x3A00, s2;
	s9 =	sadd.s32 s4, s9  }
0x27b: {  	[tilespmem:s11], [sflag:s1] =	stream.linear.gather [hbm4b:s9+s3], $0x400, $0x38;
	[tilespmem:$0x18280] =	vst v63  }
.Ltmp5:
0x27c: {  	s11 =	spop (v2sf);
	(pc) =	sbr.rel .LBB2_4-.Ltmp5, $4  }
0x27d: {  	s9 =	sshll.u32 s11, $0x4  }
0x27e: {  	s9 =	sand.u32 $0x1FFFFF80, s9  }
0x27f: {  	s2 =	sor.u32 $0x3E00, s2;
	s9 =	sadd.s32 s4, s9  }
0x280: {  	[tilespmem:s2], [sflag:s1] =	stream.linear.gather [hbm4b:s9+s3], $0x400, $0x38;
	[tilespmem:$0x18280] =	vst v63  }
.LBB2_6:
0x281: {  	_ =	sfence.sel $0x180000  }
0x282: {  	[bflag:$0x0] =	sbarrier.arrive $0xFFFF  }
0x283: {  	_ =	strace $0x90000047  }
0x284: {  	s0 =	stileid.u32;
	[bflag:$0x2] =	sbarrier.arrive $0xFFFF  }
0x285: {  	p0 =	sne.s32 s0, $0x0;
	s0 =	rddreg [dreg:$0x3]  }
0x286: {  	s0 =	sadd.s32 @!p0 $0x100000, s0  }
0x287: {  	[sflag:s0] =	ssyncadd.tile.s32 @!p0 $0x1;
	_ =	shalt  }
.Lfunc_end2:
_tile_overlayer_lowered:
.L_overlay_start_2:
0x288: {  	(tag) =	ssettag $0x2  }
0x289: {  	s0 =	rddreg [dreg:$0x0];
	s2 =	stileid.u32  }
0x28a: {  	s1 =	rddreg [dreg:$0x1];
	p0 =	sne.s32 s2, $0x0  }
0x28b: {  	s3 =	rddreg [dreg:$0x2];
	[bflag:$0x3] =	sbarrier.arrive $0xFFFF;
	s2 =	simm.s32 @!p0 $0x1C03  }
0x28c: {  	[timem:s3], [sflag:s2] =	dma.local @!p0 [hbm:s0], s1  }
0x28d: {  	s0 =	simm.s32 @!p0 $0x3  }
0x28e: {  	_ =	swait.ge @!p0 [sflag:s0], s1  }
0x28f: {  	s1 =	ssub.s32 @!p0 $0x0, s1;
	[sflag:s0] =	ssyncset.done @!p0 $0x0  }
0x290: {  	[sflag:s0] =	ssyncadd.s32 @!p0 s1  }
0x291: {  	[bflag:$0x3] =	sbarrier.arrive $0xFFFF  }
0x292: {  	_ =	shalt  }

</sc_bundles>
